<compile_context>
chip_gen: v7x
topology: tpu7x:2x2x1
jax: 0.10.2.dev20260603
libtpu: 0.0.44.dev20260713+nightly
codegen_flags: <defaults>
</compile_context>

<pallas_src>
import functools

import jax
import jax.numpy as jnp
from jax import lax
from jax.experimental import pallas as pl
from jax.experimental.pallas import tpu as pltpu
from jax.experimental.pallas import tpu_sc as plsc

_D = 128
_DW = _D // 2
_NC = 2
_NS = 16
_NW = _NC * _NS
_CH = 80


def _tc_transform_body(dk_ref, x_ref, g_ref, o_ref):
    x = x_ref[...] * dk_ref[...]
    z = jnp.dot(x, g_ref[...], preferred_element_type=jnp.float32)
    o_ref[...] = z * dk_ref[...]


def _transform_rows(x, g, dk):
    n = x.shape[0]
    blk = 1000
    assert n % blk == 0
    return pl.pallas_call(
        _tc_transform_body,
        grid=(n // blk,),
        in_specs=[
            pl.BlockSpec((1, _D), lambda i: (0, 0)),
            pl.BlockSpec((blk, _D), lambda i: (i, 0)),
            pl.BlockSpec((_D, _D), lambda i: (0, 0)),
        ],
        out_specs=pl.BlockSpec((blk, _D), lambda i: (i, 0)),
        out_shape=jax.ShapeDtypeStruct((n, _D), jnp.float32),
    )(dk.reshape(1, _D), x, g)


def _sc_decode(zp, cp, er, ec):
    e_total = er.shape[0]
    assert e_total % (_NW * _CH) == 0
    epw = e_total // _NW
    nchunks = epw // _CH
    assert nchunks % 2 == 1
    mesh = plsc.VectorSubcoreMesh(core_axis_name="c", subcore_axis_name="s")

    @functools.partial(
        pl.kernel,
        mesh=mesh,
        compiler_params=pltpu.CompilerParams(needs_layout_passes=False),
        out_type=jax.ShapeDtypeStruct((e_total,), jnp.float32),
        scratch_types=[
            pltpu.VMEM((epw,), jnp.int32),
            pltpu.VMEM((epw,), jnp.int32),
            pltpu.VMEM((_CH, _D), jnp.float32),
            pltpu.VMEM((_CH, _D), jnp.float32),
            pltpu.VMEM((_CH, _D), jnp.float32),
            pltpu.VMEM((_CH, _D), jnp.float32),
            pltpu.VMEM((epw,), jnp.float32),
            pltpu.SemaphoreType.DMA,
            pltpu.SemaphoreType.DMA,
            pltpu.SemaphoreType.DMA,
            pltpu.SemaphoreType.DMA,
        ],
    )
    def k(z_hbm, c_hbm, er_hbm, ec_hbm, out_hbm,
          ir_v, ic_v, r0, r1, c0, c1, o_v, sr0, sr1, sc0, sc1):
        rbuf = (r0, r1)
        cbuf = (c0, c1)
        srs = (sr0, sr1)
        scs = (sc0, sc1)
        wid = lax.axis_index("s") * _NC + lax.axis_index("c")
        base = pl.multiple_of(wid * epw, 8)
        pltpu.sync_copy(er_hbm.at[pl.ds(base, epw)], ir_v)
        pltpu.sync_copy(ec_hbm.at[pl.ds(base, epw)], ic_v)

        lanes = lax.iota(jnp.int32, 16)

        def copies(ci, slot):
            off = pl.multiple_of(ci * _CH, 8)
            cr = pltpu.make_async_copy(
                z_hbm.at[ir_v.at[pl.ds(off, _CH)]], rbuf[slot], srs[slot])
            cc = pltpu.make_async_copy(
                c_hbm.at[ic_v.at[pl.ds(off, _CH)]], cbuf[slot], scs[slot])
            return cr, cc

        def start(ci, slot):
            cr, cc = copies(ci, slot)
            cr.start()
            cc.start()

        def wait(ci, slot):
            cr, cc = copies(ci, slot)
            cr.wait()
            cc.wait()

        def compute(ci, slot):
            rb = rbuf[slot]
            cb = cbuf[slot]
            off = pl.multiple_of(ci * _CH, 8)

            mask = lanes < 4

            @plsc.parallel_loop(0, _CH // 4, unroll=2)
            def _(t):
                e0 = t * 4
                ss = []
                for u in range(4):
                    acc0 = rb[e0 + u, pl.ds(0, 16)] * cb[e0 + u, pl.ds(0, 16)]
                    acc1 = rb[e0 + u, pl.ds(16, 16)] * cb[e0 + u, pl.ds(16, 16)]
                    for kk in range(2, _D // 16):
                        seg = rb[e0 + u, pl.ds(kk * 16, 16)]
                        seg = seg * cb[e0 + u, pl.ds(kk * 16, 16)]
                        if kk % 2 == 0:
                            acc0 = acc0 + seg
                        else:
                            acc1 = acc1 + seg
                    ss.append(jnp.sum(acc0 + acc1))
                vals = jnp.where(
                    lanes == 0, ss[0],
                    jnp.where(lanes == 1, ss[1],
                              jnp.where(lanes == 2, ss[2], ss[3])))
                plsc.store_scatter(o_v, [off + e0 + lanes], vals, mask=mask)

        start(0, 0)

        def body(p, carry):
            ci = p * 2
            start(ci + 1, 1)
            wait(ci, 0)
            compute(ci, 0)
            start(ci + 2, 0)
            wait(ci + 1, 1)
            compute(ci + 1, 1)
            return carry

        lax.fori_loop(0, (nchunks - 1) // 2, body, 0)
        wait(nchunks - 1, 0)
        compute(nchunks - 1, 0)
        pltpu.sync_copy(o_v, out_hbm.at[pl.ds(base, epw)])

    return k(zp, cp, er, ec)


def kernel(rt_k, edges_row, edges_col, embeds_row, embeds_col, global_mat,
           local_diag):
    dk = lax.dynamic_index_in_dim(local_diag, rt_k, axis=0, keepdims=False)
    z = _transform_rows(embeds_row, global_mat, dk)
    er = edges_row.astype(jnp.int32)
    ec = edges_col.astype(jnp.int32)
    return _sc_decode(z, embeds_col, er, ec)

# --- scband reference (transcript-rebuilt; emitter-appended) ---
"""Pipeline reference for scband-tddecoder-36739150250374 (READ-ONLY COPY).

The authoritative reference and input builder live on the scoring server;
editing this copy changes nothing except your own understanding.
"""

import jax, jax.numpy as jnp
import numpy as np

N_ROW = 10000
N_COL = 10000
E = 320000
D = 128
RT_NUM = 4


def setup_inputs(seed: int = 0) -> dict:
    key = jax.random.key(seed)
    k1, k2, k3, k4, k5, k6 = jax.random.split(key, 6)
    embeds_row = jax.random.normal(k1, (N_ROW, D), dtype=jnp.float32)
    embeds_col = jax.random.normal(k2, (N_COL, D), dtype=jnp.float32)
    edges_row = jax.random.randint(k3, (E,), 0, N_ROW)
    edges_col = jax.random.randint(k4, (E,), 0, N_COL)
    # DEDICOMLayer learned parameters: shared global interaction matrix R [D, D]
    # and per-relation-subtype local diagonal factors local_diag [RT_NUM, D]
    global_mat = jax.random.normal(k5, (D, D), dtype=jnp.float32) / np.sqrt(D)
    local_diag = jax.random.uniform(k6, (RT_NUM, D), dtype=jnp.float32)
    return {
        "rt_k": 0,
        "edges_row": edges_row,
        "edges_col": edges_col,
        "embeds_row": embeds_row,
        "embeds_col": embeds_col,
        "global_mat": global_mat,
        "local_diag": local_diag,
    }


def reference(rt_k, edges_row, edges_col, embeds_row, embeds_col, global_mat, local_diag):
    # TDDecoder.forward: gather node embeddings for each edge endpoint
    edges_embeds_row = jnp.take(embeds_row, edges_row, axis=0)  # [E, D]
    edges_embeds_col = jnp.take(embeds_col, edges_col, axis=0)  # [E, D]
    # DEDICOMLayer: score_e = x_row diag(d_k) R diag(d_k) x_col^T per edge
    dk = local_diag[rt_k]                       # [D]
    tmp = (edges_embeds_row * dk) @ global_mat  # [E, D]
    tmp = tmp * dk                              # [E, D]
    preds = jnp.sum(tmp * edges_embeds_col, axis=1)  # [E]
    return preds

if __name__ == "__main__":
    import jax
    _d = setup_inputs()
    print(jax.jit(kernel)(*tuple(_d.values())))

</pallas_src>

<mosaic_0001>
#map = affine_map<(d0, d1) -> (0, 0)>
#map1 = affine_map<(d0, d1) -> (0)>
module attributes {stable_mosaic.version = 14 : i64} {
  func.func @k(%arg0: i32, %arg1: i32, %arg2: memref<10000x128xf32, #tpu.memory_space<hbm>>, %arg3: memref<10000x128xf32, #tpu.memory_space<hbm>>, %arg4: memref<320000xi32, #tpu.memory_space<hbm>>, %arg5: memref<320000xi32, #tpu.memory_space<hbm>>, %arg6: memref<320000xf32, #tpu.memory_space<hbm>>, %arg7: memref<10000xi32, #tpu.memory_space<vmem>>, %arg8: memref<10000xi32, #tpu.memory_space<vmem>>, %arg9: memref<80x128xf32, #tpu.memory_space<vmem>>, %arg10: memref<80x128xf32, #tpu.memory_space<vmem>>, %arg11: memref<80x128xf32, #tpu.memory_space<vmem>>, %arg12: memref<80x128xf32, #tpu.memory_space<vmem>>, %arg13: memref<10000xf32, #tpu.memory_space<vmem>>, %arg14: memref<!tpu.dma_semaphore, #tpu.memory_space<semaphore_mem>>, %arg15: memref<!tpu.dma_semaphore, #tpu.memory_space<semaphore_mem>>, %arg16: memref<!tpu.dma_semaphore, #tpu.memory_space<semaphore_mem>>, %arg17: memref<!tpu.dma_semaphore, #tpu.memory_space<semaphore_mem>>) attributes {dimension_semantics = [#tpu.dimension_semantics<core_parallel>, #tpu.dimension_semantics<subcore_parallel>], iteration_bounds = array<i64: 2, 16>, scalar_prefetch = 0 : i64, scratch_operands = 11 : i64, tpu.core_type = #tpu.core_type<sc_vector_subcore>, window_params = [{transform_indices = #map}, {transform_indices = #map}, {transform_indices = #map1}, {transform_indices = #map1}, {transform_indices = #map1}]} {
    %mul3A = arith.constant 2 : i32
    %mul3A_0 = arith.muli %arg1, %mul3A : i32
    %add3A = arith.addi %mul3A_0, %arg0 : i32
    %mul3A_1 = arith.constant 10000 : i32
    %mul3A_2 = arith.muli %add3A, %mul3A_1 : i32
    %multiple_of3A = tpu.assume_multiple %mul3A_2, 8 : i32
    "tpu.region"() ({
      %run_scoped3A = tpu.sem_alloc : memref<!tpu.dma_semaphore, #tpu.memory_space<semaphore_mem>>
      %dma_start3A_32 = tpu.memref_slice %arg4[%multiple_of3A] : memref<320000xi32, #tpu.memory_space<hbm>> -> memref<10000xi32, #tpu.memory_space<hbm>>
      %dma_start3A_33 = tpu.memref_slice %arg4[%multiple_of3A] : memref<320000xi32, #tpu.memory_space<hbm>> -> memref<10000xi32, #tpu.memory_space<hbm>>
      tpu.enqueue_dma source(%dma_start3A_33 : memref<10000xi32, #tpu.memory_space<hbm>>) target(%arg7 : memref<10000xi32, #tpu.memory_space<vmem>>) target_semaphore(%run_scoped3A : memref<!tpu.dma_semaphore, #tpu.memory_space<semaphore_mem>>)
      %dma_wait3A_34 = tpu.memref_slice %arg4[%multiple_of3A] : memref<320000xi32, #tpu.memory_space<hbm>> -> memref<10000xi32, #tpu.memory_space<hbm>>
      %dma_wait3A_35 = tpu.memref_slice %arg4[%multiple_of3A] : memref<320000xi32, #tpu.memory_space<hbm>> -> memref<10000xi32, #tpu.memory_space<hbm>>
      tpu.wait_dma2 semaphore(%run_scoped3A : memref<!tpu.dma_semaphore, #tpu.memory_space<semaphore_mem>>) src(%dma_wait3A_35 : memref<10000xi32, #tpu.memory_space<hbm>>) dst(%arg7 : memref<10000xi32, #tpu.memory_space<vmem>>)
      tpu.yield
    }) : () -> ()
    "tpu.region"() ({
      %run_scoped3A = tpu.sem_alloc : memref<!tpu.dma_semaphore, #tpu.memory_space<semaphore_mem>>
      %dma_start3A_32 = tpu.memref_slice %arg5[%multiple_of3A] : memref<320000xi32, #tpu.memory_space<hbm>> -> memref<10000xi32, #tpu.memory_space<hbm>>
      %dma_start3A_33 = tpu.memref_slice %arg5[%multiple_of3A] : memref<320000xi32, #tpu.memory_space<hbm>> -> memref<10000xi32, #tpu.memory_space<hbm>>
      tpu.enqueue_dma source(%dma_start3A_33 : memref<10000xi32, #tpu.memory_space<hbm>>) target(%arg8 : memref<10000xi32, #tpu.memory_space<vmem>>) target_semaphore(%run_scoped3A : memref<!tpu.dma_semaphore, #tpu.memory_space<semaphore_mem>>)
      %dma_wait3A_34 = tpu.memref_slice %arg5[%multiple_of3A] : memref<320000xi32, #tpu.memory_space<hbm>> -> memref<10000xi32, #tpu.memory_space<hbm>>
      %dma_wait3A_35 = tpu.memref_slice %arg5[%multiple_of3A] : memref<320000xi32, #tpu.memory_space<hbm>> -> memref<10000xi32, #tpu.memory_space<hbm>>
      tpu.wait_dma2 semaphore(%run_scoped3A : memref<!tpu.dma_semaphore, #tpu.memory_space<semaphore_mem>>) src(%dma_wait3A_35 : memref<10000xi32, #tpu.memory_space<hbm>>) dst(%arg8 : memref<10000xi32, #tpu.memory_space<vmem>>)
      tpu.yield
    }) : () -> ()
    %iota3A = tpu.iota {dimensions = array<i32: 0>} : vector<16xi32>
    %multiple_of3A_3 = arith.constant 0 : i32
    %multiple_of3A_4 = tpu.assume_multiple %multiple_of3A_3, 8 : i32
    %dma_start3A = tpu.memref_slice %arg7[%multiple_of3A_4] : memref<10000xi32, #tpu.memory_space<vmem>> -> memref<80xi32, #tpu.memory_space<vmem>>
    %dma_start3A_5 = arith.constant 0 : i32
    %dma_start3A_6 = arith.constant 0 : i32
    %dma_start3A_7 = tpu.memref_slice %arg2[%dma_start3A_5, %dma_start3A_6] : memref<10000x128xf32, #tpu.memory_space<hbm>> -> memref<10000x128xf32, #tpu.memory_space<hbm>>
    tpu.enqueue_indirect_dma source(%dma_start3A_7 : memref<10000x128xf32, #tpu.memory_space<hbm>>) target(%arg9 : memref<80x128xf32, #tpu.memory_space<vmem>>) offsets(%dma_start3A : memref<80xi32, #tpu.memory_space<vmem>>) semaphore(%arg14 : memref<!tpu.dma_semaphore, #tpu.memory_space<semaphore_mem>>)
    %dma_start3A_8 = tpu.memref_slice %arg8[%multiple_of3A_4] : memref<10000xi32, #tpu.memory_space<vmem>> -> memref<80xi32, #tpu.memory_space<vmem>>
    %dma_start3A_9 = arith.constant 0 : i32
    %dma_start3A_10 = arith.constant 0 : i32
    %dma_start3A_11 = tpu.memref_slice %arg3[%dma_start3A_9, %dma_start3A_10] : memref<10000x128xf32, #tpu.memory_space<hbm>> -> memref<10000x128xf32, #tpu.memory_space<hbm>>
    tpu.enqueue_indirect_dma source(%dma_start3A_11 : memref<10000x128xf32, #tpu.memory_space<hbm>>) target(%arg11 : memref<80x128xf32, #tpu.memory_space<vmem>>) offsets(%dma_start3A_8 : memref<80xi32, #tpu.memory_space<vmem>>) semaphore(%arg16 : memref<!tpu.dma_semaphore, #tpu.memory_space<semaphore_mem>>)
    %scan3A = arith.constant 0 : i32
    %scan3A_12 = arith.constant 0 : i32
    %scan3A_13 = arith.constant 62 : i32
    %scan3A_14 = arith.addi %scan3A_12, %scan3A_13 : i32
    %scan3A_15 = arith.constant 1 : i32
    scf.for %scan3A_32 = %scan3A_12 to %scan3A_14 step %scan3A_15  : i32 {
      %mul3A_33 = arith.constant 2 : i32
      %mul3A_34 = arith.muli %scan3A_32, %mul3A_33 : i32
      %add3A_35 = arith.constant 1 : i32
      %add3A_36 = arith.addi %mul3A_34, %add3A_35 : i32
      %mul3A_37 = arith.constant 80 : i32
      %mul3A_38 = arith.muli %add3A_36, %mul3A_37 : i32
      %multiple_of3A_39 = tpu.assume_multiple %mul3A_38, 8 : i32
      %dma_start3A_40 = tpu.memref_slice %arg7[%multiple_of3A_39] : memref<10000xi32, #tpu.memory_space<vmem>> -> memref<80xi32, #tpu.memory_space<vmem>>
      %dma_start3A_41 = arith.constant 0 : i32
      %dma_start3A_42 = arith.constant 0 : i32
      %dma_start3A_43 = tpu.memref_slice %arg2[%dma_start3A_41, %dma_start3A_42] : memref<10000x128xf32, #tpu.memory_space<hbm>> -> memref<10000x128xf32, #tpu.memory_space<hbm>>
      tpu.enqueue_indirect_dma source(%dma_start3A_43 : memref<10000x128xf32, #tpu.memory_space<hbm>>) target(%arg10 : memref<80x128xf32, #tpu.memory_space<vmem>>) offsets(%dma_start3A_40 : memref<80xi32, #tpu.memory_space<vmem>>) semaphore(%arg15 : memref<!tpu.dma_semaphore, #tpu.memory_space<semaphore_mem>>)
      %dma_start3A_44 = tpu.memref_slice %arg8[%multiple_of3A_39] : memref<10000xi32, #tpu.memory_space<vmem>> -> memref<80xi32, #tpu.memory_space<vmem>>
      %dma_start3A_45 = arith.constant 0 : i32
      %dma_start3A_46 = arith.constant 0 : i32
      %dma_start3A_47 = tpu.memref_slice %arg3[%dma_start3A_45, %dma_start3A_46] : memref<10000x128xf32, #tpu.memory_space<hbm>> -> memref<10000x128xf32, #tpu.memory_space<hbm>>
      tpu.enqueue_indirect_dma source(%dma_start3A_47 : memref<10000x128xf32, #tpu.memory_space<hbm>>) target(%arg12 : memref<80x128xf32, #tpu.memory_space<vmem>>) offsets(%dma_start3A_44 : memref<80xi32, #tpu.memory_space<vmem>>) semaphore(%arg17 : memref<!tpu.dma_semaphore, #tpu.memory_space<semaphore_mem>>)
      %mul3A_48 = arith.constant 80 : i32
      %mul3A_49 = arith.muli %mul3A_34, %mul3A_48 : i32
      %multiple_of3A_50 = tpu.assume_multiple %mul3A_49, 8 : i32
      %dma_wait3A_51 = tpu.memref_slice %arg7[%multiple_of3A_50] : memref<10000xi32, #tpu.memory_space<vmem>> -> memref<80xi32, #tpu.memory_space<vmem>>
      %dma_wait3A_52 = arith.constant 0 : i32
      %dma_wait3A_53 = arith.constant 0 : i32
      %dma_wait3A_54 = tpu.memref_slice %arg2[%dma_wait3A_52, %dma_wait3A_53] : memref<10000x128xf32, #tpu.memory_space<hbm>> -> memref<10000x128xf32, #tpu.memory_space<hbm>>
      tpu.wait_indirect_dma semaphore(%arg14 : memref<!tpu.dma_semaphore, #tpu.memory_space<semaphore_mem>>) src(%dma_wait3A_54 : memref<10000x128xf32, #tpu.memory_space<hbm>>) dst(%arg9 : memref<80x128xf32, #tpu.memory_space<vmem>>)
      %dma_wait3A_55 = tpu.memref_slice %arg8[%multiple_of3A_50] : memref<10000xi32, #tpu.memory_space<vmem>> -> memref<80xi32, #tpu.memory_space<vmem>>
      %dma_wait3A_56 = arith.constant 0 : i32
      %dma_wait3A_57 = arith.constant 0 : i32
      %dma_wait3A_58 = tpu.memref_slice %arg3[%dma_wait3A_56, %dma_wait3A_57] : memref<10000x128xf32, #tpu.memory_space<hbm>> -> memref<10000x128xf32, #tpu.memory_space<hbm>>
      tpu.wait_indirect_dma semaphore(%arg16 : memref<!tpu.dma_semaphore, #tpu.memory_space<semaphore_mem>>) src(%dma_wait3A_58 : memref<10000x128xf32, #tpu.memory_space<hbm>>) dst(%arg11 : memref<80x128xf32, #tpu.memory_space<vmem>>)
      %mul3A_59 = arith.constant 80 : i32
      %mul3A_60 = arith.muli %mul3A_34, %mul3A_59 : i32
      %multiple_of3A_61 = tpu.assume_multiple %mul3A_60, 8 : i32
      %lt3A_62 = arith.constant 4 : i32
      %lt3A_63 = vector.broadcast %lt3A_62 : i32 to vector<16xi32>
      %lt3A_64 = arith.cmpi slt, %iota3A, %lt3A_63 : vector<16xi32>
      %parallel_loop3A_65 = arith.constant 0 : i32
      %parallel_loop3A_66 = arith.constant 20 : i32
      %parallel_loop3A_67 = arith.constant 1 : i32
      scf.for %parallel_loop3A_105 = %parallel_loop3A_65 to %parallel_loop3A_66 step %parallel_loop3A_67  : i32 {
        %parallel_loop3A_106 = arith.constant 4 : i32
        %parallel_loop3A_107 = arith.muli %parallel_loop3A_105, %parallel_loop3A_106 : i32
        %parallel_loop3A_108 = arith.constant 0 : i32
        %parallel_loop3A_109 = arith.addi %parallel_loop3A_107, %parallel_loop3A_108 : i32
        %parallel_loop3A_110 = arith.index_cast %parallel_loop3A_109 : i32 to index
        %parallel_loop3A_111 = arith.constant 0 : index
        %parallel_loop3A_112 = tpu.vector_load %arg9[%parallel_loop3A_110, %parallel_loop3A_111] {strides = array<i32>} : memref<80x128xf32, #tpu.memory_space<vmem>>, vector<16xf32>,
        %parallel_loop3A_113 = arith.constant 0 : i32
        %parallel_loop3A_114 = arith.addi %parallel_loop3A_107, %parallel_loop3A_113 : i32
        %parallel_loop3A_115 = arith.index_cast %parallel_loop3A_114 : i32 to index
        %parallel_loop3A_116 = arith.constant 0 : index
        %parallel_loop3A_117 = tpu.vector_load %arg11[%parallel_loop3A_115, %parallel_loop3A_116] {strides = array<i32>} : memref<80x128xf32, #tpu.memory_space<vmem>>, vector<16xf32>,
        %parallel_loop3A_118 = arith.mulf %parallel_loop3A_112, %parallel_loop3A_117 : vector<16xf32>
        %parallel_loop3A_119 = arith.constant 0 : i32
        %parallel_loop3A_120 = arith.addi %parallel_loop3A_107, %parallel_loop3A_119 : i32
        %parallel_loop3A_121 = arith.index_cast %parallel_loop3A_120 : i32 to index
        %parallel_loop3A_122 = arith.constant 16 : index
        %parallel_loop3A_123 = tpu.vector_load %arg9[%parallel_loop3A_121, %parallel_loop3A_122] {strides = array<i32>} : memref<80x128xf32, #tpu.memory_space<vmem>>, vector<16xf32>,
        %parallel_loop3A_124 = arith.constant 0 : i32
        %parallel_loop3A_125 = arith.addi %parallel_loop3A_107, %parallel_loop3A_124 : i32
        %parallel_loop3A_126 = arith.index_cast %parallel_loop3A_125 : i32 to index
        %parallel_loop3A_127 = arith.constant 16 : index
        %parallel_loop3A_128 = tpu.vector_load %arg11[%parallel_loop3A_126, %parallel_loop3A_127] {strides = array<i32>} : memref<80x128xf32, #tpu.memory_space<vmem>>, vector<16xf32>,
        %parallel_loop3A_129 = arith.mulf %parallel_loop3A_123, %parallel_loop3A_128 : vector<16xf32>
        %parallel_loop3A_130 = arith.constant 0 : i32
        %parallel_loop3A_131 = arith.addi %parallel_loop3A_107, %parallel_loop3A_130 : i32
        %parallel_loop3A_132 = arith.index_cast %parallel_loop3A_131 : i32 to index
        %parallel_loop3A_133 = arith.constant 32 : index
        %parallel_loop3A_134 = tpu.vector_load %arg9[%parallel_loop3A_132, %parallel_loop3A_133] {strides = array<i32>} : memref<80x128xf32, #tpu.memory_space<vmem>>, vector<16xf32>,
        %parallel_loop3A_135 = arith.constant 0 : i32
        %parallel_loop3A_136 = arith.addi %parallel_loop3A_107, %parallel_loop3A_135 : i32
        %parallel_loop3A_137 = arith.index_cast %parallel_loop3A_136 : i32 to index
        %parallel_loop3A_138 = arith.constant 32 : index
        %parallel_loop3A_139 = tpu.vector_load %arg11[%parallel_loop3A_137, %parallel_loop3A_138] {strides = array<i32>} : memref<80x128xf32, #tpu.memory_space<vmem>>, vector<16xf32>,
        %parallel_loop3A_140 = arith.mulf %parallel_loop3A_134, %parallel_loop3A_139 : vector<16xf32>
        %parallel_loop3A_141 = arith.addf %parallel_loop3A_118, %parallel_loop3A_140 : vector<16xf32>
        %parallel_loop3A_142 = arith.constant 0 : i32
        %parallel_loop3A_143 = arith.addi %parallel_loop3A_107, %parallel_loop3A_142 : i32
        %parallel_loop3A_144 = arith.index_cast %parallel_loop3A_143 : i32 to index
        %parallel_loop3A_145 = arith.constant 48 : index
        %parallel_loop3A_146 = tpu.vector_load %arg9[%parallel_loop3A_144, %parallel_loop3A_145] {strides = array<i32>} : memref<80x128xf32, #tpu.memory_space<vmem>>, vector<16xf32>,
        %parallel_loop3A_147 = arith.constant 0 : i32
        %parallel_loop3A_148 = arith.addi %parallel_loop3A_107, %parallel_loop3A_147 : i32
        %parallel_loop3A_149 = arith.index_cast %parallel_loop3A_148 : i32 to index
        %parallel_loop3A_150 = arith.constant 48 : index
        %parallel_loop3A_151 = tpu.vector_load %arg11[%parallel_loop3A_149, %parallel_loop3A_150] {strides = array<i32>} : memref<80x128xf32, #tpu.memory_space<vmem>>, vector<16xf32>,
        %parallel_loop3A_152 = arith.mulf %parallel_loop3A_146, %parallel_loop3A_151 : vector<16xf32>
        %parallel_loop3A_153 = arith.addf %parallel_loop3A_129, %parallel_loop3A_152 : vector<16xf32>
        %parallel_loop3A_154 = arith.constant 0 : i32
        %parallel_loop3A_155 = arith.addi %parallel_loop3A_107, %parallel_loop3A_154 : i32
        %parallel_loop3A_156 = arith.index_cast %parallel_loop3A_155 : i32 to index
        %parallel_loop3A_157 = arith.constant 64 : index
        %parallel_loop3A_158 = tpu.vector_load %arg9[%parallel_loop3A_156, %parallel_loop3A_157] {strides = array<i32>} : memref<80x128xf32, #tpu.memory_space<vmem>>, vector<16xf32>,
        %parallel_loop3A_159 = arith.constant 0 : i32
        %parallel_loop3A_160 = arith.addi %parallel_loop3A_107, %parallel_loop3A_159 : i32
        %parallel_loop3A_161 = arith.index_cast %parallel_loop3A_160 : i32 to index
        %parallel_loop3A_162 = arith.constant 64 : index
        %parallel_loop3A_163 = tpu.vector_load %arg11[%parallel_loop3A_161, %parallel_loop3A_162] {strides = array<i32>} : memref<80x128xf32, #tpu.memory_space<vmem>>, vector<16xf32>,
        %parallel_loop3A_164 = arith.mulf %parallel_loop3A_158, %parallel_loop3A_163 : vector<16xf32>
        %parallel_loop3A_165 = arith.addf %parallel_loop3A_141, %parallel_loop3A_164 : vector<16xf32>
        %parallel_loop3A_166 = arith.constant 0 : i32
        %parallel_loop3A_167 = arith.addi %parallel_loop3A_107, %parallel_loop3A_166 : i32
        %parallel_loop3A_168 = arith.index_cast %parallel_loop3A_167 : i32 to index
        %parallel_loop3A_169 = arith.constant 80 : index
        %parallel_loop3A_170 = tpu.vector_load %arg9[%parallel_loop3A_168, %parallel_loop3A_169] {strides = array<i32>} : memref<80x128xf32, #tpu.memory_space<vmem>>, vector<16xf32>,
        %parallel_loop3A_171 = arith.constant 0 : i32
        %parallel_loop3A_172 = arith.addi %parallel_loop3A_107, %parallel_loop3A_171 : i32
        %parallel_loop3A_173 = arith.index_cast %parallel_loop3A_172 : i32 to index
        %parallel_loop3A_174 = arith.constant 80 : index
        %parallel_loop3A_175 = tpu.vector_load %arg11[%parallel_loop3A_173, %parallel_loop3A_174] {strides = array<i32>} : memref<80x128xf32, #tpu.memory_space<vmem>>, vector<16xf32>,
        %parallel_loop3A_176 = arith.mulf %parallel_loop3A_170, %parallel_loop3A_175 : vector<16xf32>
        %parallel_loop3A_177 = arith.addf %parallel_loop3A_153, %parallel_loop3A_176 : vector<16xf32>
        %parallel_loop3A_178 = arith.constant 0 : i32
        %parallel_loop3A_179 = arith.addi %parallel_loop3A_107, %parallel_loop3A_178 : i32
        %parallel_loop3A_180 = arith.index_cast %parallel_loop3A_179 : i32 to index
        %parallel_loop3A_181 = arith.constant 96 : index
        %parallel_loop3A_182 = tpu.vector_load %arg9[%parallel_loop3A_180, %parallel_loop3A_181] {strides = array<i32>} : memref<80x128xf32, #tpu.memory_space<vmem>>, vector<16xf32>,
        %parallel_loop3A_183 = arith.constant 0 : i32
        %parallel_loop3A_184 = arith.addi %parallel_loop3A_107, %parallel_loop3A_183 : i32
        %parallel_loop3A_185 = arith.index_cast %parallel_loop3A_184 : i32 to index
        %parallel_loop3A_186 = arith.constant 96 : index
        %parallel_loop3A_187 = tpu.vector_load %arg11[%parallel_loop3A_185, %parallel_loop3A_186] {strides = array<i32>} : memref<80x128xf32, #tpu.memory_space<vmem>>, vector<16xf32>,
        %parallel_loop3A_188 = arith.mulf %parallel_loop3A_182, %parallel_loop3A_187 : vector<16xf32>
        %parallel_loop3A_189 = arith.addf %parallel_loop3A_165, %parallel_loop3A_188 : vector<16xf32>
        %parallel_loop3A_190 = arith.constant 0 : i32
        %parallel_loop3A_191 = arith.addi %parallel_loop3A_107, %parallel_loop3A_190 : i32
        %parallel_loop3A_192 = arith.index_cast %parallel_loop3A_191 : i32 to index
        %parallel_loop3A_193 = arith.constant 112 : index
        %parallel_loop3A_194 = tpu.vector_load %arg9[%parallel_loop3A_192, %parallel_loop3A_193] {strides = array<i32>} : memref<80x128xf32, #tpu.memory_space<vmem>>, vector<16xf32>,
        %parallel_loop3A_195 = arith.constant 0 : i32
        %parallel_loop3A_196 = arith.addi %parallel_loop3A_107, %parallel_loop3A_195 : i32
        %parallel_loop3A_197 = arith.index_cast %parallel_loop3A_196 : i32 to index
        %parallel_loop3A_198 = arith.constant 112 : index
        %parallel_loop3A_199 = tpu.vector_load %arg11[%parallel_loop3A_197, %parallel_loop3A_198] {strides = array<i32>} : memref<80x128xf32, #tpu.memory_space<vmem>>, vector<16xf32>,
        %parallel_loop3A_200 = arith.mulf %parallel_loop3A_194, %parallel_loop3A_199 : vector<16xf32>
        %parallel_loop3A_201 = arith.addf %parallel_loop3A_177, %parallel_loop3A_200 : vector<16xf32>
        %parallel_loop3A_202 = arith.addf %parallel_loop3A_189, %parallel_loop3A_201 : vector<16xf32>
        %parallel_loop3A_203 = arith.constant true
        %parallel_loop3A_204 = vector.broadcast %parallel_loop3A_203 : i1 to vector<16xi1>
        %parallel_loop3A_205 = tpu.scan <sum>, %parallel_loop3A_202 masked %parallel_loop3A_204 : vector<16xf32>, vector<16xi1> -> vector<16xf32>
        %parallel_loop3A_206 = vector.extract %parallel_loop3A_205[15] : f32 from vector<16xf32>
        %parallel_loop3A_207 = arith.constant 1 : i32
        %parallel_loop3A_208 = arith.addi %parallel_loop3A_107, %parallel_loop3A_207 : i32
        %parallel_loop3A_209 = arith.index_cast %parallel_loop3A_208 : i32 to index
        %parallel_loop3A_210 = arith.constant 0 : index
        %parallel_loop3A_211 = tpu.vector_load %arg9[%parallel_loop3A_209, %parallel_loop3A_210] {strides = array<i32>} : memref<80x128xf32, #tpu.memory_space<vmem>>, vector<16xf32>,
        %parallel_loop3A_212 = arith.constant 1 : i32
        %parallel_loop3A_213 = arith.addi %parallel_loop3A_107, %parallel_loop3A_212 : i32
        %parallel_loop3A_214 = arith.index_cast %parallel_loop3A_213 : i32 to index
        %parallel_loop3A_215 = arith.constant 0 : index
        %parallel_loop3A_216 = tpu.vector_load %arg11[%parallel_loop3A_214, %parallel_loop3A_215] {strides = array<i32>} : memref<80x128xf32, #tpu.memory_space<vmem>>, vector<16xf32>,
        %parallel_loop3A_217 = arith.mulf %parallel_loop3A_211, %parallel_loop3A_216 : vector<16xf32>
        %parallel_loop3A_218 = arith.constant 1 : i32
        %parallel_loop3A_219 = arith.addi %parallel_loop3A_107, %parallel_loop3A_218 : i32
        %parallel_loop3A_220 = arith.index_cast %parallel_loop3A_219 : i32 to index
        %parallel_loop3A_221 = arith.constant 16 : index
        %parallel_loop3A_222 = tpu.vector_load %arg9[%parallel_loop3A_220, %parallel_loop3A_221] {strides = array<i32>} : memref<80x128xf32, #tpu.memory_space<vmem>>, vector<16xf32>,
        %parallel_loop3A_223 = arith.constant 1 : i32
        %parallel_loop3A_224 = arith.addi %parallel_loop3A_107, %parallel_loop3A_223 : i32
        %parallel_loop3A_225 = arith.index_cast %parallel_loop3A_224 : i32 to index
        %parallel_loop3A_226 = arith.constant 16 : index
        %parallel_loop3A_227 = tpu.vector_load %arg11[%parallel_loop3A_225, %parallel_loop3A_226] {strides = array<i32>} : memref<80x128xf32, #tpu.memory_space<vmem>>, vector<16xf32>,
        %parallel_loop3A_228 = arith.mulf %parallel_loop3A_222, %parallel_loop3A_227 : vector<16xf32>
        %parallel_loop3A_229 = arith.constant 1 : i32
        %parallel_loop3A_230 = arith.addi %parallel_loop3A_107, %parallel_loop3A_229 : i32
        %parallel_loop3A_231 = arith.index_cast %parallel_loop3A_230 : i32 to index
        %parallel_loop3A_232 = arith.constant 32 : index
        %parallel_loop3A_233 = tpu.vector_load %arg9[%parallel_loop3A_231, %parallel_loop3A_232] {strides = array<i32>} : memref<80x128xf32, #tpu.memory_space<vmem>>, vector<16xf32>,
        %parallel_loop3A_234 = arith.constant 1 : i32
        %parallel_loop3A_235 = arith.addi %parallel_loop3A_107, %parallel_loop3A_234 : i32
        %parallel_loop3A_236 = arith.index_cast %parallel_loop3A_235 : i32 to index
        %parallel_loop3A_237 = arith.constant 32 : index
        %parallel_loop3A_238 = tpu.vector_load %arg11[%parallel_loop3A_236, %parallel_loop3A_237] {strides = array<i32>} : memref<80x128xf32, #tpu.memory_space<vmem>>, vector<16xf32>,
        %parallel_loop3A_239 = arith.mulf %parallel_loop3A_233, %parallel_loop3A_238 : vector<16xf32>
        %parallel_loop3A_240 = arith.addf %parallel_loop3A_217, %parallel_loop3A_239 : vector<16xf32>
        %parallel_loop3A_241 = arith.constant 1 : i32
        %parallel_loop3A_242 = arith.addi %parallel_loop3A_107, %parallel_loop3A_241 : i32
        %parallel_loop3A_243 = arith.index_cast %parallel_loop3A_242 : i32 to index
        %parallel_loop3A_244 = arith.constant 48 : index
        %parallel_loop3A_245 = tpu.vector_load %arg9[%parallel_loop3A_243, %parallel_loop3A_244] {strides = array<i32>} : memref<80x128xf32, #tpu.memory_space<vmem>>, vector<16xf32>,
        %parallel_loop3A_246 = arith.constant 1 : i32
        %parallel_loop3A_247 = arith.addi %parallel_loop3A_107, %parallel_loop3A_246 : i32
        %parallel_loop3A_248 = arith.index_cast %parallel_loop3A_247 : i32 to index
        %parallel_loop3A_249 = arith.constant 48 : index
        %parallel_loop3A_250 = tpu.vector_load %arg11[%parallel_loop3A_248, %parallel_loop3A_249] {strides = array<i32>} : memref<80x128xf32, #tpu.memory_space<vmem>>, vector<16xf32>,
        %parallel_loop3A_251 = arith.mulf %parallel_loop3A_245, %parallel_loop3A_250 : vector<16xf32>
        %parallel_loop3A_252 = arith.addf %parallel_loop3A_228, %parallel_loop3A_251 : vector<16xf32>
        %parallel_loop3A_253 = arith.constant 1 : i32
        %parallel_loop3A_254 = arith.addi %parallel_loop3A_107, %parallel_loop3A_253 : i32
        %parallel_loop3A_255 = arith.index_cast %parallel_loop3A_254 : i32 to index
        %parallel_loop3A_256 = arith.constant 64 : index
        %parallel_loop3A_257 = tpu.vector_load %arg9[%parallel_loop3A_255, %parallel_loop3A_256] {strides = array<i32>} : memref<80x128xf32, #tpu.memory_space<vmem>>, vector<16xf32>,
        %parallel_loop3A_258 = arith.constant 1 : i32
        %parallel_loop3A_259 = arith.addi %parallel_loop3A_107, %parallel_loop3A_258 : i32
        %parallel_loop3A_260 = arith.index_cast %parallel_loop3A_259 : i32 to index
        %parallel_loop3A_261 = arith.constant 64 : index
        %parallel_loop3A_262 = tpu.vector_load %arg11[%parallel_loop3A_260, %parallel_loop3A_261] {strides = array<i32>} : memref<80x128xf32, #tpu.memory_space<vmem>>, vector<16xf32>,
        %parallel_loop3A_263 = arith.mulf %parallel_loop3A_257, %parallel_loop3A_262 : vector<16xf32>
        %parallel_loop3A_264 = arith.addf %parallel_loop3A_240, %parallel_loop3A_263 : vector<16xf32>
        %parallel_loop3A_265 = arith.constant 1 : i32
        %parallel_loop3A_266 = arith.addi %parallel_loop3A_107, %parallel_loop3A_265 : i32
        %parallel_loop3A_267 = arith.index_cast %parallel_loop3A_266 : i32 to index
        %parallel_loop3A_268 = arith.constant 80 : index
        %parallel_loop3A_269 = tpu.vector_load %arg9[%parallel_loop3A_267, %parallel_loop3A_268] {strides = array<i32>} : memref<80x128xf32, #tpu.memory_space<vmem>>, vector<16xf32>,
        %parallel_loop3A_270 = arith.constant 1 : i32
        %parallel_loop3A_271 = arith.addi %parallel_loop3A_107, %parallel_loop3A_270 : i32
        %parallel_loop3A_272 = arith.index_cast %parallel_loop3A_271 : i32 to index
        %parallel_loop3A_273 = arith.constant 80 : index
        %parallel_loop3A_274 = tpu.vector_load %arg11[%parallel_loop3A_272, %parallel_loop3A_273] {strides = array<i32>} : memref<80x128xf32, #tpu.memory_space<vmem>>, vector<16xf32>,
        %parallel_loop3A_275 = arith.mulf %parallel_loop3A_269, %parallel_loop3A_274 : vector<16xf32>
        %parallel_loop3A_276 = arith.addf %parallel_loop3A_252, %parallel_loop3A_275 : vector<16xf32>
        %parallel_loop3A_277 = arith.constant 1 : i32
        %parallel_loop3A_278 = arith.addi %parallel_loop3A_107, %parallel_loop3A_277 : i32
        %parallel_loop3A_279 = arith.index_cast %parallel_loop3A_278 : i32 to index
        %parallel_loop3A_280 = arith.constant 96 : index
        %parallel_loop3A_281 = tpu.vector_load %arg9[%parallel_loop3A_279, %parallel_loop3A_280] {strides = array<i32>} : memref<80x128xf32, #tpu.memory_space<vmem>>, vector<16xf32>,
        %parallel_loop3A_282 = arith.constant 1 : i32
        %parallel_loop3A_283 = arith.addi %parallel_loop3A_107, %parallel_loop3A_282 : i32
        %parallel_loop3A_284 = arith.index_cast %parallel_loop3A_283 : i32 to index
        %parallel_loop3A_285 = arith.constant 96 : index
        %parallel_loop3A_286 = tpu.vector_load %arg11[%parallel_loop3A_284, %parallel_loop3A_285] {strides = array<i32>} : memref<80x128xf32, #tpu.memory_space<vmem>>, vector<16xf32>,
        %parallel_loop3A_287 = arith.mulf %parallel_loop3A_281, %parallel_loop3A_286 : vector<16xf32>
        %parallel_loop3A_288 = arith.addf %parallel_loop3A_264, %parallel_loop3A_287 : vector<16xf32>
        %parallel_loop3A_289 = arith.constant 1 : i32
        %parallel_loop3A_290 = arith.addi %parallel_loop3A_107, %parallel_loop3A_289 : i32
        %parallel_loop3A_291 = arith.index_cast %parallel_loop3A_290 : i32 to index
        %parallel_loop3A_292 = arith.constant 112 : index
        %parallel_loop3A_293 = tpu.vector_load %arg9[%parallel_loop3A_291, %parallel_loop3A_292] {strides = array<i32>} : memref<80x128xf32, #tpu.memory_space<vmem>>, vector<16xf32>,
        %parallel_loop3A_294 = arith.constant 1 : i32
        %parallel_loop3A_295 = arith.addi %parallel_loop3A_107, %parallel_loop3A_294 : i32
        %parallel_loop3A_296 = arith.index_cast %parallel_loop3A_295 : i32 to index
        %parallel_loop3A_297 = arith.constant 112 : index
        %parallel_loop3A_298 = tpu.vector_load %arg11[%parallel_loop3A_296, %parallel_loop3A_297] {strides = array<i32>} : memref<80x128xf32, #tpu.memory_space<vmem>>, vector<16xf32>,
        %parallel_loop3A_299 = arith.mulf %parallel_loop3A_293, %parallel_loop3A_298 : vector<16xf32>
        %parallel_loop3A_300 = arith.addf %parallel_loop3A_276, %parallel_loop3A_299 : vector<16xf32>
        %parallel_loop3A_301 = arith.addf %parallel_loop3A_288, %parallel_loop3A_300 : vector<16xf32>
        %parallel_loop3A_302 = arith.constant true
        %parallel_loop3A_303 = vector.broadcast %parallel_loop3A_302 : i1 to vector<16xi1>
        %parallel_loop3A_304 = tpu.scan <sum>, %parallel_loop3A_301 masked %parallel_loop3A_303 : vector<16xf32>, vector<16xi1> -> vector<16xf32>
        %parallel_loop3A_305 = vector.extract %parallel_loop3A_304[15] : f32 from vector<16xf32>
        %parallel_loop3A_306 = arith.constant 2 : i32
        %parallel_loop3A_307 = arith.addi %parallel_loop3A_107, %parallel_loop3A_306 : i32
        %parallel_loop3A_308 = arith.index_cast %parallel_loop3A_307 : i32 to index
        %parallel_loop3A_309 = arith.constant 0 : index
        %parallel_loop3A_310 = tpu.vector_load %arg9[%parallel_loop3A_308, %parallel_loop3A_309] {strides = array<i32>} : memref<80x128xf32, #tpu.memory_space<vmem>>, vector<16xf32>,
        %parallel_loop3A_311 = arith.constant 2 : i32
        %parallel_loop3A_312 = arith.addi %parallel_loop3A_107, %parallel_loop3A_311 : i32
        %parallel_loop3A_313 = arith.index_cast %parallel_loop3A_312 : i32 to index
        %parallel_loop3A_314 = arith.constant 0 : index
        %parallel_loop3A_315 = tpu.vector_load %arg11[%parallel_loop3A_313, %parallel_loop3A_314] {strides = array<i32>} : memref<80x128xf32, #tpu.memory_space<vmem>>, vector<16xf32>,
        %parallel_loop3A_316 = arith.mulf %parallel_loop3A_310, %parallel_loop3A_315 : vector<16xf32>
        %parallel_loop3A_317 = arith.constant 2 : i32
        %parallel_loop3A_318 = arith.addi %parallel_loop3A_107, %parallel_loop3A_317 : i32
        %parallel_loop3A_319 = arith.index_cast %parallel_loop3A_318 : i32 to index
        %parallel_loop3A_320 = arith.constant 16 : index
        %parallel_loop3A_321 = tpu.vector_load %arg9[%parallel_loop3A_319, %parallel_loop3A_320] {strides = array<i32>} : memref<80x128xf32, #tpu.memory_space<vmem>>, vector<16xf32>,
        %parallel_loop3A_322 = arith.constant 2 : i32
        %parallel_loop3A_323 = arith.addi %parallel_loop3A_107, %parallel_loop3A_322 : i32
        %parallel_loop3A_324 = arith.index_cast %parallel_loop3A_323 : i32 to index
        %parallel_loop3A_325 = arith.constant 16 : index
        %parallel_loop3A_326 = tpu.vector_load %arg11[%parallel_loop3A_324, %parallel_loop3A_325] {strides = array<i32>} : memref<80x128xf32, #tpu.memory_space<vmem>>, vector<16xf32>,
        %parallel_loop3A_327 = arith.mulf %parallel_loop3A_321, %parallel_loop3A_326 : vector<16xf32>
        %parallel_loop3A_328 = arith.constant 2 : i32
        %parallel_loop3A_329 = arith.addi %parallel_loop3A_107, %parallel_loop3A_328 : i32
        %parallel_loop3A_330 = arith.index_cast %parallel_loop3A_329 : i32 to index
        %parallel_loop3A_331 = arith.constant 32 : index
        %parallel_loop3A_332 = tpu.vector_load %arg9[%parallel_loop3A_330, %parallel_loop3A_331] {strides = array<i32>} : memref<80x128xf32, #tpu.memory_space<vmem>>, vector<16xf32>,
        %parallel_loop3A_333 = arith.constant 2 : i32
        %parallel_loop3A_334 = arith.addi %parallel_loop3A_107, %parallel_loop3A_333 : i32
        %parallel_loop3A_335 = arith.index_cast %parallel_loop3A_334 : i32 to index
        %parallel_loop3A_336 = arith.constant 32 : index
        %parallel_loop3A_337 = tpu.vector_load %arg11[%parallel_loop3A_335, %parallel_loop3A_336] {strides = array<i32>} : memref<80x128xf32, #tpu.memory_space<vmem>>, vector<16xf32>,
        %parallel_loop3A_338 = arith.mulf %parallel_loop3A_332, %parallel_loop3A_337 : vector<16xf32>
        %parallel_loop3A_339 = arith.addf %parallel_loop3A_316, %parallel_loop3A_338 : vector<16xf32>
        %parallel_loop3A_340 = arith.constant 2 : i32
        %parallel_loop3A_341 = arith.addi %parallel_loop3A_107, %parallel_loop3A_340 : i32
        %parallel_loop3A_342 = arith.index_cast %parallel_loop3A_341 : i32 to index
        %parallel_loop3A_343 = arith.constant 48 : index
        %parallel_loop3A_344 = tpu.vector_load %arg9[%parallel_loop3A_342, %parallel_loop3A_343] {strides = array<i32>} : memref<80x128xf32, #tpu.memory_space<vmem>>, vector<16xf32>,
        %parallel_loop3A_345 = arith.constant 2 : i32
        %parallel_loop3A_346 = arith.addi %parallel_loop3A_107, %parallel_loop3A_345 : i32
        %parallel_loop3A_347 = arith.index_cast %parallel_loop3A_346 : i32 to index
        %parallel_loop3A_348 = arith.constant 48 : index
        %parallel_loop3A_349 = tpu.vector_load %arg11[%parallel_loop3A_347, %parallel_loop3A_348] {strides = array<i32>} : memref<80x128xf32, #tpu.memory_space<vmem>>, vector<16xf32>,
        %parallel_loop3A_350 = arith.mulf %parallel_loop3A_344, %parallel_loop3A_349 : vector<16xf32>
        %parallel_loop3A_351 = arith.addf %parallel_loop3A_327, %parallel_loop3A_350 : vector<16xf32>
        %parallel_loop3A_352 = arith.constant 2 : i32
        %parallel_loop3A_353 = arith.addi %parallel_loop3A_107, %parallel_loop3A_352 : i32
        %parallel_loop3A_354 = arith.index_cast %parallel_loop3A_353 : i32 to index
        %parallel_loop3A_355 = arith.constant 64 : index
        %parallel_loop3A_356 = tpu.vector_load %arg9[%parallel_loop3A_354, %parallel_loop3A_355] {strides = array<i32>} : memref<80x128xf32, #tpu.memory_space<vmem>>, vector<16xf32>,
        %parallel_loop3A_357 = arith.constant 2 : i32
        %parallel_loop3A_358 = arith.addi %parallel_loop3A_107, %parallel_loop3A_357 : i32
        %parallel_loop3A_359 = arith.index_cast %parallel_loop3A_358 : i32 to index
        %parallel_loop3A_360 = arith.constant 64 : index
        %parallel_loop3A_361 = tpu.vector_load %arg11[%parallel_loop3A_359, %parallel_loop3A_360] {strides = array<i32>} : memref<80x128xf32, #tpu.memory_space<vmem>>, vector<16xf32>,
        %parallel_loop3A_362 = arith.mulf %parallel_loop3A_356, %parallel_loop3A_361 : vector<16xf32>
        %parallel_loop3A_363 = arith.addf %parallel_loop3A_339, %parallel_loop3A_362 : vector<16xf32>
        %parallel_loop3A_364 = arith.constant 2 : i32
        %parallel_loop3A_365 = arith.addi %parallel_loop3A_107, %parallel_loop3A_364 : i32
        %parallel_loop3A_366 = arith.index_cast %parallel_loop3A_365 : i32 to index
        %parallel_loop3A_367 = arith.constant 80 : index
        %parallel_loop3A_368 = tpu.vector_load %arg9[%parallel_loop3A_366, %parallel_loop3A_367] {strides = array<i32>} : memref<80x128xf32, #tpu.memory_space<vmem>>, vector<16xf32>,
        %parallel_loop3A_369 = arith.constant 2 : i32
        %parallel_loop3A_370 = arith.addi %parallel_loop3A_107, %parallel_loop3A_369 : i32
        %parallel_loop3A_371 = arith.index_cast %parallel_loop3A_370 : i32 to index
        %parallel_loop3A_372 = arith.constant 80 : index
        %parallel_loop3A_373 = tpu.vector_load %arg11[%parallel_loop3A_371, %parallel_loop3A_372] {strides = array<i32>} : memref<80x128xf32, #tpu.memory_space<vmem>>, vector<16xf32>,
        %parallel_loop3A_374 = arith.mulf %parallel_loop3A_368, %parallel_loop3A_373 : vector<16xf32>
        %parallel_loop3A_375 = arith.addf %parallel_loop3A_351, %parallel_loop3A_374 : vector<16xf32>
        %parallel_loop3A_376 = arith.constant 2 : i32
        %parallel_loop3A_377 = arith.addi %parallel_loop3A_107, %parallel_loop3A_376 : i32
        %parallel_loop3A_378 = arith.index_cast %parallel_loop3A_377 : i32 to index
        %parallel_loop3A_379 = arith.constant 96 : index
        %parallel_loop3A_380 = tpu.vector_load %arg9[%parallel_loop3A_378, %parallel_loop3A_379] {strides = array<i32>} : memref<80x128xf32, #tpu.memory_space<vmem>>, vector<16xf32>,
        %parallel_loop3A_381 = arith.constant 2 : i32
        %parallel_loop3A_382 = arith.addi %parallel_loop3A_107, %parallel_loop3A_381 : i32
        %parallel_loop3A_383 = arith.index_cast %parallel_loop3A_382 : i32 to index
        %parallel_loop3A_384 = arith.constant 96 : index
        %parallel_loop3A_385 = tpu.vector_load %arg11[%parallel_loop3A_383, %parallel_loop3A_384] {strides = array<i32>} : memref<80x128xf32, #tpu.memory_space<vmem>>, vector<16xf32>,
        %parallel_loop3A_386 = arith.mulf %parallel_loop3A_380, %parallel_loop3A_385 : vector<16xf32>
        %parallel_loop3A_387 = arith.addf %parallel_loop3A_363, %parallel_loop3A_386 : vector<16xf32>
        %parallel_loop3A_388 = arith.constant 2 : i32
        %parallel_loop3A_389 = arith.addi %parallel_loop3A_107, %parallel_loop3A_388 : i32
        %parallel_loop3A_390 = arith.index_cast %parallel_loop3A_389 : i32 to index
        %parallel_loop3A_391 = arith.constant 112 : index
        %parallel_loop3A_392 = tpu.vector_load %arg9[%parallel_loop3A_390, %parallel_loop3A_391] {strides = array<i32>} : memref<80x128xf32, #tpu.memory_space<vmem>>, vector<16xf32>,
        %parallel_loop3A_393 = arith.constant 2 : i32
        %parallel_loop3A_394 = arith.addi %parallel_loop3A_107, %parallel_loop3A_393 : i32
        %parallel_loop3A_395 = arith.index_cast %parallel_loop3A_394 : i32 to index
        %parallel_loop3A_396 = arith.constant 112 : index
        %parallel_loop3A_397 = tpu.vector_load %arg11[%parallel_loop3A_395, %parallel_loop3A_396] {strides = array<i32>} : memref<80x128xf32, #tpu.memory_space<vmem>>, vector<16xf32>,
        %parallel_loop3A_398 = arith.mulf %parallel_loop3A_392, %parallel_loop3A_397 : vector<16xf32>
        %parallel_loop3A_399 = arith.addf %parallel_loop3A_375, %parallel_loop3A_398 : vector<16xf32>
        %parallel_loop3A_400 = arith.addf %parallel_loop3A_387, %parallel_loop3A_399 : vector<16xf32>
        %parallel_loop3A_401 = arith.constant true
        %parallel_loop3A_402 = vector.broadcast %parallel_loop3A_401 : i1 to vector<16xi1>
        %parallel_loop3A_403 = tpu.scan <sum>, %parallel_loop3A_400 masked %parallel_loop3A_402 : vector<16xf32>, vector<16xi1> -> vector<16xf32>
        %parallel_loop3A_404 = vector.extract %parallel_loop3A_403[15] : f32 from vector<16xf32>
        %parallel_loop3A_405 = arith.constant 3 : i32
        %parallel_loop3A_406 = arith.addi %parallel_loop3A_107, %parallel_loop3A_405 : i32
        %parallel_loop3A_407 = arith.index_cast %parallel_loop3A_406 : i32 to index
        %parallel_loop3A_408 = arith.constant 0 : index
        %parallel_loop3A_409 = tpu.vector_load %arg9[%parallel_loop3A_407, %parallel_loop3A_408] {strides = array<i32>} : memref<80x128xf32, #tpu.memory_space<vmem>>, vector<16xf32>,
        %parallel_loop3A_410 = arith.constant 3 : i32
        %parallel_loop3A_411 = arith.addi %parallel_loop3A_107, %parallel_loop3A_410 : i32
        %parallel_loop3A_412 = arith.index_cast %parallel_loop3A_411 : i32 to index
        %parallel_loop3A_413 = arith.constant 0 : index
        %parallel_loop3A_414 = tpu.vector_load %arg11[%parallel_loop3A_412, %parallel_loop3A_413] {strides = array<i32>} : memref<80x128xf32, #tpu.memory_space<vmem>>, vector<16xf32>,
        %parallel_loop3A_415 = arith.mulf %parallel_loop3A_409, %parallel_loop3A_414 : vector<16xf32>
        %parallel_loop3A_416 = arith.constant 3 : i32
        %parallel_loop3A_417 = arith.addi %parallel_loop3A_107, %parallel_loop3A_416 : i32
        %parallel_loop3A_418 = arith.index_cast %parallel_loop3A_417 : i32 to index
        %parallel_loop3A_419 = arith.constant 16 : index
        %parallel_loop3A_420 = tpu.vector_load %arg9[%parallel_loop3A_418, %parallel_loop3A_419] {strides = array<i32>} : memref<80x128xf32, #tpu.memory_space<vmem>>, vector<16xf32>,
        %parallel_loop3A_421 = arith.constant 3 : i32
        %parallel_loop3A_422 = arith.addi %parallel_loop3A_107, %parallel_loop3A_421 : i32
        %parallel_loop3A_423 = arith.index_cast %parallel_loop3A_422 : i32 to index
        %parallel_loop3A_424 = arith.constant 16 : index
        %parallel_loop3A_425 = tpu.vector_load %arg11[%parallel_loop3A_423, %parallel_loop3A_424] {strides = array<i32>} : memref<80x128xf32, #tpu.memory_space<vmem>>, vector<16xf32>,
        %parallel_loop3A_426 = arith.mulf %parallel_loop3A_420, %parallel_loop3A_425 : vector<16xf32>
        %parallel_loop3A_427 = arith.constant 3 : i32
        %parallel_loop3A_428 = arith.addi %parallel_loop3A_107, %parallel_loop3A_427 : i32
        %parallel_loop3A_429 = arith.index_cast %parallel_loop3A_428 : i32 to index
        %parallel_loop3A_430 = arith.constant 32 : index
        %parallel_loop3A_431 = tpu.vector_load %arg9[%parallel_loop3A_429, %parallel_loop3A_430] {strides = array<i32>} : memref<80x128xf32, #tpu.memory_space<vmem>>, vector<16xf32>,
        %parallel_loop3A_432 = arith.constant 3 : i32
        %parallel_loop3A_433 = arith.addi %parallel_loop3A_107, %parallel_loop3A_432 : i32
        %parallel_loop3A_434 = arith.index_cast %parallel_loop3A_433 : i32 to index
        %parallel_loop3A_435 = arith.constant 32 : index
        %parallel_loop3A_436 = tpu.vector_load %arg11[%parallel_loop3A_434, %parallel_loop3A_435] {strides = array<i32>} : memref<80x128xf32, #tpu.memory_space<vmem>>, vector<16xf32>,
        %parallel_loop3A_437 = arith.mulf %parallel_loop3A_431, %parallel_loop3A_436 : vector<16xf32>
        %parallel_loop3A_438 = arith.addf %parallel_loop3A_415, %parallel_loop3A_437 : vector<16xf32>
        %parallel_loop3A_439 = arith.constant 3 : i32
        %parallel_loop3A_440 = arith.addi %parallel_loop3A_107, %parallel_loop3A_439 : i32
        %parallel_loop3A_441 = arith.index_cast %parallel_loop3A_440 : i32 to index
        %parallel_loop3A_442 = arith.constant 48 : index
        %parallel_loop3A_443 = tpu.vector_load %arg9[%parallel_loop3A_441, %parallel_loop3A_442] {strides = array<i32>} : memref<80x128xf32, #tpu.memory_space<vmem>>, vector<16xf32>,
        %parallel_loop3A_444 = arith.constant 3 : i32
        %parallel_loop3A_445 = arith.addi %parallel_loop3A_107, %parallel_loop3A_444 : i32
        %parallel_loop3A_446 = arith.index_cast %parallel_loop3A_445 : i32 to index
        %parallel_loop3A_447 = arith.constant 48 : index
        %parallel_loop3A_448 = tpu.vector_load %arg11[%parallel_loop3A_446, %parallel_loop3A_447] {strides = array<i32>} : memref<80x128xf32, #tpu.memory_space<vmem>>, vector<16xf32>,
        %parallel_loop3A_449 = arith.mulf %parallel_loop3A_443, %parallel_loop3A_448 : vector<16xf32>
        %parallel_loop3A_450 = arith.addf %parallel_loop3A_426, %parallel_loop3A_449 : vector<16xf32>
        %parallel_loop3A_451 = arith.constant 3 : i32
        %parallel_loop3A_452 = arith.addi %parallel_loop3A_107, %parallel_loop3A_451 : i32
        %parallel_loop3A_453 = arith.index_cast %parallel_loop3A_452 : i32 to index
        %parallel_loop3A_454 = arith.constant 64 : index
        %parallel_loop3A_455 = tpu.vector_load %arg9[%parallel_loop3A_453, %parallel_loop3A_454] {strides = array<i32>} : memref<80x128xf32, #tpu.memory_space<vmem>>, vector<16xf32>,
        %parallel_loop3A_456 = arith.constant 3 : i32
        %parallel_loop3A_457 = arith.addi %parallel_loop3A_107, %parallel_loop3A_456 : i32
        %parallel_loop3A_458 = arith.index_cast %parallel_loop3A_457 : i32 to index
        %parallel_loop3A_459 = arith.constant 64 : index
        %parallel_loop3A_460 = tpu.vector_load %arg11[%parallel_loop3A_458, %parallel_loop3A_459] {strides = array<i32>} : memref<80x128xf32, #tpu.memory_space<vmem>>, vector<16xf32>,
        %parallel_loop3A_461 = arith.mulf %parallel_loop3A_455, %parallel_loop3A_460 : vector<16xf32>
        %parallel_loop3A_462 = arith.addf %parallel_loop3A_438, %parallel_loop3A_461 : vector<16xf32>
        %parallel_loop3A_463 = arith.constant 3 : i32
        %parallel_loop3A_464 = arith.addi %parallel_loop3A_107, %parallel_loop3A_463 : i32
        %parallel_loop3A_465 = arith.index_cast %parallel_loop3A_464 : i32 to index
        %parallel_loop3A_466 = arith.constant 80 : index
        %parallel_loop3A_467 = tpu.vector_load %arg9[%parallel_loop3A_465, %parallel_loop3A_466] {strides = array<i32>} : memref<80x128xf32, #tpu.memory_space<vmem>>, vector<16xf32>,
        %parallel_loop3A_468 = arith.constant 3 : i32
        %parallel_loop3A_469 = arith.addi %parallel_loop3A_107, %parallel_loop3A_468 : i32
        %parallel_loop3A_470 = arith.index_cast %parallel_loop3A_469 : i32 to index
        %parallel_loop3A_471 = arith.constant 80 : index
        %parallel_loop3A_472 = tpu.vector_load %arg11[%parallel_loop3A_470, %parallel_loop3A_471] {strides = array<i32>} : memref<80x128xf32, #tpu.memory_space<vmem>>, vector<16xf32>,
        %parallel_loop3A_473 = arith.mulf %parallel_loop3A_467, %parallel_loop3A_472 : vector<16xf32>
        %parallel_loop3A_474 = arith.addf %parallel_loop3A_450, %parallel_loop3A_473 : vector<16xf32>
        %parallel_loop3A_475 = arith.constant 3 : i32
        %parallel_loop3A_476 = arith.addi %parallel_loop3A_107, %parallel_loop3A_475 : i32
        %parallel_loop3A_477 = arith.index_cast %parallel_loop3A_476 : i32 to index
        %parallel_loop3A_478 = arith.constant 96 : index
        %parallel_loop3A_479 = tpu.vector_load %arg9[%parallel_loop3A_477, %parallel_loop3A_478] {strides = array<i32>} : memref<80x128xf32, #tpu.memory_space<vmem>>, vector<16xf32>,
        %parallel_loop3A_480 = arith.constant 3 : i32
        %parallel_loop3A_481 = arith.addi %parallel_loop3A_107, %parallel_loop3A_480 : i32
        %parallel_loop3A_482 = arith.index_cast %parallel_loop3A_481 : i32 to index
        %parallel_loop3A_483 = arith.constant 96 : index
        %parallel_loop3A_484 = tpu.vector_load %arg11[%parallel_loop3A_482, %parallel_loop3A_483] {strides = array<i32>} : memref<80x128xf32, #tpu.memory_space<vmem>>, vector<16xf32>,
        %parallel_loop3A_485 = arith.mulf %parallel_loop3A_479, %parallel_loop3A_484 : vector<16xf32>
        %parallel_loop3A_486 = arith.addf %parallel_loop3A_462, %parallel_loop3A_485 : vector<16xf32>
        %parallel_loop3A_487 = arith.constant 3 : i32
        %parallel_loop3A_488 = arith.addi %parallel_loop3A_107, %parallel_loop3A_487 : i32
        %parallel_loop3A_489 = arith.index_cast %parallel_loop3A_488 : i32 to index
        %parallel_loop3A_490 = arith.constant 112 : index
        %parallel_loop3A_491 = tpu.vector_load %arg9[%parallel_loop3A_489, %parallel_loop3A_490] {strides = array<i32>} : memref<80x128xf32, #tpu.memory_space<vmem>>, vector<16xf32>,
        %parallel_loop3A_492 = arith.constant 3 : i32
        %parallel_loop3A_493 = arith.addi %parallel_loop3A_107, %parallel_loop3A_492 : i32
        %parallel_loop3A_494 = arith.index_cast %parallel_loop3A_493 : i32 to index
        %parallel_loop3A_495 = arith.constant 112 : index
        %parallel_loop3A_496 = tpu.vector_load %arg11[%parallel_loop3A_494, %parallel_loop3A_495] {strides = array<i32>} : memref<80x128xf32, #tpu.memory_space<vmem>>, vector<16xf32>,
        %parallel_loop3A_497 = arith.mulf %parallel_loop3A_491, %parallel_loop3A_496 : vector<16xf32>
        %parallel_loop3A_498 = arith.addf %parallel_loop3A_474, %parallel_loop3A_497 : vector<16xf32>
        %parallel_loop3A_499 = arith.addf %parallel_loop3A_486, %parallel_loop3A_498 : vector<16xf32>
        %parallel_loop3A_500 = arith.constant true
        %parallel_loop3A_501 = vector.broadcast %parallel_loop3A_500 : i1 to vector<16xi1>
        %parallel_loop3A_502 = tpu.scan <sum>, %parallel_loop3A_499 masked %parallel_loop3A_501 : vector<16xf32>, vector<16xi1> -> vector<16xf32>
        %parallel_loop3A_503 = vector.extract %parallel_loop3A_502[15] : f32 from vector<16xf32>
        %parallel_loop3A_504 = arith.constant 0 : i32
        %parallel_loop3A_505 = vector.broadcast %parallel_loop3A_504 : i32 to vector<16xi32>
        %parallel_loop3A_506 = arith.cmpi eq, %iota3A, %parallel_loop3A_505 : vector<16xi32>
        %parallel_loop3A_507 = arith.constant 1 : i32
        %parallel_loop3A_508 = vector.broadcast %parallel_loop3A_507 : i32 to vector<16xi32>
        %parallel_loop3A_509 = arith.cmpi eq, %iota3A, %parallel_loop3A_508 : vector<16xi32>
        %parallel_loop3A_510 = arith.constant 2 : i32
        %parallel_loop3A_511 = vector.broadcast %parallel_loop3A_510 : i32 to vector<16xi32>
        %parallel_loop3A_512 = arith.cmpi eq, %iota3A, %parallel_loop3A_511 : vector<16xi32>
        %parallel_loop3A_513 = vector.broadcast %parallel_loop3A_404 : f32 to vector<16xf32>
        %parallel_loop3A_514 = vector.broadcast %parallel_loop3A_503 : f32 to vector<16xf32>
        %parallel_loop3A_515 = arith.select %parallel_loop3A_512, %parallel_loop3A_513, %parallel_loop3A_514 : vector<16xi1>, vector<16xf32>
        %parallel_loop3A_516 = vector.broadcast %parallel_loop3A_305 : f32 to vector<16xf32>
        %parallel_loop3A_517 = arith.select %parallel_loop3A_509, %parallel_loop3A_516, %parallel_loop3A_515 : vector<16xi1>, vector<16xf32>
        %parallel_loop3A_518 = vector.broadcast %parallel_loop3A_206 : f32 to vector<16xf32>
        %parallel_loop3A_519 = arith.select %parallel_loop3A_506, %parallel_loop3A_518, %parallel_loop3A_517 : vector<16xi1>, vector<16xf32>
        %parallel_loop3A_520 = arith.addi %multiple_of3A_61, %parallel_loop3A_107 : i32
        %parallel_loop3A_521 = vector.broadcast %parallel_loop3A_520 : i32 to vector<16xi32>
        %parallel_loop3A_522 = arith.addi %parallel_loop3A_521, %iota3A : vector<16xi32>
        tpu.vector_store_idx %arg13[%parallel_loop3A_522], %parallel_loop3A_519 masked %lt3A_64 : memref<10000xf32, #tpu.memory_space<vmem>>[vector<16xi32>], vector<16xf32>, vector<16xi1>
      } {sc.loop_unroll_factor = 2 : i64, sc.parallel_access}
      %add3A_68 = arith.constant 2 : i32
      %add3A_69 = arith.addi %mul3A_34, %add3A_68 : i32
      %mul3A_70 = arith.constant 80 : i32
      %mul3A_71 = arith.muli %add3A_69, %mul3A_70 : i32
      %multiple_of3A_72 = tpu.assume_multiple %mul3A_71, 8 : i32
      %dma_start3A_73 = tpu.memref_slice %arg7[%multiple_of3A_72] : memref<10000xi32, #tpu.memory_space<vmem>> -> memref<80xi32, #tpu.memory_space<vmem>>
      %dma_start3A_74 = arith.constant 0 : i32
      %dma_start3A_75 = arith.constant 0 : i32
      %dma_start3A_76 = tpu.memref_slice %arg2[%dma_start3A_74, %dma_start3A_75] : memref<10000x128xf32, #tpu.memory_space<hbm>> -> memref<10000x128xf32, #tpu.memory_space<hbm>>
      tpu.enqueue_indirect_dma source(%dma_start3A_76 : memref<10000x128xf32, #tpu.memory_space<hbm>>) target(%arg9 : memref<80x128xf32, #tpu.memory_space<vmem>>) offsets(%dma_start3A_73 : memref<80xi32, #tpu.memory_space<vmem>>) semaphore(%arg14 : memref<!tpu.dma_semaphore, #tpu.memory_space<semaphore_mem>>)
      %dma_start3A_77 = tpu.memref_slice %arg8[%multiple_of3A_72] : memref<10000xi32, #tpu.memory_space<vmem>> -> memref<80xi32, #tpu.memory_space<vmem>>
      %dma_start3A_78 = arith.constant 0 : i32
      %dma_start3A_79 = arith.constant 0 : i32
      %dma_start3A_80 = tpu.memref_slice %arg3[%dma_start3A_78, %dma_start3A_79] : memref<10000x128xf32, #tpu.memory_space<hbm>> -> memref<10000x128xf32, #tpu.memory_space<hbm>>
      tpu.enqueue_indirect_dma source(%dma_start3A_80 : memref<10000x128xf32, #tpu.memory_space<hbm>>) target(%arg11 : memref<80x128xf32, #tpu.memory_space<vmem>>) offsets(%dma_start3A_77 : memref<80xi32, #tpu.memory_space<vmem>>) semaphore(%arg16 : memref<!tpu.dma_semaphore, #tpu.memory_space<semaphore_mem>>)
      %add3A_81 = arith.constant 1 : i32
      %add3A_82 = arith.addi %mul3A_34, %add3A_81 : i32
      %mul3A_83 = arith.constant 80 : i32
      %mul3A_84 = arith.muli %add3A_82, %mul3A_83 : i32
      %multiple_of3A_85 = tpu.assume_multiple %mul3A_84, 8 : i32
      %dma_wait3A_86 = tpu.memref_slice %arg7[%multiple_of3A_85] : memref<10000xi32, #tpu.memory_space<vmem>> -> memref<80xi32, #tpu.memory_space<vmem>>
      %dma_wait3A_87 = arith.constant 0 : i32
      %dma_wait3A_88 = arith.constant 0 : i32
      %dma_wait3A_89 = tpu.memref_slice %arg2[%dma_wait3A_87, %dma_wait3A_88] : memref<10000x128xf32, #tpu.memory_space<hbm>> -> memref<10000x128xf32, #tpu.memory_space<hbm>>
      tpu.wait_indirect_dma semaphore(%arg15 : memref<!tpu.dma_semaphore, #tpu.memory_space<semaphore_mem>>) src(%dma_wait3A_89 : memref<10000x128xf32, #tpu.memory_space<hbm>>) dst(%arg10 : memref<80x128xf32, #tpu.memory_space<vmem>>)
      %dma_wait3A_90 = tpu.memref_slice %arg8[%multiple_of3A_85] : memref<10000xi32, #tpu.memory_space<vmem>> -> memref<80xi32, #tpu.memory_space<vmem>>
      %dma_wait3A_91 = arith.constant 0 : i32
      %dma_wait3A_92 = arith.constant 0 : i32
      %dma_wait3A_93 = tpu.memref_slice %arg3[%dma_wait3A_91, %dma_wait3A_92] : memref<10000x128xf32, #tpu.memory_space<hbm>> -> memref<10000x128xf32, #tpu.memory_space<hbm>>
      tpu.wait_indirect_dma semaphore(%arg17 : memref<!tpu.dma_semaphore, #tpu.memory_space<semaphore_mem>>) src(%dma_wait3A_93 : memref<10000x128xf32, #tpu.memory_space<hbm>>) dst(%arg12 : memref<80x128xf32, #tpu.memory_space<vmem>>)
      %add3A_94 = arith.constant 1 : i32
      %add3A_95 = arith.addi %mul3A_34, %add3A_94 : i32
      %mul3A_96 = arith.constant 80 : i32
      %mul3A_97 = arith.muli %add3A_95, %mul3A_96 : i32
      %multiple_of3A_98 = tpu.assume_multiple %mul3A_97, 8 : i32
      %lt3A_99 = arith.constant 4 : i32
      %lt3A_100 = vector.broadcast %lt3A_99 : i32 to vector<16xi32>
      %lt3A_101 = arith.cmpi slt, %iota3A, %lt3A_100 : vector<16xi32>
      %parallel_loop3A_102 = arith.constant 0 : i32
      %parallel_loop3A_103 = arith.constant 20 : i32
      %parallel_loop3A_104 = arith.constant 1 : i32
      scf.for %parallel_loop3A_105 = %parallel_loop3A_102 to %parallel_loop3A_103 step %parallel_loop3A_104  : i32 {
        %parallel_loop3A_106 = arith.constant 4 : i32
        %parallel_loop3A_107 = arith.muli %parallel_loop3A_105, %parallel_loop3A_106 : i32
        %parallel_loop3A_108 = arith.constant 0 : i32
        %parallel_loop3A_109 = arith.addi %parallel_loop3A_107, %parallel_loop3A_108 : i32
        %parallel_loop3A_110 = arith.index_cast %parallel_loop3A_109 : i32 to index
        %parallel_loop3A_111 = arith.constant 0 : index
        %parallel_loop3A_112 = tpu.vector_load %arg10[%parallel_loop3A_110, %parallel_loop3A_111] {strides = array<i32>} : memref<80x128xf32, #tpu.memory_space<vmem>>, vector<16xf32>,
        %parallel_loop3A_113 = arith.constant 0 : i32
        %parallel_loop3A_114 = arith.addi %parallel_loop3A_107, %parallel_loop3A_113 : i32
        %parallel_loop3A_115 = arith.index_cast %parallel_loop3A_114 : i32 to index
        %parallel_loop3A_116 = arith.constant 0 : index
        %parallel_loop3A_117 = tpu.vector_load %arg12[%parallel_loop3A_115, %parallel_loop3A_116] {strides = array<i32>} : memref<80x128xf32, #tpu.memory_space<vmem>>, vector<16xf32>,
        %parallel_loop3A_118 = arith.mulf %parallel_loop3A_112, %parallel_loop3A_117 : vector<16xf32>
        %parallel_loop3A_119 = arith.constant 0 : i32
        %parallel_loop3A_120 = arith.addi %parallel_loop3A_107, %parallel_loop3A_119 : i32
        %parallel_loop3A_121 = arith.index_cast %parallel_loop3A_120 : i32 to index
        %parallel_loop3A_122 = arith.constant 16 : index
        %parallel_loop3A_123 = tpu.vector_load %arg10[%parallel_loop3A_121, %parallel_loop3A_122] {strides = array<i32>} : memref<80x128xf32, #tpu.memory_space<vmem>>, vector<16xf32>,
        %parallel_loop3A_124 = arith.constant 0 : i32
        %parallel_loop3A_125 = arith.addi %parallel_loop3A_107, %parallel_loop3A_124 : i32
        %parallel_loop3A_126 = arith.index_cast %parallel_loop3A_125 : i32 to index
        %parallel_loop3A_127 = arith.constant 16 : index
        %parallel_loop3A_128 = tpu.vector_load %arg12[%parallel_loop3A_126, %parallel_loop3A_127] {strides = array<i32>} : memref<80x128xf32, #tpu.memory_space<vmem>>, vector<16xf32>,
        %parallel_loop3A_129 = arith.mulf %parallel_loop3A_123, %parallel_loop3A_128 : vector<16xf32>
        %parallel_loop3A_130 = arith.constant 0 : i32
        %parallel_loop3A_131 = arith.addi %parallel_loop3A_107, %parallel_loop3A_130 : i32
        %parallel_loop3A_132 = arith.index_cast %parallel_loop3A_131 : i32 to index
        %parallel_loop3A_133 = arith.constant 32 : index
        %parallel_loop3A_134 = tpu.vector_load %arg10[%parallel_loop3A_132, %parallel_loop3A_133] {strides = array<i32>} : memref<80x128xf32, #tpu.memory_space<vmem>>, vector<16xf32>,
        %parallel_loop3A_135 = arith.constant 0 : i32
        %parallel_loop3A_136 = arith.addi %parallel_loop3A_107, %parallel_loop3A_135 : i32
        %parallel_loop3A_137 = arith.index_cast %parallel_loop3A_136 : i32 to index
        %parallel_loop3A_138 = arith.constant 32 : index
        %parallel_loop3A_139 = tpu.vector_load %arg12[%parallel_loop3A_137, %parallel_loop3A_138] {strides = array<i32>} : memref<80x128xf32, #tpu.memory_space<vmem>>, vector<16xf32>,
        %parallel_loop3A_140 = arith.mulf %parallel_loop3A_134, %parallel_loop3A_139 : vector<16xf32>
        %parallel_loop3A_141 = arith.addf %parallel_loop3A_118, %parallel_loop3A_140 : vector<16xf32>
        %parallel_loop3A_142 = arith.constant 0 : i32
        %parallel_loop3A_143 = arith.addi %parallel_loop3A_107, %parallel_loop3A_142 : i32
        %parallel_loop3A_144 = arith.index_cast %parallel_loop3A_143 : i32 to index
        %parallel_loop3A_145 = arith.constant 48 : index
        %parallel_loop3A_146 = tpu.vector_load %arg10[%parallel_loop3A_144, %parallel_loop3A_145] {strides = array<i32>} : memref<80x128xf32, #tpu.memory_space<vmem>>, vector<16xf32>,
        %parallel_loop3A_147 = arith.constant 0 : i32
        %parallel_loop3A_148 = arith.addi %parallel_loop3A_107, %parallel_loop3A_147 : i32
        %parallel_loop3A_149 = arith.index_cast %parallel_loop3A_148 : i32 to index
        %parallel_loop3A_150 = arith.constant 48 : index
        %parallel_loop3A_151 = tpu.vector_load %arg12[%parallel_loop3A_149, %parallel_loop3A_150] {strides = array<i32>} : memref<80x128xf32, #tpu.memory_space<vmem>>, vector<16xf32>,
        %parallel_loop3A_152 = arith.mulf %parallel_loop3A_146, %parallel_loop3A_151 : vector<16xf32>
        %parallel_loop3A_153 = arith.addf %parallel_loop3A_129, %parallel_loop3A_152 : vector<16xf32>
        %parallel_loop3A_154 = arith.constant 0 : i32
        %parallel_loop3A_155 = arith.addi %parallel_loop3A_107, %parallel_loop3A_154 : i32
        %parallel_loop3A_156 = arith.index_cast %parallel_loop3A_155 : i32 to index
        %parallel_loop3A_157 = arith.constant 64 : index
        %parallel_loop3A_158 = tpu.vector_load %arg10[%parallel_loop3A_156, %parallel_loop3A_157] {strides = array<i32>} : memref<80x128xf32, #tpu.memory_space<vmem>>, vector<16xf32>,
        %parallel_loop3A_159 = arith.constant 0 : i32
        %parallel_loop3A_160 = arith.addi %parallel_loop3A_107, %parallel_loop3A_159 : i32
        %parallel_loop3A_161 = arith.index_cast %parallel_loop3A_160 : i32 to index
        %parallel_loop3A_162 = arith.constant 64 : index
        %parallel_loop3A_163 = tpu.vector_load %arg12[%parallel_loop3A_161, %parallel_loop3A_162] {strides = array<i32>} : memref<80x128xf32, #tpu.memory_space<vmem>>, vector<16xf32>,
        %parallel_loop3A_164 = arith.mulf %parallel_loop3A_158, %parallel_loop3A_163 : vector<16xf32>
        %parallel_loop3A_165 = arith.addf %parallel_loop3A_141, %parallel_loop3A_164 : vector<16xf32>
        %parallel_loop3A_166 = arith.constant 0 : i32
        %parallel_loop3A_167 = arith.addi %parallel_loop3A_107, %parallel_loop3A_166 : i32
        %parallel_loop3A_168 = arith.index_cast %parallel_loop3A_167 : i32 to index
        %parallel_loop3A_169 = arith.constant 80 : index
        %parallel_loop3A_170 = tpu.vector_load %arg10[%parallel_loop3A_168, %parallel_loop3A_169] {strides = array<i32>} : memref<80x128xf32, #tpu.memory_space<vmem>>, vector<16xf32>,
        %parallel_loop3A_171 = arith.constant 0 : i32
        %parallel_loop3A_172 = arith.addi %parallel_loop3A_107, %parallel_loop3A_171 : i32
        %parallel_loop3A_173 = arith.index_cast %parallel_loop3A_172 : i32 to index
        %parallel_loop3A_174 = arith.constant 80 : index
        %parallel_loop3A_175 = tpu.vector_load %arg12[%parallel_loop3A_173, %parallel_loop3A_174] {strides = array<i32>} : memref<80x128xf32, #tpu.memory_space<vmem>>, vector<16xf32>,
        %parallel_loop3A_176 = arith.mulf %parallel_loop3A_170, %parallel_loop3A_175 : vector<16xf32>
        %parallel_loop3A_177 = arith.addf %parallel_loop3A_153, %parallel_loop3A_176 : vector<16xf32>
        %parallel_loop3A_178 = arith.constant 0 : i32
        %parallel_loop3A_179 = arith.addi %parallel_loop3A_107, %parallel_loop3A_178 : i32
        %parallel_loop3A_180 = arith.index_cast %parallel_loop3A_179 : i32 to index
        %parallel_loop3A_181 = arith.constant 96 : index
        %parallel_loop3A_182 = tpu.vector_load %arg10[%parallel_loop3A_180, %parallel_loop3A_181] {strides = array<i32>} : memref<80x128xf32, #tpu.memory_space<vmem>>, vector<16xf32>,
        %parallel_loop3A_183 = arith.constant 0 : i32
        %parallel_loop3A_184 = arith.addi %parallel_loop3A_107, %parallel_loop3A_183 : i32
        %parallel_loop3A_185 = arith.index_cast %parallel_loop3A_184 : i32 to index
        %parallel_loop3A_186 = arith.constant 96 : index
        %parallel_loop3A_187 = tpu.vector_load %arg12[%parallel_loop3A_185, %parallel_loop3A_186] {strides = array<i32>} : memref<80x128xf32, #tpu.memory_space<vmem>>, vector<16xf32>,
        %parallel_loop3A_188 = arith.mulf %parallel_loop3A_182, %parallel_loop3A_187 : vector<16xf32>
        %parallel_loop3A_189 = arith.addf %parallel_loop3A_165, %parallel_loop3A_188 : vector<16xf32>
        %parallel_loop3A_190 = arith.constant 0 : i32
        %parallel_loop3A_191 = arith.addi %parallel_loop3A_107, %parallel_loop3A_190 : i32
        %parallel_loop3A_192 = arith.index_cast %parallel_loop3A_191 : i32 to index
        %parallel_loop3A_193 = arith.constant 112 : index
        %parallel_loop3A_194 = tpu.vector_load %arg10[%parallel_loop3A_192, %parallel_loop3A_193] {strides = array<i32>} : memref<80x128xf32, #tpu.memory_space<vmem>>, vector<16xf32>,
        %parallel_loop3A_195 = arith.constant 0 : i32
        %parallel_loop3A_196 = arith.addi %parallel_loop3A_107, %parallel_loop3A_195 : i32
        %parallel_loop3A_197 = arith.index_cast %parallel_loop3A_196 : i32 to index
        %parallel_loop3A_198 = arith.constant 112 : index
        %parallel_loop3A_199 = tpu.vector_load %arg12[%parallel_loop3A_197, %parallel_loop3A_198] {strides = array<i32>} : memref<80x128xf32, #tpu.memory_space<vmem>>, vector<16xf32>,
        %parallel_loop3A_200 = arith.mulf %parallel_loop3A_194, %parallel_loop3A_199 : vector<16xf32>
        %parallel_loop3A_201 = arith.addf %parallel_loop3A_177, %parallel_loop3A_200 : vector<16xf32>
        %parallel_loop3A_202 = arith.addf %parallel_loop3A_189, %parallel_loop3A_201 : vector<16xf32>
        %parallel_loop3A_203 = arith.constant true
        %parallel_loop3A_204 = vector.broadcast %parallel_loop3A_203 : i1 to vector<16xi1>
        %parallel_loop3A_205 = tpu.scan <sum>, %parallel_loop3A_202 masked %parallel_loop3A_204 : vector<16xf32>, vector<16xi1> -> vector<16xf32>
        %parallel_loop3A_206 = vector.extract %parallel_loop3A_205[15] : f32 from vector<16xf32>
        %parallel_loop3A_207 = arith.constant 1 : i32
        %parallel_loop3A_208 = arith.addi %parallel_loop3A_107, %parallel_loop3A_207 : i32
        %parallel_loop3A_209 = arith.index_cast %parallel_loop3A_208 : i32 to index
        %parallel_loop3A_210 = arith.constant 0 : index
        %parallel_loop3A_211 = tpu.vector_load %arg10[%parallel_loop3A_209, %parallel_loop3A_210] {strides = array<i32>} : memref<80x128xf32, #tpu.memory_space<vmem>>, vector<16xf32>,
        %parallel_loop3A_212 = arith.constant 1 : i32
        %parallel_loop3A_213 = arith.addi %parallel_loop3A_107, %parallel_loop3A_212 : i32
        %parallel_loop3A_214 = arith.index_cast %parallel_loop3A_213 : i32 to index
        %parallel_loop3A_215 = arith.constant 0 : index
        %parallel_loop3A_216 = tpu.vector_load %arg12[%parallel_loop3A_214, %parallel_loop3A_215] {strides = array<i32>} : memref<80x128xf32, #tpu.memory_space<vmem>>, vector<16xf32>,
        %parallel_loop3A_217 = arith.mulf %parallel_loop3A_211, %parallel_loop3A_216 : vector<16xf32>
        %parallel_loop3A_218 = arith.constant 1 : i32
        %parallel_loop3A_219 = arith.addi %parallel_loop3A_107, %parallel_loop3A_218 : i32
        %parallel_loop3A_220 = arith.index_cast %parallel_loop3A_219 : i32 to index
        %parallel_loop3A_221 = arith.constant 16 : index
        %parallel_loop3A_222 = tpu.vector_load %arg10[%parallel_loop3A_220, %parallel_loop3A_221] {strides = array<i32>} : memref<80x128xf32, #tpu.memory_space<vmem>>, vector<16xf32>,
        %parallel_loop3A_223 = arith.constant 1 : i32
        %parallel_loop3A_224 = arith.addi %parallel_loop3A_107, %parallel_loop3A_223 : i32
        %parallel_loop3A_225 = arith.index_cast %parallel_loop3A_224 : i32 to index
        %parallel_loop3A_226 = arith.constant 16 : index
        %parallel_loop3A_227 = tpu.vector_load %arg12[%parallel_loop3A_225, %parallel_loop3A_226] {strides = array<i32>} : memref<80x128xf32, #tpu.memory_space<vmem>>, vector<16xf32>,
        %parallel_loop3A_228 = arith.mulf %parallel_loop3A_222, %parallel_loop3A_227 : vector<16xf32>
        %parallel_loop3A_229 = arith.constant 1 : i32
        %parallel_loop3A_230 = arith.addi %parallel_loop3A_107, %parallel_loop3A_229 : i32
        %parallel_loop3A_231 = arith.index_cast %parallel_loop3A_230 : i32 to index
        %parallel_loop3A_232 = arith.constant 32 : index
        %parallel_loop3A_233 = tpu.vector_load %arg10[%parallel_loop3A_231, %parallel_loop3A_232] {strides = array<i32>} : memref<80x128xf32, #tpu.memory_space<vmem>>, vector<16xf32>,
        %parallel_loop3A_234 = arith.constant 1 : i32
        %parallel_loop3A_235 = arith.addi %parallel_loop3A_107, %parallel_loop3A_234 : i32
        %parallel_loop3A_236 = arith.index_cast %parallel_loop3A_235 : i32 to index
        %parallel_loop3A_237 = arith.constant 32 : index
        %parallel_loop3A_238 = tpu.vector_load %arg12[%parallel_loop3A_236, %parallel_loop3A_237] {strides = array<i32>} : memref<80x128xf32, #tpu.memory_space<vmem>>, vector<16xf32>,
        %parallel_loop3A_239 = arith.mulf %parallel_loop3A_233, %parallel_loop3A_238 : vector<16xf32>
        %parallel_loop3A_240 = arith.addf %parallel_loop3A_217, %parallel_loop3A_239 : vector<16xf32>
        %parallel_loop3A_241 = arith.constant 1 : i32
        %parallel_loop3A_242 = arith.addi %parallel_loop3A_107, %parallel_loop3A_241 : i32
        %parallel_loop3A_243 = arith.index_cast %parallel_loop3A_242 : i32 to index
        %parallel_loop3A_244 = arith.constant 48 : index
        %parallel_loop3A_245 = tpu.vector_load %arg10[%parallel_loop3A_243, %parallel_loop3A_244] {strides = array<i32>} : memref<80x128xf32, #tpu.memory_space<vmem>>, vector<16xf32>,
        %parallel_loop3A_246 = arith.constant 1 : i32
        %parallel_loop3A_247 = arith.addi %parallel_loop3A_107, %parallel_loop3A_246 : i32
        %parallel_loop3A_248 = arith.index_cast %parallel_loop3A_247 : i32 to index
        %parallel_loop3A_249 = arith.constant 48 : index
        %parallel_loop3A_250 = tpu.vector_load %arg12[%parallel_loop3A_248, %parallel_loop3A_249] {strides = array<i32>} : memref<80x128xf32, #tpu.memory_space<vmem>>, vector<16xf32>,
        %parallel_loop3A_251 = arith.mulf %parallel_loop3A_245, %parallel_loop3A_250 : vector<16xf32>
        %parallel_loop3A_252 = arith.addf %parallel_loop3A_228, %parallel_loop3A_251 : vector<16xf32>
        %parallel_loop3A_253 = arith.constant 1 : i32
        %parallel_loop3A_254 = arith.addi %parallel_loop3A_107, %parallel_loop3A_253 : i32
        %parallel_loop3A_255 = arith.index_cast %parallel_loop3A_254 : i32 to index
        %parallel_loop3A_256 = arith.constant 64 : index
        %parallel_loop3A_257 = tpu.vector_load %arg10[%parallel_loop3A_255, %parallel_loop3A_256] {strides = array<i32>} : memref<80x128xf32, #tpu.memory_space<vmem>>, vector<16xf32>,
        %parallel_loop3A_258 = arith.constant 1 : i32
        %parallel_loop3A_259 = arith.addi %parallel_loop3A_107, %parallel_loop3A_258 : i32
        %parallel_loop3A_260 = arith.index_cast %parallel_loop3A_259 : i32 to index
        %parallel_loop3A_261 = arith.constant 64 : index
        %parallel_loop3A_262 = tpu.vector_load %arg12[%parallel_loop3A_260, %parallel_loop3A_261] {strides = array<i32>} : memref<80x128xf32, #tpu.memory_space<vmem>>, vector<16xf32>,
        %parallel_loop3A_263 = arith.mulf %parallel_loop3A_257, %parallel_loop3A_262 : vector<16xf32>
        %parallel_loop3A_264 = arith.addf %parallel_loop3A_240, %parallel_loop3A_263 : vector<16xf32>
        %parallel_loop3A_265 = arith.constant 1 : i32
        %parallel_loop3A_266 = arith.addi %parallel_loop3A_107, %parallel_loop3A_265 : i32
        %parallel_loop3A_267 = arith.index_cast %parallel_loop3A_266 : i32 to index
        %parallel_loop3A_268 = arith.constant 80 : index
        %parallel_loop3A_269 = tpu.vector_load %arg10[%parallel_loop3A_267, %parallel_loop3A_268] {strides = array<i32>} : memref<80x128xf32, #tpu.memory_space<vmem>>, vector<16xf32>,
        %parallel_loop3A_270 = arith.constant 1 : i32
        %parallel_loop3A_271 = arith.addi %parallel_loop3A_107, %parallel_loop3A_270 : i32
        %parallel_loop3A_272 = arith.index_cast %parallel_loop3A_271 : i32 to index
        %parallel_loop3A_273 = arith.constant 80 : index
        %parallel_loop3A_274 = tpu.vector_load %arg12[%parallel_loop3A_272, %parallel_loop3A_273] {strides = array<i32>} : memref<80x128xf32, #tpu.memory_space<vmem>>, vector<16xf32>,
        %parallel_loop3A_275 = arith.mulf %parallel_loop3A_269, %parallel_loop3A_274 : vector<16xf32>
        %parallel_loop3A_276 = arith.addf %parallel_loop3A_252, %parallel_loop3A_275 : vector<16xf32>
        %parallel_loop3A_277 = arith.constant 1 : i32
        %parallel_loop3A_278 = arith.addi %parallel_loop3A_107, %parallel_loop3A_277 : i32
        %parallel_loop3A_279 = arith.index_cast %parallel_loop3A_278 : i32 to index
        %parallel_loop3A_280 = arith.constant 96 : index
        %parallel_loop3A_281 = tpu.vector_load %arg10[%parallel_loop3A_279, %parallel_loop3A_280] {strides = array<i32>} : memref<80x128xf32, #tpu.memory_space<vmem>>, vector<16xf32>,
        %parallel_loop3A_282 = arith.constant 1 : i32
        %parallel_loop3A_283 = arith.addi %parallel_loop3A_107, %parallel_loop3A_282 : i32
        %parallel_loop3A_284 = arith.index_cast %parallel_loop3A_283 : i32 to index
        %parallel_loop3A_285 = arith.constant 96 : index
        %parallel_loop3A_286 = tpu.vector_load %arg12[%parallel_loop3A_284, %parallel_loop3A_285] {strides = array<i32>} : memref<80x128xf32, #tpu.memory_space<vmem>>, vector<16xf32>,
        %parallel_loop3A_287 = arith.mulf %parallel_loop3A_281, %parallel_loop3A_286 : vector<16xf32>
        %parallel_loop3A_288 = arith.addf %parallel_loop3A_264, %parallel_loop3A_287 : vector<16xf32>
        %parallel_loop3A_289 = arith.constant 1 : i32
        %parallel_loop3A_290 = arith.addi %parallel_loop3A_107, %parallel_loop3A_289 : i32
        %parallel_loop3A_291 = arith.index_cast %parallel_loop3A_290 : i32 to index
        %parallel_loop3A_292 = arith.constant 112 : index
        %parallel_loop3A_293 = tpu.vector_load %arg10[%parallel_loop3A_291, %parallel_loop3A_292] {strides = array<i32>} : memref<80x128xf32, #tpu.memory_space<vmem>>, vector<16xf32>,
        %parallel_loop3A_294 = arith.constant 1 : i32
        %parallel_loop3A_295 = arith.addi %parallel_loop3A_107, %parallel_loop3A_294 : i32
        %parallel_loop3A_296 = arith.index_cast %parallel_loop3A_295 : i32 to index
        %parallel_loop3A_297 = arith.constant 112 : index
        %parallel_loop3A_298 = tpu.vector_load %arg12[%parallel_loop3A_296, %parallel_loop3A_297] {strides = array<i32>} : memref<80x128xf32, #tpu.memory_space<vmem>>, vector<16xf32>,
        %parallel_loop3A_299 = arith.mulf %parallel_loop3A_293, %parallel_loop3A_298 : vector<16xf32>
        %parallel_loop3A_300 = arith.addf %parallel_loop3A_276, %parallel_loop3A_299 : vector<16xf32>
        %parallel_loop3A_301 = arith.addf %parallel_loop3A_288, %parallel_loop3A_300 : vector<16xf32>
        %parallel_loop3A_302 = arith.constant true
        %parallel_loop3A_303 = vector.broadcast %parallel_loop3A_302 : i1 to vector<16xi1>
        %parallel_loop3A_304 = tpu.scan <sum>, %parallel_loop3A_301 masked %parallel_loop3A_303 : vector<16xf32>, vector<16xi1> -> vector<16xf32>
        %parallel_loop3A_305 = vector.extract %parallel_loop3A_304[15] : f32 from vector<16xf32>
        %parallel_loop3A_306 = arith.constant 2 : i32
        %parallel_loop3A_307 = arith.addi %parallel_loop3A_107, %parallel_loop3A_306 : i32
        %parallel_loop3A_308 = arith.index_cast %parallel_loop3A_307 : i32 to index
        %parallel_loop3A_309 = arith.constant 0 : index
        %parallel_loop3A_310 = tpu.vector_load %arg10[%parallel_loop3A_308, %parallel_loop3A_309] {strides = array<i32>} : memref<80x128xf32, #tpu.memory_space<vmem>>, vector<16xf32>,
        %parallel_loop3A_311 = arith.constant 2 : i32
        %parallel_loop3A_312 = arith.addi %parallel_loop3A_107, %parallel_loop3A_311 : i32
        %parallel_loop3A_313 = arith.index_cast %parallel_loop3A_312 : i32 to index
        %parallel_loop3A_314 = arith.constant 0 : index
        %parallel_loop3A_315 = tpu.vector_load %arg12[%parallel_loop3A_313, %parallel_loop3A_314] {strides = array<i32>} : memref<80x128xf32, #tpu.memory_space<vmem>>, vector<16xf32>,
        %parallel_loop3A_316 = arith.mulf %parallel_loop3A_310, %parallel_loop3A_315 : vector<16xf32>
        %parallel_loop3A_317 = arith.constant 2 : i32
        %parallel_loop3A_318 = arith.addi %parallel_loop3A_107, %parallel_loop3A_317 : i32
        %parallel_loop3A_319 = arith.index_cast %parallel_loop3A_318 : i32 to index
        %parallel_loop3A_320 = arith.constant 16 : index
        %parallel_loop3A_321 = tpu.vector_load %arg10[%parallel_loop3A_319, %parallel_loop3A_320] {strides = array<i32>} : memref<80x128xf32, #tpu.memory_space<vmem>>, vector<16xf32>,
        %parallel_loop3A_322 = arith.constant 2 : i32
        %parallel_loop3A_323 = arith.addi %parallel_loop3A_107, %parallel_loop3A_322 : i32
        %parallel_loop3A_324 = arith.index_cast %parallel_loop3A_323 : i32 to index
        %parallel_loop3A_325 = arith.constant 16 : index
        %parallel_loop3A_326 = tpu.vector_load %arg12[%parallel_loop3A_324, %parallel_loop3A_325] {strides = array<i32>} : memref<80x128xf32, #tpu.memory_space<vmem>>, vector<16xf32>,
        %parallel_loop3A_327 = arith.mulf %parallel_loop3A_321, %parallel_loop3A_326 : vector<16xf32>
        %parallel_loop3A_328 = arith.constant 2 : i32
        %parallel_loop3A_329 = arith.addi %parallel_loop3A_107, %parallel_loop3A_328 : i32
        %parallel_loop3A_330 = arith.index_cast %parallel_loop3A_329 : i32 to index
        %parallel_loop3A_331 = arith.constant 32 : index
        %parallel_loop3A_332 = tpu.vector_load %arg10[%parallel_loop3A_330, %parallel_loop3A_331] {strides = array<i32>} : memref<80x128xf32, #tpu.memory_space<vmem>>, vector<16xf32>,
        %parallel_loop3A_333 = arith.constant 2 : i32
        %parallel_loop3A_334 = arith.addi %parallel_loop3A_107, %parallel_loop3A_333 : i32
        %parallel_loop3A_335 = arith.index_cast %parallel_loop3A_334 : i32 to index
        %parallel_loop3A_336 = arith.constant 32 : index
        %parallel_loop3A_337 = tpu.vector_load %arg12[%parallel_loop3A_335, %parallel_loop3A_336] {strides = array<i32>} : memref<80x128xf32, #tpu.memory_space<vmem>>, vector<16xf32>,
        %parallel_loop3A_338 = arith.mulf %parallel_loop3A_332, %parallel_loop3A_337 : vector<16xf32>
        %parallel_loop3A_339 = arith.addf %parallel_loop3A_316, %parallel_loop3A_338 : vector<16xf32>
        %parallel_loop3A_340 = arith.constant 2 : i32
        %parallel_loop3A_341 = arith.addi %parallel_loop3A_107, %parallel_loop3A_340 : i32
        %parallel_loop3A_342 = arith.index_cast %parallel_loop3A_341 : i32 to index
        %parallel_loop3A_343 = arith.constant 48 : index
        %parallel_loop3A_344 = tpu.vector_load %arg10[%parallel_loop3A_342, %parallel_loop3A_343] {strides = array<i32>} : memref<80x128xf32, #tpu.memory_space<vmem>>, vector<16xf32>,
        %parallel_loop3A_345 = arith.constant 2 : i32
        %parallel_loop3A_346 = arith.addi %parallel_loop3A_107, %parallel_loop3A_345 : i32
        %parallel_loop3A_347 = arith.index_cast %parallel_loop3A_346 : i32 to index
        %parallel_loop3A_348 = arith.constant 48 : index
        %parallel_loop3A_349 = tpu.vector_load %arg12[%parallel_loop3A_347, %parallel_loop3A_348] {strides = array<i32>} : memref<80x128xf32, #tpu.memory_space<vmem>>, vector<16xf32>,
        %parallel_loop3A_350 = arith.mulf %parallel_loop3A_344, %parallel_loop3A_349 : vector<16xf32>
        %parallel_loop3A_351 = arith.addf %parallel_loop3A_327, %parallel_loop3A_350 : vector<16xf32>
        %parallel_loop3A_352 = arith.constant 2 : i32
        %parallel_loop3A_353 = arith.addi %parallel_loop3A_107, %parallel_loop3A_352 : i32
        %parallel_loop3A_354 = arith.index_cast %parallel_loop3A_353 : i32 to index
        %parallel_loop3A_355 = arith.constant 64 : index
        %parallel_loop3A_356 = tpu.vector_load %arg10[%parallel_loop3A_354, %parallel_loop3A_355] {strides = array<i32>} : memref<80x128xf32, #tpu.memory_space<vmem>>, vector<16xf32>,
        %parallel_loop3A_357 = arith.constant 2 : i32
        %parallel_loop3A_358 = arith.addi %parallel_loop3A_107, %parallel_loop3A_357 : i32
        %parallel_loop3A_359 = arith.index_cast %parallel_loop3A_358 : i32 to index
        %parallel_loop3A_360 = arith.constant 64 : index
        %parallel_loop3A_361 = tpu.vector_load %arg12[%parallel_loop3A_359, %parallel_loop3A_360] {strides = array<i32>} : memref<80x128xf32, #tpu.memory_space<vmem>>, vector<16xf32>,
        %parallel_loop3A_362 = arith.mulf %parallel_loop3A_356, %parallel_loop3A_361 : vector<16xf32>
        %parallel_loop3A_363 = arith.addf %parallel_loop3A_339, %parallel_loop3A_362 : vector<16xf32>
        %parallel_loop3A_364 = arith.constant 2 : i32
        %parallel_loop3A_365 = arith.addi %parallel_loop3A_107, %parallel_loop3A_364 : i32
        %parallel_loop3A_366 = arith.index_cast %parallel_loop3A_365 : i32 to index
        %parallel_loop3A_367 = arith.constant 80 : index
        %parallel_loop3A_368 = tpu.vector_load %arg10[%parallel_loop3A_366, %parallel_loop3A_367] {strides = array<i32>} : memref<80x128xf32, #tpu.memory_space<vmem>>, vector<16xf32>,
        %parallel_loop3A_369 = arith.constant 2 : i32
        %parallel_loop3A_370 = arith.addi %parallel_loop3A_107, %parallel_loop3A_369 : i32
        %parallel_loop3A_371 = arith.index_cast %parallel_loop3A_370 : i32 to index
        %parallel_loop3A_372 = arith.constant 80 : index
        %parallel_loop3A_373 = tpu.vector_load %arg12[%parallel_loop3A_371, %parallel_loop3A_372] {strides = array<i32>} : memref<80x128xf32, #tpu.memory_space<vmem>>, vector<16xf32>,
        %parallel_loop3A_374 = arith.mulf %parallel_loop3A_368, %parallel_loop3A_373 : vector<16xf32>
        %parallel_loop3A_375 = arith.addf %parallel_loop3A_351, %parallel_loop3A_374 : vector<16xf32>
        %parallel_loop3A_376 = arith.constant 2 : i32
        %parallel_loop3A_377 = arith.addi %parallel_loop3A_107, %parallel_loop3A_376 : i32
        %parallel_loop3A_378 = arith.index_cast %parallel_loop3A_377 : i32 to index
        %parallel_loop3A_379 = arith.constant 96 : index
        %parallel_loop3A_380 = tpu.vector_load %arg10[%parallel_loop3A_378, %parallel_loop3A_379] {strides = array<i32>} : memref<80x128xf32, #tpu.memory_space<vmem>>, vector<16xf32>,
        %parallel_loop3A_381 = arith.constant 2 : i32
        %parallel_loop3A_382 = arith.addi %parallel_loop3A_107, %parallel_loop3A_381 : i32
        %parallel_loop3A_383 = arith.index_cast %parallel_loop3A_382 : i32 to index
        %parallel_loop3A_384 = arith.constant 96 : index
        %parallel_loop3A_385 = tpu.vector_load %arg12[%parallel_loop3A_383, %parallel_loop3A_384] {strides = array<i32>} : memref<80x128xf32, #tpu.memory_space<vmem>>, vector<16xf32>,
        %parallel_loop3A_386 = arith.mulf %parallel_loop3A_380, %parallel_loop3A_385 : vector<16xf32>
        %parallel_loop3A_387 = arith.addf %parallel_loop3A_363, %parallel_loop3A_386 : vector<16xf32>
        %parallel_loop3A_388 = arith.constant 2 : i32
        %parallel_loop3A_389 = arith.addi %parallel_loop3A_107, %parallel_loop3A_388 : i32
        %parallel_loop3A_390 = arith.index_cast %parallel_loop3A_389 : i32 to index
        %parallel_loop3A_391 = arith.constant 112 : index
        %parallel_loop3A_392 = tpu.vector_load %arg10[%parallel_loop3A_390, %parallel_loop3A_391] {strides = array<i32>} : memref<80x128xf32, #tpu.memory_space<vmem>>, vector<16xf32>,
        %parallel_loop3A_393 = arith.constant 2 : i32
        %parallel_loop3A_394 = arith.addi %parallel_loop3A_107, %parallel_loop3A_393 : i32
        %parallel_loop3A_395 = arith.index_cast %parallel_loop3A_394 : i32 to index
        %parallel_loop3A_396 = arith.constant 112 : index
        %parallel_loop3A_397 = tpu.vector_load %arg12[%parallel_loop3A_395, %parallel_loop3A_396] {strides = array<i32>} : memref<80x128xf32, #tpu.memory_space<vmem>>, vector<16xf32>,
        %parallel_loop3A_398 = arith.mulf %parallel_loop3A_392, %parallel_loop3A_397 : vector<16xf32>
        %parallel_loop3A_399 = arith.addf %parallel_loop3A_375, %parallel_loop3A_398 : vector<16xf32>
        %parallel_loop3A_400 = arith.addf %parallel_loop3A_387, %parallel_loop3A_399 : vector<16xf32>
        %parallel_loop3A_401 = arith.constant true
        %parallel_loop3A_402 = vector.broadcast %parallel_loop3A_401 : i1 to vector<16xi1>
        %parallel_loop3A_403 = tpu.scan <sum>, %parallel_loop3A_400 masked %parallel_loop3A_402 : vector<16xf32>, vector<16xi1> -> vector<16xf32>
        %parallel_loop3A_404 = vector.extract %parallel_loop3A_403[15] : f32 from vector<16xf32>
        %parallel_loop3A_405 = arith.constant 3 : i32
        %parallel_loop3A_406 = arith.addi %parallel_loop3A_107, %parallel_loop3A_405 : i32
        %parallel_loop3A_407 = arith.index_cast %parallel_loop3A_406 : i32 to index
        %parallel_loop3A_408 = arith.constant 0 : index
        %parallel_loop3A_409 = tpu.vector_load %arg10[%parallel_loop3A_407, %parallel_loop3A_408] {strides = array<i32>} : memref<80x128xf32, #tpu.memory_space<vmem>>, vector<16xf32>,
        %parallel_loop3A_410 = arith.constant 3 : i32
        %parallel_loop3A_411 = arith.addi %parallel_loop3A_107, %parallel_loop3A_410 : i32
        %parallel_loop3A_412 = arith.index_cast %parallel_loop3A_411 : i32 to index
        %parallel_loop3A_413 = arith.constant 0 : index
        %parallel_loop3A_414 = tpu.vector_load %arg12[%parallel_loop3A_412, %parallel_loop3A_413] {strides = array<i32>} : memref<80x128xf32, #tpu.memory_space<vmem>>, vector<16xf32>,
        %parallel_loop3A_415 = arith.mulf %parallel_loop3A_409, %parallel_loop3A_414 : vector<16xf32>
        %parallel_loop3A_416 = arith.constant 3 : i32
        %parallel_loop3A_417 = arith.addi %parallel_loop3A_107, %parallel_loop3A_416 : i32
        %parallel_loop3A_418 = arith.index_cast %parallel_loop3A_417 : i32 to index
        %parallel_loop3A_419 = arith.constant 16 : index
        %parallel_loop3A_420 = tpu.vector_load %arg10[%parallel_loop3A_418, %parallel_loop3A_419] {strides = array<i32>} : memref<80x128xf32, #tpu.memory_space<vmem>>, vector<16xf32>,
        %parallel_loop3A_421 = arith.constant 3 : i32
        %parallel_loop3A_422 = arith.addi %parallel_loop3A_107, %parallel_loop3A_421 : i32
        %parallel_loop3A_423 = arith.index_cast %parallel_loop3A_422 : i32 to index
        %parallel_loop3A_424 = arith.constant 16 : index
        %parallel_loop3A_425 = tpu.vector_load %arg12[%parallel_loop3A_423, %parallel_loop3A_424] {strides = array<i32>} : memref<80x128xf32, #tpu.memory_space<vmem>>, vector<16xf32>,
        %parallel_loop3A_426 = arith.mulf %parallel_loop3A_420, %parallel_loop3A_425 : vector<16xf32>
        %parallel_loop3A_427 = arith.constant 3 : i32
        %parallel_loop3A_428 = arith.addi %parallel_loop3A_107, %parallel_loop3A_427 : i32
        %parallel_loop3A_429 = arith.index_cast %parallel_loop3A_428 : i32 to index
        %parallel_loop3A_430 = arith.constant 32 : index
        %parallel_loop3A_431 = tpu.vector_load %arg10[%parallel_loop3A_429, %parallel_loop3A_430] {strides = array<i32>} : memref<80x128xf32, #tpu.memory_space<vmem>>, vector<16xf32>,
        %parallel_loop3A_432 = arith.constant 3 : i32
        %parallel_loop3A_433 = arith.addi %parallel_loop3A_107, %parallel_loop3A_432 : i32
        %parallel_loop3A_434 = arith.index_cast %parallel_loop3A_433 : i32 to index
        %parallel_loop3A_435 = arith.constant 32 : index
        %parallel_loop3A_436 = tpu.vector_load %arg12[%parallel_loop3A_434, %parallel_loop3A_435] {strides = array<i32>} : memref<80x128xf32, #tpu.memory_space<vmem>>, vector<16xf32>,
        %parallel_loop3A_437 = arith.mulf %parallel_loop3A_431, %parallel_loop3A_436 : vector<16xf32>
        %parallel_loop3A_438 = arith.addf %parallel_loop3A_415, %parallel_loop3A_437 : vector<16xf32>
        %parallel_loop3A_439 = arith.constant 3 : i32
        %parallel_loop3A_440 = arith.addi %parallel_loop3A_107, %parallel_loop3A_439 : i32
        %parallel_loop3A_441 = arith.index_cast %parallel_loop3A_440 : i32 to index
        %parallel_loop3A_442 = arith.constant 48 : index
        %parallel_loop3A_443 = tpu.vector_load %arg10[%parallel_loop3A_441, %parallel_loop3A_442] {strides = array<i32>} : memref<80x128xf32, #tpu.memory_space<vmem>>, vector<16xf32>,
        %parallel_loop3A_444 = arith.constant 3 : i32
        %parallel_loop3A_445 = arith.addi %parallel_loop3A_107, %parallel_loop3A_444 : i32
        %parallel_loop3A_446 = arith.index_cast %parallel_loop3A_445 : i32 to index
        %parallel_loop3A_447 = arith.constant 48 : index
        %parallel_loop3A_448 = tpu.vector_load %arg12[%parallel_loop3A_446, %parallel_loop3A_447] {strides = array<i32>} : memref<80x128xf32, #tpu.memory_space<vmem>>, vector<16xf32>,
        %parallel_loop3A_449 = arith.mulf %parallel_loop3A_443, %parallel_loop3A_448 : vector<16xf32>
        %parallel_loop3A_450 = arith.addf %parallel_loop3A_426, %parallel_loop3A_449 : vector<16xf32>
        %parallel_loop3A_451 = arith.constant 3 : i32
        %parallel_loop3A_452 = arith.addi %parallel_loop3A_107, %parallel_loop3A_451 : i32
        %parallel_loop3A_453 = arith.index_cast %parallel_loop3A_452 : i32 to index
        %parallel_loop3A_454 = arith.constant 64 : index
        %parallel_loop3A_455 = tpu.vector_load %arg10[%parallel_loop3A_453, %parallel_loop3A_454] {strides = array<i32>} : memref<80x128xf32, #tpu.memory_space<vmem>>, vector<16xf32>,
        %parallel_loop3A_456 = arith.constant 3 : i32
        %parallel_loop3A_457 = arith.addi %parallel_loop3A_107, %parallel_loop3A_456 : i32
        %parallel_loop3A_458 = arith.index_cast %parallel_loop3A_457 : i32 to index
        %parallel_loop3A_459 = arith.constant 64 : index
        %parallel_loop3A_460 = tpu.vector_load %arg12[%parallel_loop3A_458, %parallel_loop3A_459] {strides = array<i32>} : memref<80x128xf32, #tpu.memory_space<vmem>>, vector<16xf32>,
        %parallel_loop3A_461 = arith.mulf %parallel_loop3A_455, %parallel_loop3A_460 : vector<16xf32>
        %parallel_loop3A_462 = arith.addf %parallel_loop3A_438, %parallel_loop3A_461 : vector<16xf32>
        %parallel_loop3A_463 = arith.constant 3 : i32
        %parallel_loop3A_464 = arith.addi %parallel_loop3A_107, %parallel_loop3A_463 : i32
        %parallel_loop3A_465 = arith.index_cast %parallel_loop3A_464 : i32 to index
        %parallel_loop3A_466 = arith.constant 80 : index
        %parallel_loop3A_467 = tpu.vector_load %arg10[%parallel_loop3A_465, %parallel_loop3A_466] {strides = array<i32>} : memref<80x128xf32, #tpu.memory_space<vmem>>, vector<16xf32>,
        %parallel_loop3A_468 = arith.constant 3 : i32
        %parallel_loop3A_469 = arith.addi %parallel_loop3A_107, %parallel_loop3A_468 : i32
        %parallel_loop3A_470 = arith.index_cast %parallel_loop3A_469 : i32 to index
        %parallel_loop3A_471 = arith.constant 80 : index
        %parallel_loop3A_472 = tpu.vector_load %arg12[%parallel_loop3A_470, %parallel_loop3A_471] {strides = array<i32>} : memref<80x128xf32, #tpu.memory_space<vmem>>, vector<16xf32>,
        %parallel_loop3A_473 = arith.mulf %parallel_loop3A_467, %parallel_loop3A_472 : vector<16xf32>
        %parallel_loop3A_474 = arith.addf %parallel_loop3A_450, %parallel_loop3A_473 : vector<16xf32>
        %parallel_loop3A_475 = arith.constant 3 : i32
        %parallel_loop3A_476 = arith.addi %parallel_loop3A_107, %parallel_loop3A_475 : i32
        %parallel_loop3A_477 = arith.index_cast %parallel_loop3A_476 : i32 to index
        %parallel_loop3A_478 = arith.constant 96 : index
        %parallel_loop3A_479 = tpu.vector_load %arg10[%parallel_loop3A_477, %parallel_loop3A_478] {strides = array<i32>} : memref<80x128xf32, #tpu.memory_space<vmem>>, vector<16xf32>,
        %parallel_loop3A_480 = arith.constant 3 : i32
        %parallel_loop3A_481 = arith.addi %parallel_loop3A_107, %parallel_loop3A_480 : i32
        %parallel_loop3A_482 = arith.index_cast %parallel_loop3A_481 : i32 to index
        %parallel_loop3A_483 = arith.constant 96 : index
        %parallel_loop3A_484 = tpu.vector_load %arg12[%parallel_loop3A_482, %parallel_loop3A_483] {strides = array<i32>} : memref<80x128xf32, #tpu.memory_space<vmem>>, vector<16xf32>,
        %parallel_loop3A_485 = arith.mulf %parallel_loop3A_479, %parallel_loop3A_484 : vector<16xf32>
        %parallel_loop3A_486 = arith.addf %parallel_loop3A_462, %parallel_loop3A_485 : vector<16xf32>
        %parallel_loop3A_487 = arith.constant 3 : i32
        %parallel_loop3A_488 = arith.addi %parallel_loop3A_107, %parallel_loop3A_487 : i32
        %parallel_loop3A_489 = arith.index_cast %parallel_loop3A_488 : i32 to index
        %parallel_loop3A_490 = arith.constant 112 : index
        %parallel_loop3A_491 = tpu.vector_load %arg10[%parallel_loop3A_489, %parallel_loop3A_490] {strides = array<i32>} : memref<80x128xf32, #tpu.memory_space<vmem>>, vector<16xf32>,
        %parallel_loop3A_492 = arith.constant 3 : i32
        %parallel_loop3A_493 = arith.addi %parallel_loop3A_107, %parallel_loop3A_492 : i32
        %parallel_loop3A_494 = arith.index_cast %parallel_loop3A_493 : i32 to index
        %parallel_loop3A_495 = arith.constant 112 : index
        %parallel_loop3A_496 = tpu.vector_load %arg12[%parallel_loop3A_494, %parallel_loop3A_495] {strides = array<i32>} : memref<80x128xf32, #tpu.memory_space<vmem>>, vector<16xf32>,
        %parallel_loop3A_497 = arith.mulf %parallel_loop3A_491, %parallel_loop3A_496 : vector<16xf32>
        %parallel_loop3A_498 = arith.addf %parallel_loop3A_474, %parallel_loop3A_497 : vector<16xf32>
        %parallel_loop3A_499 = arith.addf %parallel_loop3A_486, %parallel_loop3A_498 : vector<16xf32>
        %parallel_loop3A_500 = arith.constant true
        %parallel_loop3A_501 = vector.broadcast %parallel_loop3A_500 : i1 to vector<16xi1>
        %parallel_loop3A_502 = tpu.scan <sum>, %parallel_loop3A_499 masked %parallel_loop3A_501 : vector<16xf32>, vector<16xi1> -> vector<16xf32>
        %parallel_loop3A_503 = vector.extract %parallel_loop3A_502[15] : f32 from vector<16xf32>
        %parallel_loop3A_504 = arith.constant 0 : i32
        %parallel_loop3A_505 = vector.broadcast %parallel_loop3A_504 : i32 to vector<16xi32>
        %parallel_loop3A_506 = arith.cmpi eq, %iota3A, %parallel_loop3A_505 : vector<16xi32>
        %parallel_loop3A_507 = arith.constant 1 : i32
        %parallel_loop3A_508 = vector.broadcast %parallel_loop3A_507 : i32 to vector<16xi32>
        %parallel_loop3A_509 = arith.cmpi eq, %iota3A, %parallel_loop3A_508 : vector<16xi32>
        %parallel_loop3A_510 = arith.constant 2 : i32
        %parallel_loop3A_511 = vector.broadcast %parallel_loop3A_510 : i32 to vector<16xi32>
        %parallel_loop3A_512 = arith.cmpi eq, %iota3A, %parallel_loop3A_511 : vector<16xi32>
        %parallel_loop3A_513 = vector.broadcast %parallel_loop3A_404 : f32 to vector<16xf32>
        %parallel_loop3A_514 = vector.broadcast %parallel_loop3A_503 : f32 to vector<16xf32>
        %parallel_loop3A_515 = arith.select %parallel_loop3A_512, %parallel_loop3A_513, %parallel_loop3A_514 : vector<16xi1>, vector<16xf32>
        %parallel_loop3A_516 = vector.broadcast %parallel_loop3A_305 : f32 to vector<16xf32>
        %parallel_loop3A_517 = arith.select %parallel_loop3A_509, %parallel_loop3A_516, %parallel_loop3A_515 : vector<16xi1>, vector<16xf32>
        %parallel_loop3A_518 = vector.broadcast %parallel_loop3A_206 : f32 to vector<16xf32>
        %parallel_loop3A_519 = arith.select %parallel_loop3A_506, %parallel_loop3A_518, %parallel_loop3A_517 : vector<16xi1>, vector<16xf32>
        %parallel_loop3A_520 = arith.addi %multiple_of3A_98, %parallel_loop3A_107 : i32
        %parallel_loop3A_521 = vector.broadcast %parallel_loop3A_520 : i32 to vector<16xi32>
        %parallel_loop3A_522 = arith.addi %parallel_loop3A_521, %iota3A : vector<16xi32>
        tpu.vector_store_idx %arg13[%parallel_loop3A_522], %parallel_loop3A_519 masked %lt3A_101 : memref<10000xf32, #tpu.memory_space<vmem>>[vector<16xi32>], vector<16xf32>, vector<16xi1>
      } {sc.loop_unroll_factor = 2 : i64, sc.parallel_access}
    }
    %scan3A_16 = arith.constant 62 : i32
    %multiple_of3A_17 = arith.constant 9920 : i32
    %multiple_of3A_18 = tpu.assume_multiple %multiple_of3A_17, 8 : i32
    %dma_wait3A = tpu.memref_slice %arg7[%multiple_of3A_18] : memref<10000xi32, #tpu.memory_space<vmem>> -> memref<80xi32, #tpu.memory_space<vmem>>
    %dma_wait3A_19 = arith.constant 0 : i32
    %dma_wait3A_20 = arith.constant 0 : i32
    %dma_wait3A_21 = tpu.memref_slice %arg2[%dma_wait3A_19, %dma_wait3A_20] : memref<10000x128xf32, #tpu.memory_space<hbm>> -> memref<10000x128xf32, #tpu.memory_space<hbm>>
    tpu.wait_indirect_dma semaphore(%arg14 : memref<!tpu.dma_semaphore, #tpu.memory_space<semaphore_mem>>) src(%dma_wait3A_21 : memref<10000x128xf32, #tpu.memory_space<hbm>>) dst(%arg9 : memref<80x128xf32, #tpu.memory_space<vmem>>)
    %dma_wait3A_22 = tpu.memref_slice %arg8[%multiple_of3A_18] : memref<10000xi32, #tpu.memory_space<vmem>> -> memref<80xi32, #tpu.memory_space<vmem>>
    %dma_wait3A_23 = arith.constant 0 : i32
    %dma_wait3A_24 = arith.constant 0 : i32
    %dma_wait3A_25 = tpu.memref_slice %arg3[%dma_wait3A_23, %dma_wait3A_24] : memref<10000x128xf32, #tpu.memory_space<hbm>> -> memref<10000x128xf32, #tpu.memory_space<hbm>>
    tpu.wait_indirect_dma semaphore(%arg16 : memref<!tpu.dma_semaphore, #tpu.memory_space<semaphore_mem>>) src(%dma_wait3A_25 : memref<10000x128xf32, #tpu.memory_space<hbm>>) dst(%arg11 : memref<80x128xf32, #tpu.memory_space<vmem>>)
    %multiple_of3A_26 = arith.constant 9920 : i32
    %multiple_of3A_27 = tpu.assume_multiple %multiple_of3A_26, 8 : i32
    %lt3A = arith.constant 4 : i32
    %lt3A_28 = vector.broadcast %lt3A : i32 to vector<16xi32>
    %lt3A_29 = arith.cmpi slt, %iota3A, %lt3A_28 : vector<16xi32>
    %parallel_loop3A = arith.constant 0 : i32
    %parallel_loop3A_30 = arith.constant 20 : i32
    %parallel_loop3A_31 = arith.constant 1 : i32
    scf.for %parallel_loop3A_32 = %parallel_loop3A to %parallel_loop3A_30 step %parallel_loop3A_31  : i32 {
      %parallel_loop3A_33 = arith.constant 4 : i32
      %parallel_loop3A_34 = arith.muli %parallel_loop3A_32, %parallel_loop3A_33 : i32
      %parallel_loop3A_35 = arith.constant 0 : i32
      %parallel_loop3A_36 = arith.addi %parallel_loop3A_34, %parallel_loop3A_35 : i32
      %parallel_loop3A_37 = arith.index_cast %parallel_loop3A_36 : i32 to index
      %parallel_loop3A_38 = arith.constant 0 : index
      %parallel_loop3A_39 = tpu.vector_load %arg9[%parallel_loop3A_37, %parallel_loop3A_38] {strides = array<i32>} : memref<80x128xf32, #tpu.memory_space<vmem>>, vector<16xf32>,
      %parallel_loop3A_40 = arith.constant 0 : i32
      %parallel_loop3A_41 = arith.addi %parallel_loop3A_34, %parallel_loop3A_40 : i32
      %parallel_loop3A_42 = arith.index_cast %parallel_loop3A_41 : i32 to index
      %parallel_loop3A_43 = arith.constant 0 : index
      %parallel_loop3A_44 = tpu.vector_load %arg11[%parallel_loop3A_42, %parallel_loop3A_43] {strides = array<i32>} : memref<80x128xf32, #tpu.memory_space<vmem>>, vector<16xf32>,
      %parallel_loop3A_45 = arith.mulf %parallel_loop3A_39, %parallel_loop3A_44 : vector<16xf32>
      %parallel_loop3A_46 = arith.constant 0 : i32
      %parallel_loop3A_47 = arith.addi %parallel_loop3A_34, %parallel_loop3A_46 : i32
      %parallel_loop3A_48 = arith.index_cast %parallel_loop3A_47 : i32 to index
      %parallel_loop3A_49 = arith.constant 16 : index
      %parallel_loop3A_50 = tpu.vector_load %arg9[%parallel_loop3A_48, %parallel_loop3A_49] {strides = array<i32>} : memref<80x128xf32, #tpu.memory_space<vmem>>, vector<16xf32>,
      %parallel_loop3A_51 = arith.constant 0 : i32
      %parallel_loop3A_52 = arith.addi %parallel_loop3A_34, %parallel_loop3A_51 : i32
      %parallel_loop3A_53 = arith.index_cast %parallel_loop3A_52 : i32 to index
      %parallel_loop3A_54 = arith.constant 16 : index
      %parallel_loop3A_55 = tpu.vector_load %arg11[%parallel_loop3A_53, %parallel_loop3A_54] {strides = array<i32>} : memref<80x128xf32, #tpu.memory_space<vmem>>, vector<16xf32>,
      %parallel_loop3A_56 = arith.mulf %parallel_loop3A_50, %parallel_loop3A_55 : vector<16xf32>
      %parallel_loop3A_57 = arith.constant 0 : i32
      %parallel_loop3A_58 = arith.addi %parallel_loop3A_34, %parallel_loop3A_57 : i32
      %parallel_loop3A_59 = arith.index_cast %parallel_loop3A_58 : i32 to index
      %parallel_loop3A_60 = arith.constant 32 : index
      %parallel_loop3A_61 = tpu.vector_load %arg9[%parallel_loop3A_59, %parallel_loop3A_60] {strides = array<i32>} : memref<80x128xf32, #tpu.memory_space<vmem>>, vector<16xf32>,
      %parallel_loop3A_62 = arith.constant 0 : i32
      %parallel_loop3A_63 = arith.addi %parallel_loop3A_34, %parallel_loop3A_62 : i32
      %parallel_loop3A_64 = arith.index_cast %parallel_loop3A_63 : i32 to index
      %parallel_loop3A_65 = arith.constant 32 : index
      %parallel_loop3A_66 = tpu.vector_load %arg11[%parallel_loop3A_64, %parallel_loop3A_65] {strides = array<i32>} : memref<80x128xf32, #tpu.memory_space<vmem>>, vector<16xf32>,
      %parallel_loop3A_67 = arith.mulf %parallel_loop3A_61, %parallel_loop3A_66 : vector<16xf32>
      %parallel_loop3A_68 = arith.addf %parallel_loop3A_45, %parallel_loop3A_67 : vector<16xf32>
      %parallel_loop3A_69 = arith.constant 0 : i32
      %parallel_loop3A_70 = arith.addi %parallel_loop3A_34, %parallel_loop3A_69 : i32
      %parallel_loop3A_71 = arith.index_cast %parallel_loop3A_70 : i32 to index
      %parallel_loop3A_72 = arith.constant 48 : index
      %parallel_loop3A_73 = tpu.vector_load %arg9[%parallel_loop3A_71, %parallel_loop3A_72] {strides = array<i32>} : memref<80x128xf32, #tpu.memory_space<vmem>>, vector<16xf32>,
      %parallel_loop3A_74 = arith.constant 0 : i32
      %parallel_loop3A_75 = arith.addi %parallel_loop3A_34, %parallel_loop3A_74 : i32
      %parallel_loop3A_76 = arith.index_cast %parallel_loop3A_75 : i32 to index
      %parallel_loop3A_77 = arith.constant 48 : index
      %parallel_loop3A_78 = tpu.vector_load %arg11[%parallel_loop3A_76, %parallel_loop3A_77] {strides = array<i32>} : memref<80x128xf32, #tpu.memory_space<vmem>>, vector<16xf32>,
      %parallel_loop3A_79 = arith.mulf %parallel_loop3A_73, %parallel_loop3A_78 : vector<16xf32>
      %parallel_loop3A_80 = arith.addf %parallel_loop3A_56, %parallel_loop3A_79 : vector<16xf32>
      %parallel_loop3A_81 = arith.constant 0 : i32
      %parallel_loop3A_82 = arith.addi %parallel_loop3A_34, %parallel_loop3A_81 : i32
      %parallel_loop3A_83 = arith.index_cast %parallel_loop3A_82 : i32 to index
      %parallel_loop3A_84 = arith.constant 64 : index
      %parallel_loop3A_85 = tpu.vector_load %arg9[%parallel_loop3A_83, %parallel_loop3A_84] {strides = array<i32>} : memref<80x128xf32, #tpu.memory_space<vmem>>, vector<16xf32>,
      %parallel_loop3A_86 = arith.constant 0 : i32
      %parallel_loop3A_87 = arith.addi %parallel_loop3A_34, %parallel_loop3A_86 : i32
      %parallel_loop3A_88 = arith.index_cast %parallel_loop3A_87 : i32 to index
      %parallel_loop3A_89 = arith.constant 64 : index
      %parallel_loop3A_90 = tpu.vector_load %arg11[%parallel_loop3A_88, %parallel_loop3A_89] {strides = array<i32>} : memref<80x128xf32, #tpu.memory_space<vmem>>, vector<16xf32>,
      %parallel_loop3A_91 = arith.mulf %parallel_loop3A_85, %parallel_loop3A_90 : vector<16xf32>
      %parallel_loop3A_92 = arith.addf %parallel_loop3A_68, %parallel_loop3A_91 : vector<16xf32>
      %parallel_loop3A_93 = arith.constant 0 : i32
      %parallel_loop3A_94 = arith.addi %parallel_loop3A_34, %parallel_loop3A_93 : i32
      %parallel_loop3A_95 = arith.index_cast %parallel_loop3A_94 : i32 to index
      %parallel_loop3A_96 = arith.constant 80 : index
      %parallel_loop3A_97 = tpu.vector_load %arg9[%parallel_loop3A_95, %parallel_loop3A_96] {strides = array<i32>} : memref<80x128xf32, #tpu.memory_space<vmem>>, vector<16xf32>,
      %parallel_loop3A_98 = arith.constant 0 : i32
      %parallel_loop3A_99 = arith.addi %parallel_loop3A_34, %parallel_loop3A_98 : i32
      %parallel_loop3A_100 = arith.index_cast %parallel_loop3A_99 : i32 to index
      %parallel_loop3A_101 = arith.constant 80 : index
      %parallel_loop3A_102 = tpu.vector_load %arg11[%parallel_loop3A_100, %parallel_loop3A_101] {strides = array<i32>} : memref<80x128xf32, #tpu.memory_space<vmem>>, vector<16xf32>,
      %parallel_loop3A_103 = arith.mulf %parallel_loop3A_97, %parallel_loop3A_102 : vector<16xf32>
      %parallel_loop3A_104 = arith.addf %parallel_loop3A_80, %parallel_loop3A_103 : vector<16xf32>
      %parallel_loop3A_105 = arith.constant 0 : i32
      %parallel_loop3A_106 = arith.addi %parallel_loop3A_34, %parallel_loop3A_105 : i32
      %parallel_loop3A_107 = arith.index_cast %parallel_loop3A_106 : i32 to index
      %parallel_loop3A_108 = arith.constant 96 : index
      %parallel_loop3A_109 = tpu.vector_load %arg9[%parallel_loop3A_107, %parallel_loop3A_108] {strides = array<i32>} : memref<80x128xf32, #tpu.memory_space<vmem>>, vector<16xf32>,
      %parallel_loop3A_110 = arith.constant 0 : i32
      %parallel_loop3A_111 = arith.addi %parallel_loop3A_34, %parallel_loop3A_110 : i32
      %parallel_loop3A_112 = arith.index_cast %parallel_loop3A_111 : i32 to index
      %parallel_loop3A_113 = arith.constant 96 : index
      %parallel_loop3A_114 = tpu.vector_load %arg11[%parallel_loop3A_112, %parallel_loop3A_113] {strides = array<i32>} : memref<80x128xf32, #tpu.memory_space<vmem>>, vector<16xf32>,
      %parallel_loop3A_115 = arith.mulf %parallel_loop3A_109, %parallel_loop3A_114 : vector<16xf32>
      %parallel_loop3A_116 = arith.addf %parallel_loop3A_92, %parallel_loop3A_115 : vector<16xf32>
      %parallel_loop3A_117 = arith.constant 0 : i32
      %parallel_loop3A_118 = arith.addi %parallel_loop3A_34, %parallel_loop3A_117 : i32
      %parallel_loop3A_119 = arith.index_cast %parallel_loop3A_118 : i32 to index
      %parallel_loop3A_120 = arith.constant 112 : index
      %parallel_loop3A_121 = tpu.vector_load %arg9[%parallel_loop3A_119, %parallel_loop3A_120] {strides = array<i32>} : memref<80x128xf32, #tpu.memory_space<vmem>>, vector<16xf32>,
      %parallel_loop3A_122 = arith.constant 0 : i32
      %parallel_loop3A_123 = arith.addi %parallel_loop3A_34, %parallel_loop3A_122 : i32
      %parallel_loop3A_124 = arith.index_cast %parallel_loop3A_123 : i32 to index
      %parallel_loop3A_125 = arith.constant 112 : index
      %parallel_loop3A_126 = tpu.vector_load %arg11[%parallel_loop3A_124, %parallel_loop3A_125] {strides = array<i32>} : memref<80x128xf32, #tpu.memory_space<vmem>>, vector<16xf32>,
      %parallel_loop3A_127 = arith.mulf %parallel_loop3A_121, %parallel_loop3A_126 : vector<16xf32>
      %parallel_loop3A_128 = arith.addf %parallel_loop3A_104, %parallel_loop3A_127 : vector<16xf32>
      %parallel_loop3A_129 = arith.addf %parallel_loop3A_116, %parallel_loop3A_128 : vector<16xf32>
      %parallel_loop3A_130 = arith.constant true
      %parallel_loop3A_131 = vector.broadcast %parallel_loop3A_130 : i1 to vector<16xi1>
      %parallel_loop3A_132 = tpu.scan <sum>, %parallel_loop3A_129 masked %parallel_loop3A_131 : vector<16xf32>, vector<16xi1> -> vector<16xf32>
      %parallel_loop3A_133 = vector.extract %parallel_loop3A_132[15] : f32 from vector<16xf32>
      %parallel_loop3A_134 = arith.constant 1 : i32
      %parallel_loop3A_135 = arith.addi %parallel_loop3A_34, %parallel_loop3A_134 : i32
      %parallel_loop3A_136 = arith.index_cast %parallel_loop3A_135 : i32 to index
      %parallel_loop3A_137 = arith.constant 0 : index
      %parallel_loop3A_138 = tpu.vector_load %arg9[%parallel_loop3A_136, %parallel_loop3A_137] {strides = array<i32>} : memref<80x128xf32, #tpu.memory_space<vmem>>, vector<16xf32>,
      %parallel_loop3A_139 = arith.constant 1 : i32
      %parallel_loop3A_140 = arith.addi %parallel_loop3A_34, %parallel_loop3A_139 : i32
      %parallel_loop3A_141 = arith.index_cast %parallel_loop3A_140 : i32 to index
      %parallel_loop3A_142 = arith.constant 0 : index
      %parallel_loop3A_143 = tpu.vector_load %arg11[%parallel_loop3A_141, %parallel_loop3A_142] {strides = array<i32>} : memref<80x128xf32, #tpu.memory_space<vmem>>, vector<16xf32>,
      %parallel_loop3A_144 = arith.mulf %parallel_loop3A_138, %parallel_loop3A_143 : vector<16xf32>
      %parallel_loop3A_145 = arith.constant 1 : i32
      %parallel_loop3A_146 = arith.addi %parallel_loop3A_34, %parallel_loop3A_145 : i32
      %parallel_loop3A_147 = arith.index_cast %parallel_loop3A_146 : i32 to index
      %parallel_loop3A_148 = arith.constant 16 : index
      %parallel_loop3A_149 = tpu.vector_load %arg9[%parallel_loop3A_147, %parallel_loop3A_148] {strides = array<i32>} : memref<80x128xf32, #tpu.memory_space<vmem>>, vector<16xf32>,
      %parallel_loop3A_150 = arith.constant 1 : i32
      %parallel_loop3A_151 = arith.addi %parallel_loop3A_34, %parallel_loop3A_150 : i32
      %parallel_loop3A_152 = arith.index_cast %parallel_loop3A_151 : i32 to index
      %parallel_loop3A_153 = arith.constant 16 : index
      %parallel_loop3A_154 = tpu.vector_load %arg11[%parallel_loop3A_152, %parallel_loop3A_153] {strides = array<i32>} : memref<80x128xf32, #tpu.memory_space<vmem>>, vector<16xf32>,
      %parallel_loop3A_155 = arith.mulf %parallel_loop3A_149, %parallel_loop3A_154 : vector<16xf32>
      %parallel_loop3A_156 = arith.constant 1 : i32
      %parallel_loop3A_157 = arith.addi %parallel_loop3A_34, %parallel_loop3A_156 : i32
      %parallel_loop3A_158 = arith.index_cast %parallel_loop3A_157 : i32 to index
      %parallel_loop3A_159 = arith.constant 32 : index
      %parallel_loop3A_160 = tpu.vector_load %arg9[%parallel_loop3A_158, %parallel_loop3A_159] {strides = array<i32>} : memref<80x128xf32, #tpu.memory_space<vmem>>, vector<16xf32>,
      %parallel_loop3A_161 = arith.constant 1 : i32
      %parallel_loop3A_162 = arith.addi %parallel_loop3A_34, %parallel_loop3A_161 : i32
      %parallel_loop3A_163 = arith.index_cast %parallel_loop3A_162 : i32 to index
      %parallel_loop3A_164 = arith.constant 32 : index
      %parallel_loop3A_165 = tpu.vector_load %arg11[%parallel_loop3A_163, %parallel_loop3A_164] {strides = array<i32>} : memref<80x128xf32, #tpu.memory_space<vmem>>, vector<16xf32>,
      %parallel_loop3A_166 = arith.mulf %parallel_loop3A_160, %parallel_loop3A_165 : vector<16xf32>
      %parallel_loop3A_167 = arith.addf %parallel_loop3A_144, %parallel_loop3A_166 : vector<16xf32>
      %parallel_loop3A_168 = arith.constant 1 : i32
      %parallel_loop3A_169 = arith.addi %parallel_loop3A_34, %parallel_loop3A_168 : i32
      %parallel_loop3A_170 = arith.index_cast %parallel_loop3A_169 : i32 to index
      %parallel_loop3A_171 = arith.constant 48 : index
      %parallel_loop3A_172 = tpu.vector_load %arg9[%parallel_loop3A_170, %parallel_loop3A_171] {strides = array<i32>} : memref<80x128xf32, #tpu.memory_space<vmem>>, vector<16xf32>,
      %parallel_loop3A_173 = arith.constant 1 : i32
      %parallel_loop3A_174 = arith.addi %parallel_loop3A_34, %parallel_loop3A_173 : i32
      %parallel_loop3A_175 = arith.index_cast %parallel_loop3A_174 : i32 to index
      %parallel_loop3A_176 = arith.constant 48 : index
      %parallel_loop3A_177 = tpu.vector_load %arg11[%parallel_loop3A_175, %parallel_loop3A_176] {strides = array<i32>} : memref<80x128xf32, #tpu.memory_space<vmem>>, vector<16xf32>,
      %parallel_loop3A_178 = arith.mulf %parallel_loop3A_172, %parallel_loop3A_177 : vector<16xf32>
      %parallel_loop3A_179 = arith.addf %parallel_loop3A_155, %parallel_loop3A_178 : vector<16xf32>
      %parallel_loop3A_180 = arith.constant 1 : i32
      %parallel_loop3A_181 = arith.addi %parallel_loop3A_34, %parallel_loop3A_180 : i32
      %parallel_loop3A_182 = arith.index_cast %parallel_loop3A_181 : i32 to index
      %parallel_loop3A_183 = arith.constant 64 : index
      %parallel_loop3A_184 = tpu.vector_load %arg9[%parallel_loop3A_182, %parallel_loop3A_183] {strides = array<i32>} : memref<80x128xf32, #tpu.memory_space<vmem>>, vector<16xf32>,
      %parallel_loop3A_185 = arith.constant 1 : i32
      %parallel_loop3A_186 = arith.addi %parallel_loop3A_34, %parallel_loop3A_185 : i32
      %parallel_loop3A_187 = arith.index_cast %parallel_loop3A_186 : i32 to index
      %parallel_loop3A_188 = arith.constant 64 : index
      %parallel_loop3A_189 = tpu.vector_load %arg11[%parallel_loop3A_187, %parallel_loop3A_188] {strides = array<i32>} : memref<80x128xf32, #tpu.memory_space<vmem>>, vector<16xf32>,
      %parallel_loop3A_190 = arith.mulf %parallel_loop3A_184, %parallel_loop3A_189 : vector<16xf32>
      %parallel_loop3A_191 = arith.addf %parallel_loop3A_167, %parallel_loop3A_190 : vector<16xf32>
      %parallel_loop3A_192 = arith.constant 1 : i32
      %parallel_loop3A_193 = arith.addi %parallel_loop3A_34, %parallel_loop3A_192 : i32
      %parallel_loop3A_194 = arith.index_cast %parallel_loop3A_193 : i32 to index
      %parallel_loop3A_195 = arith.constant 80 : index
      %parallel_loop3A_196 = tpu.vector_load %arg9[%parallel_loop3A_194, %parallel_loop3A_195] {strides = array<i32>} : memref<80x128xf32, #tpu.memory_space<vmem>>, vector<16xf32>,
      %parallel_loop3A_197 = arith.constant 1 : i32
      %parallel_loop3A_198 = arith.addi %parallel_loop3A_34, %parallel_loop3A_197 : i32
      %parallel_loop3A_199 = arith.index_cast %parallel_loop3A_198 : i32 to index
      %parallel_loop3A_200 = arith.constant 80 : index
      %parallel_loop3A_201 = tpu.vector_load %arg11[%parallel_loop3A_199, %parallel_loop3A_200] {strides = array<i32>} : memref<80x128xf32, #tpu.memory_space<vmem>>, vector<16xf32>,
      %parallel_loop3A_202 = arith.mulf %parallel_loop3A_196, %parallel_loop3A_201 : vector<16xf32>
      %parallel_loop3A_203 = arith.addf %parallel_loop3A_179, %parallel_loop3A_202 : vector<16xf32>
      %parallel_loop3A_204 = arith.constant 1 : i32
      %parallel_loop3A_205 = arith.addi %parallel_loop3A_34, %parallel_loop3A_204 : i32
      %parallel_loop3A_206 = arith.index_cast %parallel_loop3A_205 : i32 to index
      %parallel_loop3A_207 = arith.constant 96 : index
      %parallel_loop3A_208 = tpu.vector_load %arg9[%parallel_loop3A_206, %parallel_loop3A_207] {strides = array<i32>} : memref<80x128xf32, #tpu.memory_space<vmem>>, vector<16xf32>,
      %parallel_loop3A_209 = arith.constant 1 : i32
      %parallel_loop3A_210 = arith.addi %parallel_loop3A_34, %parallel_loop3A_209 : i32
      %parallel_loop3A_211 = arith.index_cast %parallel_loop3A_210 : i32 to index
      %parallel_loop3A_212 = arith.constant 96 : index
      %parallel_loop3A_213 = tpu.vector_load %arg11[%parallel_loop3A_211, %parallel_loop3A_212] {strides = array<i32>} : memref<80x128xf32, #tpu.memory_space<vmem>>, vector<16xf32>,
      %parallel_loop3A_214 = arith.mulf %parallel_loop3A_208, %parallel_loop3A_213 : vector<16xf32>
      %parallel_loop3A_215 = arith.addf %parallel_loop3A_191, %parallel_loop3A_214 : vector<16xf32>
      %parallel_loop3A_216 = arith.constant 1 : i32
      %parallel_loop3A_217 = arith.addi %parallel_loop3A_34, %parallel_loop3A_216 : i32
      %parallel_loop3A_218 = arith.index_cast %parallel_loop3A_217 : i32 to index
      %parallel_loop3A_219 = arith.constant 112 : index
      %parallel_loop3A_220 = tpu.vector_load %arg9[%parallel_loop3A_218, %parallel_loop3A_219] {strides = array<i32>} : memref<80x128xf32, #tpu.memory_space<vmem>>, vector<16xf32>,
      %parallel_loop3A_221 = arith.constant 1 : i32
      %parallel_loop3A_222 = arith.addi %parallel_loop3A_34, %parallel_loop3A_221 : i32
      %parallel_loop3A_223 = arith.index_cast %parallel_loop3A_222 : i32 to index
      %parallel_loop3A_224 = arith.constant 112 : index
      %parallel_loop3A_225 = tpu.vector_load %arg11[%parallel_loop3A_223, %parallel_loop3A_224] {strides = array<i32>} : memref<80x128xf32, #tpu.memory_space<vmem>>, vector<16xf32>,
      %parallel_loop3A_226 = arith.mulf %parallel_loop3A_220, %parallel_loop3A_225 : vector<16xf32>
      %parallel_loop3A_227 = arith.addf %parallel_loop3A_203, %parallel_loop3A_226 : vector<16xf32>
      %parallel_loop3A_228 = arith.addf %parallel_loop3A_215, %parallel_loop3A_227 : vector<16xf32>
      %parallel_loop3A_229 = arith.constant true
      %parallel_loop3A_230 = vector.broadcast %parallel_loop3A_229 : i1 to vector<16xi1>
      %parallel_loop3A_231 = tpu.scan <sum>, %parallel_loop3A_228 masked %parallel_loop3A_230 : vector<16xf32>, vector<16xi1> -> vector<16xf32>
      %parallel_loop3A_232 = vector.extract %parallel_loop3A_231[15] : f32 from vector<16xf32>
      %parallel_loop3A_233 = arith.constant 2 : i32
      %parallel_loop3A_234 = arith.addi %parallel_loop3A_34, %parallel_loop3A_233 : i32
      %parallel_loop3A_235 = arith.index_cast %parallel_loop3A_234 : i32 to index
      %parallel_loop3A_236 = arith.constant 0 : index
      %parallel_loop3A_237 = tpu.vector_load %arg9[%parallel_loop3A_235, %parallel_loop3A_236] {strides = array<i32>} : memref<80x128xf32, #tpu.memory_space<vmem>>, vector<16xf32>,
      %parallel_loop3A_238 = arith.constant 2 : i32
      %parallel_loop3A_239 = arith.addi %parallel_loop3A_34, %parallel_loop3A_238 : i32
      %parallel_loop3A_240 = arith.index_cast %parallel_loop3A_239 : i32 to index
      %parallel_loop3A_241 = arith.constant 0 : index
      %parallel_loop3A_242 = tpu.vector_load %arg11[%parallel_loop3A_240, %parallel_loop3A_241] {strides = array<i32>} : memref<80x128xf32, #tpu.memory_space<vmem>>, vector<16xf32>,
      %parallel_loop3A_243 = arith.mulf %parallel_loop3A_237, %parallel_loop3A_242 : vector<16xf32>
      %parallel_loop3A_244 = arith.constant 2 : i32
      %parallel_loop3A_245 = arith.addi %parallel_loop3A_34, %parallel_loop3A_244 : i32
      %parallel_loop3A_246 = arith.index_cast %parallel_loop3A_245 : i32 to index
      %parallel_loop3A_247 = arith.constant 16 : index
      %parallel_loop3A_248 = tpu.vector_load %arg9[%parallel_loop3A_246, %parallel_loop3A_247] {strides = array<i32>} : memref<80x128xf32, #tpu.memory_space<vmem>>, vector<16xf32>,
      %parallel_loop3A_249 = arith.constant 2 : i32
      %parallel_loop3A_250 = arith.addi %parallel_loop3A_34, %parallel_loop3A_249 : i32
      %parallel_loop3A_251 = arith.index_cast %parallel_loop3A_250 : i32 to index
      %parallel_loop3A_252 = arith.constant 16 : index
      %parallel_loop3A_253 = tpu.vector_load %arg11[%parallel_loop3A_251, %parallel_loop3A_252] {strides = array<i32>} : memref<80x128xf32, #tpu.memory_space<vmem>>, vector<16xf32>,
      %parallel_loop3A_254 = arith.mulf %parallel_loop3A_248, %parallel_loop3A_253 : vector<16xf32>
      %parallel_loop3A_255 = arith.constant 2 : i32
      %parallel_loop3A_256 = arith.addi %parallel_loop3A_34, %parallel_loop3A_255 : i32
      %parallel_loop3A_257 = arith.index_cast %parallel_loop3A_256 : i32 to index
      %parallel_loop3A_258 = arith.constant 32 : index
      %parallel_loop3A_259 = tpu.vector_load %arg9[%parallel_loop3A_257, %parallel_loop3A_258] {strides = array<i32>} : memref<80x128xf32, #tpu.memory_space<vmem>>, vector<16xf32>,
      %parallel_loop3A_260 = arith.constant 2 : i32
      %parallel_loop3A_261 = arith.addi %parallel_loop3A_34, %parallel_loop3A_260 : i32
      %parallel_loop3A_262 = arith.index_cast %parallel_loop3A_261 : i32 to index
      %parallel_loop3A_263 = arith.constant 32 : index
      %parallel_loop3A_264 = tpu.vector_load %arg11[%parallel_loop3A_262, %parallel_loop3A_263] {strides = array<i32>} : memref<80x128xf32, #tpu.memory_space<vmem>>, vector<16xf32>,
      %parallel_loop3A_265 = arith.mulf %parallel_loop3A_259, %parallel_loop3A_264 : vector<16xf32>
      %parallel_loop3A_266 = arith.addf %parallel_loop3A_243, %parallel_loop3A_265 : vector<16xf32>
      %parallel_loop3A_267 = arith.constant 2 : i32
      %parallel_loop3A_268 = arith.addi %parallel_loop3A_34, %parallel_loop3A_267 : i32
      %parallel_loop3A_269 = arith.index_cast %parallel_loop3A_268 : i32 to index
      %parallel_loop3A_270 = arith.constant 48 : index
      %parallel_loop3A_271 = tpu.vector_load %arg9[%parallel_loop3A_269, %parallel_loop3A_270] {strides = array<i32>} : memref<80x128xf32, #tpu.memory_space<vmem>>, vector<16xf32>,
      %parallel_loop3A_272 = arith.constant 2 : i32
      %parallel_loop3A_273 = arith.addi %parallel_loop3A_34, %parallel_loop3A_272 : i32
      %parallel_loop3A_274 = arith.index_cast %parallel_loop3A_273 : i32 to index
      %parallel_loop3A_275 = arith.constant 48 : index
      %parallel_loop3A_276 = tpu.vector_load %arg11[%parallel_loop3A_274, %parallel_loop3A_275] {strides = array<i32>} : memref<80x128xf32, #tpu.memory_space<vmem>>, vector<16xf32>,
      %parallel_loop3A_277 = arith.mulf %parallel_loop3A_271, %parallel_loop3A_276 : vector<16xf32>
      %parallel_loop3A_278 = arith.addf %parallel_loop3A_254, %parallel_loop3A_277 : vector<16xf32>
      %parallel_loop3A_279 = arith.constant 2 : i32
      %parallel_loop3A_280 = arith.addi %parallel_loop3A_34, %parallel_loop3A_279 : i32
      %parallel_loop3A_281 = arith.index_cast %parallel_loop3A_280 : i32 to index
      %parallel_loop3A_282 = arith.constant 64 : index
      %parallel_loop3A_283 = tpu.vector_load %arg9[%parallel_loop3A_281, %parallel_loop3A_282] {strides = array<i32>} : memref<80x128xf32, #tpu.memory_space<vmem>>, vector<16xf32>,
      %parallel_loop3A_284 = arith.constant 2 : i32
      %parallel_loop3A_285 = arith.addi %parallel_loop3A_34, %parallel_loop3A_284 : i32
      %parallel_loop3A_286 = arith.index_cast %parallel_loop3A_285 : i32 to index
      %parallel_loop3A_287 = arith.constant 64 : index
      %parallel_loop3A_288 = tpu.vector_load %arg11[%parallel_loop3A_286, %parallel_loop3A_287] {strides = array<i32>} : memref<80x128xf32, #tpu.memory_space<vmem>>, vector<16xf32>,
      %parallel_loop3A_289 = arith.mulf %parallel_loop3A_283, %parallel_loop3A_288 : vector<16xf32>
      %parallel_loop3A_290 = arith.addf %parallel_loop3A_266, %parallel_loop3A_289 : vector<16xf32>
      %parallel_loop3A_291 = arith.constant 2 : i32
      %parallel_loop3A_292 = arith.addi %parallel_loop3A_34, %parallel_loop3A_291 : i32
      %parallel_loop3A_293 = arith.index_cast %parallel_loop3A_292 : i32 to index
      %parallel_loop3A_294 = arith.constant 80 : index
      %parallel_loop3A_295 = tpu.vector_load %arg9[%parallel_loop3A_293, %parallel_loop3A_294] {strides = array<i32>} : memref<80x128xf32, #tpu.memory_space<vmem>>, vector<16xf32>,
      %parallel_loop3A_296 = arith.constant 2 : i32
      %parallel_loop3A_297 = arith.addi %parallel_loop3A_34, %parallel_loop3A_296 : i32
      %parallel_loop3A_298 = arith.index_cast %parallel_loop3A_297 : i32 to index
      %parallel_loop3A_299 = arith.constant 80 : index
      %parallel_loop3A_300 = tpu.vector_load %arg11[%parallel_loop3A_298, %parallel_loop3A_299] {strides = array<i32>} : memref<80x128xf32, #tpu.memory_space<vmem>>, vector<16xf32>,
      %parallel_loop3A_301 = arith.mulf %parallel_loop3A_295, %parallel_loop3A_300 : vector<16xf32>
      %parallel_loop3A_302 = arith.addf %parallel_loop3A_278, %parallel_loop3A_301 : vector<16xf32>
      %parallel_loop3A_303 = arith.constant 2 : i32
      %parallel_loop3A_304 = arith.addi %parallel_loop3A_34, %parallel_loop3A_303 : i32
      %parallel_loop3A_305 = arith.index_cast %parallel_loop3A_304 : i32 to index
      %parallel_loop3A_306 = arith.constant 96 : index
      %parallel_loop3A_307 = tpu.vector_load %arg9[%parallel_loop3A_305, %parallel_loop3A_306] {strides = array<i32>} : memref<80x128xf32, #tpu.memory_space<vmem>>, vector<16xf32>,
      %parallel_loop3A_308 = arith.constant 2 : i32
      %parallel_loop3A_309 = arith.addi %parallel_loop3A_34, %parallel_loop3A_308 : i32
      %parallel_loop3A_310 = arith.index_cast %parallel_loop3A_309 : i32 to index
      %parallel_loop3A_311 = arith.constant 96 : index
      %parallel_loop3A_312 = tpu.vector_load %arg11[%parallel_loop3A_310, %parallel_loop3A_311] {strides = array<i32>} : memref<80x128xf32, #tpu.memory_space<vmem>>, vector<16xf32>,
      %parallel_loop3A_313 = arith.mulf %parallel_loop3A_307, %parallel_loop3A_312 : vector<16xf32>
      %parallel_loop3A_314 = arith.addf %parallel_loop3A_290, %parallel_loop3A_313 : vector<16xf32>
      %parallel_loop3A_315 = arith.constant 2 : i32
      %parallel_loop3A_316 = arith.addi %parallel_loop3A_34, %parallel_loop3A_315 : i32
      %parallel_loop3A_317 = arith.index_cast %parallel_loop3A_316 : i32 to index
      %parallel_loop3A_318 = arith.constant 112 : index
      %parallel_loop3A_319 = tpu.vector_load %arg9[%parallel_loop3A_317, %parallel_loop3A_318] {strides = array<i32>} : memref<80x128xf32, #tpu.memory_space<vmem>>, vector<16xf32>,
      %parallel_loop3A_320 = arith.constant 2 : i32
      %parallel_loop3A_321 = arith.addi %parallel_loop3A_34, %parallel_loop3A_320 : i32
      %parallel_loop3A_322 = arith.index_cast %parallel_loop3A_321 : i32 to index
      %parallel_loop3A_323 = arith.constant 112 : index
      %parallel_loop3A_324 = tpu.vector_load %arg11[%parallel_loop3A_322, %parallel_loop3A_323] {strides = array<i32>} : memref<80x128xf32, #tpu.memory_space<vmem>>, vector<16xf32>,
      %parallel_loop3A_325 = arith.mulf %parallel_loop3A_319, %parallel_loop3A_324 : vector<16xf32>
      %parallel_loop3A_326 = arith.addf %parallel_loop3A_302, %parallel_loop3A_325 : vector<16xf32>
      %parallel_loop3A_327 = arith.addf %parallel_loop3A_314, %parallel_loop3A_326 : vector<16xf32>
      %parallel_loop3A_328 = arith.constant true
      %parallel_loop3A_329 = vector.broadcast %parallel_loop3A_328 : i1 to vector<16xi1>
      %parallel_loop3A_330 = tpu.scan <sum>, %parallel_loop3A_327 masked %parallel_loop3A_329 : vector<16xf32>, vector<16xi1> -> vector<16xf32>
      %parallel_loop3A_331 = vector.extract %parallel_loop3A_330[15] : f32 from vector<16xf32>
      %parallel_loop3A_332 = arith.constant 3 : i32
      %parallel_loop3A_333 = arith.addi %parallel_loop3A_34, %parallel_loop3A_332 : i32
      %parallel_loop3A_334 = arith.index_cast %parallel_loop3A_333 : i32 to index
      %parallel_loop3A_335 = arith.constant 0 : index
      %parallel_loop3A_336 = tpu.vector_load %arg9[%parallel_loop3A_334, %parallel_loop3A_335] {strides = array<i32>} : memref<80x128xf32, #tpu.memory_space<vmem>>, vector<16xf32>,
      %parallel_loop3A_337 = arith.constant 3 : i32
      %parallel_loop3A_338 = arith.addi %parallel_loop3A_34, %parallel_loop3A_337 : i32
      %parallel_loop3A_339 = arith.index_cast %parallel_loop3A_338 : i32 to index
      %parallel_loop3A_340 = arith.constant 0 : index
      %parallel_loop3A_341 = tpu.vector_load %arg11[%parallel_loop3A_339, %parallel_loop3A_340] {strides = array<i32>} : memref<80x128xf32, #tpu.memory_space<vmem>>, vector<16xf32>,
      %parallel_loop3A_342 = arith.mulf %parallel_loop3A_336, %parallel_loop3A_341 : vector<16xf32>
      %parallel_loop3A_343 = arith.constant 3 : i32
      %parallel_loop3A_344 = arith.addi %parallel_loop3A_34, %parallel_loop3A_343 : i32
      %parallel_loop3A_345 = arith.index_cast %parallel_loop3A_344 : i32 to index
      %parallel_loop3A_346 = arith.constant 16 : index
      %parallel_loop3A_347 = tpu.vector_load %arg9[%parallel_loop3A_345, %parallel_loop3A_346] {strides = array<i32>} : memref<80x128xf32, #tpu.memory_space<vmem>>, vector<16xf32>,
      %parallel_loop3A_348 = arith.constant 3 : i32
      %parallel_loop3A_349 = arith.addi %parallel_loop3A_34, %parallel_loop3A_348 : i32
      %parallel_loop3A_350 = arith.index_cast %parallel_loop3A_349 : i32 to index
      %parallel_loop3A_351 = arith.constant 16 : index
      %parallel_loop3A_352 = tpu.vector_load %arg11[%parallel_loop3A_350, %parallel_loop3A_351] {strides = array<i32>} : memref<80x128xf32, #tpu.memory_space<vmem>>, vector<16xf32>,
      %parallel_loop3A_353 = arith.mulf %parallel_loop3A_347, %parallel_loop3A_352 : vector<16xf32>
      %parallel_loop3A_354 = arith.constant 3 : i32
      %parallel_loop3A_355 = arith.addi %parallel_loop3A_34, %parallel_loop3A_354 : i32
      %parallel_loop3A_356 = arith.index_cast %parallel_loop3A_355 : i32 to index
      %parallel_loop3A_357 = arith.constant 32 : index
      %parallel_loop3A_358 = tpu.vector_load %arg9[%parallel_loop3A_356, %parallel_loop3A_357] {strides = array<i32>} : memref<80x128xf32, #tpu.memory_space<vmem>>, vector<16xf32>,
      %parallel_loop3A_359 = arith.constant 3 : i32
      %parallel_loop3A_360 = arith.addi %parallel_loop3A_34, %parallel_loop3A_359 : i32
      %parallel_loop3A_361 = arith.index_cast %parallel_loop3A_360 : i32 to index
      %parallel_loop3A_362 = arith.constant 32 : index
      %parallel_loop3A_363 = tpu.vector_load %arg11[%parallel_loop3A_361, %parallel_loop3A_362] {strides = array<i32>} : memref<80x128xf32, #tpu.memory_space<vmem>>, vector<16xf32>,
      %parallel_loop3A_364 = arith.mulf %parallel_loop3A_358, %parallel_loop3A_363 : vector<16xf32>
      %parallel_loop3A_365 = arith.addf %parallel_loop3A_342, %parallel_loop3A_364 : vector<16xf32>
      %parallel_loop3A_366 = arith.constant 3 : i32
      %parallel_loop3A_367 = arith.addi %parallel_loop3A_34, %parallel_loop3A_366 : i32
      %parallel_loop3A_368 = arith.index_cast %parallel_loop3A_367 : i32 to index
      %parallel_loop3A_369 = arith.constant 48 : index
      %parallel_loop3A_370 = tpu.vector_load %arg9[%parallel_loop3A_368, %parallel_loop3A_369] {strides = array<i32>} : memref<80x128xf32, #tpu.memory_space<vmem>>, vector<16xf32>,
      %parallel_loop3A_371 = arith.constant 3 : i32
      %parallel_loop3A_372 = arith.addi %parallel_loop3A_34, %parallel_loop3A_371 : i32
      %parallel_loop3A_373 = arith.index_cast %parallel_loop3A_372 : i32 to index
      %parallel_loop3A_374 = arith.constant 48 : index
      %parallel_loop3A_375 = tpu.vector_load %arg11[%parallel_loop3A_373, %parallel_loop3A_374] {strides = array<i32>} : memref<80x128xf32, #tpu.memory_space<vmem>>, vector<16xf32>,
      %parallel_loop3A_376 = arith.mulf %parallel_loop3A_370, %parallel_loop3A_375 : vector<16xf32>
      %parallel_loop3A_377 = arith.addf %parallel_loop3A_353, %parallel_loop3A_376 : vector<16xf32>
      %parallel_loop3A_378 = arith.constant 3 : i32
      %parallel_loop3A_379 = arith.addi %parallel_loop3A_34, %parallel_loop3A_378 : i32
      %parallel_loop3A_380 = arith.index_cast %parallel_loop3A_379 : i32 to index
      %parallel_loop3A_381 = arith.constant 64 : index
      %parallel_loop3A_382 = tpu.vector_load %arg9[%parallel_loop3A_380, %parallel_loop3A_381] {strides = array<i32>} : memref<80x128xf32, #tpu.memory_space<vmem>>, vector<16xf32>,
      %parallel_loop3A_383 = arith.constant 3 : i32
      %parallel_loop3A_384 = arith.addi %parallel_loop3A_34, %parallel_loop3A_383 : i32
      %parallel_loop3A_385 = arith.index_cast %parallel_loop3A_384 : i32 to index
      %parallel_loop3A_386 = arith.constant 64 : index
      %parallel_loop3A_387 = tpu.vector_load %arg11[%parallel_loop3A_385, %parallel_loop3A_386] {strides = array<i32>} : memref<80x128xf32, #tpu.memory_space<vmem>>, vector<16xf32>,
      %parallel_loop3A_388 = arith.mulf %parallel_loop3A_382, %parallel_loop3A_387 : vector<16xf32>
      %parallel_loop3A_389 = arith.addf %parallel_loop3A_365, %parallel_loop3A_388 : vector<16xf32>
      %parallel_loop3A_390 = arith.constant 3 : i32
      %parallel_loop3A_391 = arith.addi %parallel_loop3A_34, %parallel_loop3A_390 : i32
      %parallel_loop3A_392 = arith.index_cast %parallel_loop3A_391 : i32 to index
      %parallel_loop3A_393 = arith.constant 80 : index
      %parallel_loop3A_394 = tpu.vector_load %arg9[%parallel_loop3A_392, %parallel_loop3A_393] {strides = array<i32>} : memref<80x128xf32, #tpu.memory_space<vmem>>, vector<16xf32>,
      %parallel_loop3A_395 = arith.constant 3 : i32
      %parallel_loop3A_396 = arith.addi %parallel_loop3A_34, %parallel_loop3A_395 : i32
      %parallel_loop3A_397 = arith.index_cast %parallel_loop3A_396 : i32 to index
      %parallel_loop3A_398 = arith.constant 80 : index
      %parallel_loop3A_399 = tpu.vector_load %arg11[%parallel_loop3A_397, %parallel_loop3A_398] {strides = array<i32>} : memref<80x128xf32, #tpu.memory_space<vmem>>, vector<16xf32>,
      %parallel_loop3A_400 = arith.mulf %parallel_loop3A_394, %parallel_loop3A_399 : vector<16xf32>
      %parallel_loop3A_401 = arith.addf %parallel_loop3A_377, %parallel_loop3A_400 : vector<16xf32>
      %parallel_loop3A_402 = arith.constant 3 : i32
      %parallel_loop3A_403 = arith.addi %parallel_loop3A_34, %parallel_loop3A_402 : i32
      %parallel_loop3A_404 = arith.index_cast %parallel_loop3A_403 : i32 to index
      %parallel_loop3A_405 = arith.constant 96 : index
      %parallel_loop3A_406 = tpu.vector_load %arg9[%parallel_loop3A_404, %parallel_loop3A_405] {strides = array<i32>} : memref<80x128xf32, #tpu.memory_space<vmem>>, vector<16xf32>,
      %parallel_loop3A_407 = arith.constant 3 : i32
      %parallel_loop3A_408 = arith.addi %parallel_loop3A_34, %parallel_loop3A_407 : i32
      %parallel_loop3A_409 = arith.index_cast %parallel_loop3A_408 : i32 to index
      %parallel_loop3A_410 = arith.constant 96 : index
      %parallel_loop3A_411 = tpu.vector_load %arg11[%parallel_loop3A_409, %parallel_loop3A_410] {strides = array<i32>} : memref<80x128xf32, #tpu.memory_space<vmem>>, vector<16xf32>,
      %parallel_loop3A_412 = arith.mulf %parallel_loop3A_406, %parallel_loop3A_411 : vector<16xf32>
      %parallel_loop3A_413 = arith.addf %parallel_loop3A_389, %parallel_loop3A_412 : vector<16xf32>
      %parallel_loop3A_414 = arith.constant 3 : i32
      %parallel_loop3A_415 = arith.addi %parallel_loop3A_34, %parallel_loop3A_414 : i32
      %parallel_loop3A_416 = arith.index_cast %parallel_loop3A_415 : i32 to index
      %parallel_loop3A_417 = arith.constant 112 : index
      %parallel_loop3A_418 = tpu.vector_load %arg9[%parallel_loop3A_416, %parallel_loop3A_417] {strides = array<i32>} : memref<80x128xf32, #tpu.memory_space<vmem>>, vector<16xf32>,
      %parallel_loop3A_419 = arith.constant 3 : i32
      %parallel_loop3A_420 = arith.addi %parallel_loop3A_34, %parallel_loop3A_419 : i32
      %parallel_loop3A_421 = arith.index_cast %parallel_loop3A_420 : i32 to index
      %parallel_loop3A_422 = arith.constant 112 : index
      %parallel_loop3A_423 = tpu.vector_load %arg11[%parallel_loop3A_421, %parallel_loop3A_422] {strides = array<i32>} : memref<80x128xf32, #tpu.memory_space<vmem>>, vector<16xf32>,
      %parallel_loop3A_424 = arith.mulf %parallel_loop3A_418, %parallel_loop3A_423 : vector<16xf32>
      %parallel_loop3A_425 = arith.addf %parallel_loop3A_401, %parallel_loop3A_424 : vector<16xf32>
      %parallel_loop3A_426 = arith.addf %parallel_loop3A_413, %parallel_loop3A_425 : vector<16xf32>
      %parallel_loop3A_427 = arith.constant true
      %parallel_loop3A_428 = vector.broadcast %parallel_loop3A_427 : i1 to vector<16xi1>
      %parallel_loop3A_429 = tpu.scan <sum>, %parallel_loop3A_426 masked %parallel_loop3A_428 : vector<16xf32>, vector<16xi1> -> vector<16xf32>
      %parallel_loop3A_430 = vector.extract %parallel_loop3A_429[15] : f32 from vector<16xf32>
      %parallel_loop3A_431 = arith.constant 0 : i32
      %parallel_loop3A_432 = vector.broadcast %parallel_loop3A_431 : i32 to vector<16xi32>
      %parallel_loop3A_433 = arith.cmpi eq, %iota3A, %parallel_loop3A_432 : vector<16xi32>
      %parallel_loop3A_434 = arith.constant 1 : i32
      %parallel_loop3A_435 = vector.broadcast %parallel_loop3A_434 : i32 to vector<16xi32>
      %parallel_loop3A_436 = arith.cmpi eq, %iota3A, %parallel_loop3A_435 : vector<16xi32>
      %parallel_loop3A_437 = arith.constant 2 : i32
      %parallel_loop3A_438 = vector.broadcast %parallel_loop3A_437 : i32 to vector<16xi32>
      %parallel_loop3A_439 = arith.cmpi eq, %iota3A, %parallel_loop3A_438 : vector<16xi32>
      %parallel_loop3A_440 = vector.broadcast %parallel_loop3A_331 : f32 to vector<16xf32>
      %parallel_loop3A_441 = vector.broadcast %parallel_loop3A_430 : f32 to vector<16xf32>
      %parallel_loop3A_442 = arith.select %parallel_loop3A_439, %parallel_loop3A_440, %parallel_loop3A_441 : vector<16xi1>, vector<16xf32>
      %parallel_loop3A_443 = vector.broadcast %parallel_loop3A_232 : f32 to vector<16xf32>
      %parallel_loop3A_444 = arith.select %parallel_loop3A_436, %parallel_loop3A_443, %parallel_loop3A_442 : vector<16xi1>, vector<16xf32>
      %parallel_loop3A_445 = vector.broadcast %parallel_loop3A_133 : f32 to vector<16xf32>
      %parallel_loop3A_446 = arith.select %parallel_loop3A_433, %parallel_loop3A_445, %parallel_loop3A_444 : vector<16xi1>, vector<16xf32>
      %parallel_loop3A_447 = arith.addi %multiple_of3A_27, %parallel_loop3A_34 : i32
      %parallel_loop3A_448 = vector.broadcast %parallel_loop3A_447 : i32 to vector<16xi32>
      %parallel_loop3A_449 = arith.addi %parallel_loop3A_448, %iota3A : vector<16xi32>
      tpu.vector_store_idx %arg13[%parallel_loop3A_449], %parallel_loop3A_446 masked %lt3A_29 : memref<10000xf32, #tpu.memory_space<vmem>>[vector<16xi32>], vector<16xf32>, vector<16xi1>
    } {sc.loop_unroll_factor = 2 : i64, sc.parallel_access}
    "tpu.region"() ({
      %run_scoped3A = tpu.sem_alloc : memref<!tpu.dma_semaphore, #tpu.memory_space<semaphore_mem>>
      %dma_start3A_32 = tpu.memref_slice %arg6[%multiple_of3A] : memref<320000xf32, #tpu.memory_space<hbm>> -> memref<10000xf32, #tpu.memory_space<hbm>>
      %dma_start3A_33 = tpu.memref_slice %arg6[%multiple_of3A] : memref<320000xf32, #tpu.memory_space<hbm>> -> memref<10000xf32, #tpu.memory_space<hbm>>
      tpu.enqueue_dma source(%arg13 : memref<10000xf32, #tpu.memory_space<vmem>>) target(%dma_start3A_33 : memref<10000xf32, #tpu.memory_space<hbm>>) target_semaphore(%run_scoped3A : memref<!tpu.dma_semaphore, #tpu.memory_space<semaphore_mem>>)
      %dma_wait3A_34 = tpu.memref_slice %arg6[%multiple_of3A] : memref<320000xf32, #tpu.memory_space<hbm>> -> memref<10000xf32, #tpu.memory_space<hbm>>
      %dma_wait3A_35 = tpu.memref_slice %arg6[%multiple_of3A] : memref<320000xf32, #tpu.memory_space<hbm>> -> memref<10000xf32, #tpu.memory_space<hbm>>
      tpu.wait_dma2 semaphore(%run_scoped3A : memref<!tpu.dma_semaphore, #tpu.memory_space<semaphore_mem>>) src(%arg13 : memref<10000xf32, #tpu.memory_space<vmem>>) dst(%dma_wait3A_35 : memref<10000xf32, #tpu.memory_space<hbm>>)
      tpu.yield
    }) : () -> ()
    return
  }
}

module attributes {stable_mosaic.version = 14 : i64} {
  func.func @_tc_transform_body(%arg0: i32, %arg1: memref<1x128xf32, #tpu.memory_space<vmem>>, %arg2: memref<1000x128xf32, #tpu.memory_space<vmem>>, %arg3: memref<128x128xf32, #tpu.memory_space<vmem>>, %arg4: memref<1000x128xf32, #tpu.memory_space<vmem>>) attributes {dimension_semantics = [#tpu.dimension_semantics<arbitrary>], iteration_bounds = array<i64: 10>, scalar_prefetch = 0 : i64, scratch_operands = 0 : i64, tpu.core_type = #tpu.core_type<tc>, window_params = [{pipeline_mode = #tpu.pipeline_mode<synchronous>, transform_indices = @transform_0, window_bounds = array<i64: 1, 128>}, {transform_indices = @transform_1, window_bounds = array<i64: 1000, 128>}, {pipeline_mode = #tpu.pipeline_mode<synchronous>, transform_indices = @transform_2, window_bounds = array<i64: 128, 128>}, {transform_indices = @transform_3, window_bounds = array<i64: 1000, 128>}]} {
    %get3A = arith.constant 0 : index
    %get3A_0 = arith.constant 0 : index
    %get3A_1 = vector.load %arg2[%get3A, %get3A_0] : memref<1000x128xf32, #tpu.memory_space<vmem>>, vector<1000x128xf32>
    %get3A_2 = arith.constant 0 : index
    %get3A_3 = arith.constant 0 : index
    %get3A_4 = vector.load %arg1[%get3A_2, %get3A_3] : memref<1x128xf32, #tpu.memory_space<vmem>>, vector<1x128xf32>
    %mul3A = vector.broadcast %get3A_4 : vector<1x128xf32> to vector<1000x128xf32>
    %mul3A_5 = arith.mulf %get3A_1, %mul3A : vector<1000x128xf32>
    %get3A_6 = arith.constant 0 : index
    %get3A_7 = arith.constant 0 : index
    %get3A_8 = vector.load %arg3[%get3A_6, %get3A_7] : memref<128x128xf32, #tpu.memory_space<vmem>>, vector<128x128xf32>
    %dot_general3A = arith.constant dense<0.000000e+00> : vector<1000x128xf32>
    %dot_general3A_9 = tpu.matmul %mul3A_5, %get3A_8, %dot_general3A {dimension_numbers = #tpu.dot_dimension_numbers<[1], [0], [0], [1], [0, 0, 1, 1], [], []>, transpose_lhs_hint = false} : vector<1000x128xf32>, vector<128x128xf32>, vector<1000x128xf32> -> vector<1000x128xf32>
    %get3A_10 = arith.constant 0 : index
    %get3A_11 = arith.constant 0 : index
    %get3A_12 = vector.load %arg1[%get3A_10, %get3A_11] : memref<1x128xf32, #tpu.memory_space<vmem>>, vector<1x128xf32>
    %mul3A_13 = vector.broadcast %get3A_12 : vector<1x128xf32> to vector<1000x128xf32>
    %mul3A_14 = arith.mulf %dot_general3A_9, %mul3A_13 : vector<1000x128xf32>
    %swap3A = arith.constant 0 : index
    %swap3A_15 = arith.constant 0 : index
    %swap3A_16 = vector.load %arg4[%swap3A, %swap3A_15] : memref<1000x128xf32, #tpu.memory_space<vmem>>, vector<1000x128xf32>
    tpu.vector_store %arg4[%swap3A, %swap3A_15], %mul3A_14 {strides = array<i32>} : memref<1000x128xf32, #tpu.memory_space<vmem>>, vector<1000x128xf32>,
    return
  }
  func.func @transform_0(%arg0: i32) -> (i32, i32) {
    %c0_i32 = arith.constant 0 : i32
    %c0_i32_0 = arith.constant 0 : i32
    %c0_i32_1 = arith.constant 0 : i32
    return %c0_i32, %c0_i32_0 : i32, i32
  }
  func.func @transform_1(%arg0: i32) -> (i32, i32) {
    %c0_i32 = arith.constant 0 : i32
    %c0_i32_0 = arith.constant 0 : i32
    return %arg0, %c0_i32 : i32, i32
  }
  func.func @transform_2(%arg0: i32) -> (i32, i32) {
    %c0_i32 = arith.constant 0 : i32
    %c0_i32_0 = arith.constant 0 : i32
    %c0_i32_1 = arith.constant 0 : i32
    return %c0_i32, %c0_i32_0 : i32, i32
  }
  func.func @transform_3(%arg0: i32) -> (i32, i32) {
    %c0_i32 = arith.constant 0 : i32
    %c0_i32_0 = arith.constant 0 : i32
    return %arg0, %c0_i32 : i32, i32
  }
}

</mosaic_0001>

<sc_bundles>
// kernel: kernel.4.cloned.1.call-start
scs
__scs_entry_jumppad:
0x0: {  	(pc) =	sbr.rel $0x88, $3  }
0x1: {  	(tag) =	ssettag $0x0;
	lr =	simm.s32 $0x1  }
0x2: {  	[smem:$0x3F9A] =	sst lr;
	_ =	strace $0xD0000000  }
0x3: {  	_ = 	snop  }
0x4: {  	_ = 	snop  }
0x5: {  	_ = 	snop  }
0x6: {  	_ = 	snop  }
0x7: {  	_ = 	snop  }
__scs_overlays_trampoline_lowered:
0x8: {  	[smem:$0x3FA9] =	sst s0  }
0x9: {  	[smem:$0x3FAA] =	sst s1  }
0xa: {  	[smem:$0x3FAB] =	sst s2  }
0xb: {  	[smem:$0x3FAC] =	sst s3  }
0xc: {  	[smem:$0x3FAD] =	sst s4  }
0xd: {  	[smem:$0x3FAE] =	sst s5  }
0xe: {  	[smem:$0x3FAF] =	sst s6  }
0xf: {  	[smem:$0x3FB0] =	sst s7  }
0x10: {  	[smem:$0x3FB1] =	sst s8  }
0x11: {  	[smem:$0x3FB2] =	sst s9;
	s0 =	simm.s32 @!p0 $0x0  }
0x12: {  	s1 =	sld [smem:$0x3F98];
	s0 =	simm.s32 @p0 $0x1  }
0x13: {  	[smem:$0x3FB3] =	sst s0;
	s0 =	simm.s32 @!p1 $0x0  }
0x14: {  	s2 =	sld [smem:$0x3F97];
	s0 =	simm.s32 @p1 $0x1  }
0x15: {  	[smem:$0x3FB4] =	sst s0;
	s0 =	simm.s32 @!p2 $0x0  }
0x16: {  	s3 =	sld [smem:$0x3FDB];
	s0 =	simm.s32 @p2 $0x1  }
0x17: {  	s4 =	simm.s32 $0x1BF5;
	[smem:$0x3FB6] =	sst s0  }
0x18: {  	s0 =	sld [smem:$0x3F99];
	_ =	swait.ge [sflag:s4], $0x0  }
0x19: {  	s7 =	sld [smem:$0x3F9A]  }
0x1a: {  	s8 =	sadd.s32 $0xFFFFE003, lr  }
0x1b: {  	s9 =	sadd.s32 $0xFFFFFEF7, lr;
	s5 =	simm.s32 $0xFFFFFFFF;
	p2 =	slt.u32 s8, $0xFFFFF086  }
0x1c: {  	p1 =	slt.u32 s9, $0xF7A;
	s5 =	simm.s32 @!p2 $0x0  }
0x1d: {  	s5 =	simm.s32 @p1 $0x1;
	p0 =	seq.s32 s7, s2  }
0x1e: {  	s7 =	smul.u32 @!p0 $0xF7A, s2;
	p2 =	seq.s32 @!p0 s5, $0x0  }
0x1f: {  	s9 =	smul.u32 $0xF7A, s1;
	s8 =	simm.s32 @!p0 $0x1BF5;
	p2 =	por !p2, p0  }
0x20: {  	[sflag:s8] =	ssyncset.s32 @!p0 $0xFFFFF086;
	s6 =	sadd.s32 @!p0 s3, s7;
	s7 =	simm.s32 @!p0 $0x108  }
0x21: {  	s3 =	sadd.s32 s3, s9;
	s6 =	sadd.s32 @!p0 $0x88, s6;
	s7 =	simm.s32 @p2 $0x1082  }
0x22: {  	[simem:s7], [sflag:s8] =	dma.local @!p0 [hbm:s6], $0xF7A  }
0x23: {  	s9 =	sor.u32 $0xD0000000, s2;
	s6 =	simm.s32 $0x108;
	_ =	swait.ge @!p0 [sflag:s8], $0x0  }
0x24: {  	s3 =	sadd.s32 $0x88, s3;
	s6 =	simm.s32 @!p1 $0x1082;
	[sflag:s4] =	ssyncset.s32 $0xFFFFF086  }
0x25: {  	[simem:s6], [sflag:s4] =	dma.local [hbm:s3], $0xF7A  }
0x26: {  	[smem:$0x3F9A] =	sst s1;
	(tag) =	ssettag s2;
	_ =	strace s9  }
0x27: {  	s1 =	sld [smem:$0x3FAA]  }
0x28: {  	s2 =	sld [smem:$0x3FAB]  }
0x29: {  	s4 =	sld [smem:$0x3FAD]  }
0x2a: {  	p0 =	seq.s32 s5, $0x0;
	s5 =	sld [smem:$0x3FAE]  }
0x2b: {  	s6 =	sld [smem:$0x3FAF]  }
0x2c: {  	s7 =	sld [smem:$0x3FB0]  }
0x2d: {  	s3 =	simm.s32 $0x108;
	s8 =	sld [smem:$0x3FB1]  }
0x2e: {  	s3 =	simm.s32 @!p0 $0x1082;
	s9 =	sld [smem:$0x3FB2]  }
0x2f: {  	lr =	sadd.s32 s0, s3;
	s0 =	sld [smem:$0x3FA9]  }
0x30: {  	s3 =	sld [smem:$0x3FAC]  }
0x31: {  	[smem:$0x3FB5] =	sst s10  }
0x32: {  	s10 =	sld [smem:$0x3FB3];
	_ =	sdelay $0x3  }
0x33: {  	p0 =	seq.s32 s10, $0x1;
	s10 =	sld [smem:$0x3FB5];
	_ =	sdelay $0x3  }
0x34: {  	[smem:$0x3FB5] =	sst s10  }
0x35: {  	s10 =	sld [smem:$0x3FB4];
	_ =	sdelay $0x3  }
0x36: {  	p1 =	seq.s32 s10, $0x1;
	s10 =	sld [smem:$0x3FB5];
	_ =	sdelay $0x3  }
0x37: {  	[smem:$0x3FB5] =	sst s10  }
0x38: {  	s10 =	sld [smem:$0x3FB6]  }
0x39: {  	_ = 	snop;
	(pc) =	sbr.ind lr, $3  }
0x3a: {  	_ = 	snop  }
0x3b: {  	_ = 	snop  }
0x3c: {  	p2 =	seq.s32 s10, $0x1;
	s10 =	sld [smem:$0x3FB5]  }
0x3d: {  	_ =	shalt  }
0x3e: {  	_ =	shalt  }
0x3f: {  	_ =	shalt  }
0x40: {  	_ =	shalt  }
0x41: {  	_ =	shalt  }
0x42: {  	_ =	shalt  }
0x43: {  	_ =	shalt  }
0x44: {  	_ =	shalt  }
0x45: {  	_ =	shalt  }
0x46: {  	_ =	shalt  }
0x47: {  	_ =	shalt  }
0x48: {  	_ =	shalt  }
0x49: {  	_ =	shalt  }
0x4a: {  	_ =	shalt  }
0x4b: {  	_ =	shalt  }
0x4c: {  	_ =	shalt  }
0x4d: {  	_ =	shalt  }
0x4e: {  	_ =	shalt  }
0x4f: {  	_ =	shalt  }
0x50: {  	_ =	shalt  }
0x51: {  	_ =	shalt  }
0x52: {  	_ =	shalt  }
0x53: {  	_ =	shalt  }
0x54: {  	_ =	shalt  }
0x55: {  	_ =	shalt  }
0x56: {  	_ =	shalt  }
0x57: {  	_ =	shalt  }
0x58: {  	_ =	shalt  }
0x59: {  	_ =	shalt  }
0x5a: {  	_ =	shalt  }
0x5b: {  	_ =	shalt  }
0x5c: {  	_ =	shalt  }
0x5d: {  	_ =	shalt  }
0x5e: {  	_ =	shalt  }
0x5f: {  	_ =	shalt  }
0x60: {  	_ =	shalt  }
0x61: {  	_ =	shalt  }
0x62: {  	_ =	shalt  }
0x63: {  	_ =	shalt  }
0x64: {  	_ =	shalt  }
0x65: {  	_ =	shalt  }
0x66: {  	_ =	shalt  }
0x67: {  	_ =	shalt  }
0x68: {  	_ =	shalt  }
0x69: {  	_ =	shalt  }
0x6a: {  	_ =	shalt  }
0x6b: {  	_ =	shalt  }
0x6c: {  	_ =	shalt  }
0x6d: {  	_ =	shalt  }
0x6e: {  	_ =	shalt  }
0x6f: {  	_ =	shalt  }
0x70: {  	_ =	shalt  }
0x71: {  	_ =	shalt  }
0x72: {  	_ =	shalt  }
0x73: {  	_ =	shalt  }
0x74: {  	_ =	shalt  }
0x75: {  	_ =	shalt  }
0x76: {  	_ =	shalt  }
0x77: {  	_ =	shalt  }
0x78: {  	_ =	shalt  }
0x79: {  	_ =	shalt  }
0x7a: {  	_ =	shalt  }
0x7b: {  	_ =	shalt  }
0x7c: {  	_ =	shalt  }
0x7d: {  	_ =	shalt  }
0x7e: {  	_ =	shalt  }
0x7f: {  	_ =	shalt  }
0x80: {  	_ =	shalt  }
0x81: {  	_ =	shalt  }
0x82: {  	_ =	shalt  }
0x83: {  	_ =	shalt  }
0x84: {  	_ =	shalt  }
0x85: {  	_ =	shalt  }
0x86: {  	_ =	shalt  }
0x87: {  	_ =	shalt  }
.Lfunc_end0:
.L_simem_size_0:
called_computation_lowered:
.L_overlay_start_0:
0x88: {  	s2 =	sld [smem:$0x3FD9]  }
0x89: {  	s3 =	sld [smem:$0x3FFE];
	_ =	sdelay $0x1  }
0x8a: {  	s1 =	srdreg.scid  }
0x8b: {  	s0 =	sand.u32 $0x1, s1  }
0x8c: {  	s17 =	sshll.u32 s0, $0xA;
	s2 =	sadd.s32 s3, s2  }
0x8d: {  	s2 =	sadd.s32 s2, s17  }
0x8e: {  	[smem:$0x3FC1] =	sst s2  }
0x8f: {  	_ = 	snop  }
0x90: {  	s2 =	sld [smem:$0x3FC8]  }
0x91: {  	s18 =	sld [smem:$0x3FC7]  }
0x92: {  	s4 =	sld [smem:$0x3FC5]  }
0x93: {  	s5 =	sld [smem:$0x3FD0];
	(tm) =	ssettm $0x1  }
0x94: {  	s6 =	sld [smem:$0x3FFB];
	_ =	sdelay $0x3  }
0x95: {  	_ =	strace s6  }
0x96: {  	s6 =	sld [smem:$0x3FFC];
	_ =	sdelay $0x3  }
0x97: {  	_ =	strace s6  }
0x98: {  	s6 =	sld [smem:$0x3FFD];
	_ =	sdelay $0x3  }
0x99: {  	_ =	strace s6  }
0x9a: {  	_ =	strace $0x8FFFFFFF  }
0x9b: {  	s19 =	sld [smem:$0x3FDB];
	_ =	sdelay $0x1  }
0x9c: {  	s7 =	simm.s32 $_scs_section_size  }
0x9d: {  	s8 =	simm.s32 $_size__tile_overlayer_lowered;
	s9 =	simm.s32 $_tile_overlayer_lowered  }
0x9e: {  	s22 =	simm.s32 $0x1BFF;
	s21 =	sshll.u32 s9, $0x1;
	s6 =	sadd.s32 s7, s19  }
0x9f: {  	s10 =	simm.s32 $0x0;
	s20 =	sshll.u32 s8, $0x1;
	s8 =	sadd.s32 s21, s6  }
0xa0: {  	[timem:s10], [sflag:s22] =	dma.local [hbm:s8], s20  }
0xa1: {  	_ =	swait.ge [sflag:s22], s20  }
0xa2: {  	s7 =	ssub.s32 $0x0, s20;
	[sflag:s22] =	ssyncset.done $0x0  }
0xa3: {  	[sflag:s22] =	ssyncadd.s32 s7;
	_ =	sdelay $0x1  }
0xa4: {  	s23 =	simm.s32 $0x1B8B  }
0xa5: {  	_ =	swait.ge [sflag:s23], $0x1  }
0xa6: {  	[sflag:s23] =	ssyncset.done $0x0  }
0xa7: {  	s25 =	simm.s32 $0x1B8E;
	s24 =	sld [smem:$0x3FFE];
	[sflag:s23] =	ssyncadd.s32 $0xFFFFFFFF  }
0xa8: {  	s26 =	simm.s32 $execute0_lowered;
	[smem:$0x3FD2] =	sst s25  }
0xa9: {  	s8 =	sshll.u32 s26, $0x1;
	_ =	strace $0x80000046;
	[dreg:$0x1] =	wrdreg $0xFFFFFFFF  }
0xaa: {  	s28 =	simm.s32 $_size_execute0_lowered;
	s6 =	sadd.s32 s6, s8;
	[dreg:$0x0] =	wrdreg $0x0  }
0xab: {  	s8 =	sshll.u32 s28, $0x1;
	[dreg:$0x2] =	wrdreg s6  }
0xac: {  	[dreg:$0x3] =	wrdreg s8  }
0xad: {  	[dreg:$0x4] =	wrdreg $0xC0  }
0xae: {  	_ =	task [dreg:s10], $0x5FFFF  }
0xaf: {  	[dreg:$0x1] =	wrdreg $0xFFFFFFFF  }
0xb0: {  	[dreg:$0x0] =	wrdreg $0x60  }
0xb1: {  	[dreg:$0x2] =	wrdreg s24  }
0xb2: {  	[dreg:$0x3] =	wrdreg s4  }
0xb3: {  	[dreg:$0x4] =	wrdreg s2  }
0xb4: {  	[dreg:$0x5] =	wrdreg s18  }
0xb5: {  	[dreg:$0x6] =	wrdreg s5  }
0xb6: {  	[dreg:$0x7] =	wrdreg $0x9  }
0xb7: {  	_ =	task.clear_ibuf [dreg:s10], $0x8FFFF;
	_ =	strace $0x90000046  }
0xb8: {  	s29 =	simm.s32 $0x9;
	_ =	strace $0x80000048  }
0xb9: {  	_ =	swait.ge [sflag:s29], $0x1  }
0xba: {  	[sflag:s29] =	ssyncadd.s32 $0xFFFFFFFF  }
0xbb: {  	_ =	strace $0x90000048  }
0xbc: {  	_ =	sfence  }
0xbd: {  	s30 =	sld [smem:$0x0];
	_ =	sdelay $0x2  }
0xbe: {  	s31 =	sshll.u32 s1, $0xD;
	s1 =	sshrl.u32 s1, $0x2  }
0xbf: {  	s3 =	sand.u32 $0x4000, s31;
	s1 =	sadd.s32 s1, s30  }
0xc0: {  	s0 =	sor.u32 s3, s0;
	s1 =	sshll.u32 s1, $0x11  }
0xc1: {  	s0 =	sor.u32 s1, s0  }
0xc2: {  	s0 =	sadd.s32 $0x8F2B, s0  }
0xc3: {  	[sflag:s0] =	ssyncadd.remote.s32 $0x1  }
0xc4: {  	_ =	sfence.sel $0xFFFF  }
0xc5: {  	[dreg:$0x0] =	wrdreg $0xFFFFFFFF;
	(pc) =	sbr.abs _section_cstart, $3  }
0xc6: {  	[dreg:$0x1] =	wrdreg $0xFFFFFFFF  }
0xc7: {  	_ =	task.clear_ibuf [dreg:s10], $0x2FFFF;
	_ =	strace $0x9FFFFFFF  }
0xc8: {  	(tm) =	ssettm $0x7FFFFFFF  }
0xc9: {  	_ =	shalt  }
tec
execute0_lowered:
.L_overlay_start_1:
0x0: {  	(tag) =	ssettag $0x1  }
0x1: {  	s4 =	rddreg [dreg:$0x0]  }
0x2: {  	s1 =	rddreg [dreg:$0x1]  }
0x3: {  	s5 =	rddreg [dreg:$0x2]  }
0x4: {  	s6 =	rddreg [dreg:$0x3]  }
0x5: {  	s2 =	srdreg.scid;
	s0 =	stileid.u32  }
0x6: {  	s7 =	rddreg [dreg:$0x4];
	s3 =	simm.s32 $0x0;
	s11 =	simm.s32 $0x4F00  }
0x7: {  	s12 =	simm.s32 $0x9F00;
	s13 =	simm.s32 $0x50;
	s14 =	simm.s32 $0x7700  }
0x8: {  	s15 =	simm.s32 $0xC700;
	s16 =	simm.s32 $0x1;
	s17 =	simm.s32 $0x3  }
0x9: {  	s18 =	simm.s32 $0xEF00;
	s19 =	simm.s32 $0x2;
	s20 =	simm.s32 $0x4  }
0xa: {  	s21 =	simm.s32 $0x0;
	s8 =	sand.u32 $0x1, s2;
	s9 =	sshll.u32 s0, $0x1  }
0xb: {  	s2 =	rddreg [dreg:$0x5];
	s9 =	sor.u32 s8, s9;
	s8 =	ssub.s32 $0x2, s8  }
0xc: {  	[smem:$0x7FF] =	sst s3;
	s9 =	smul.u32 $0x4E2, s9;
	s10 =	sshrl.u32 s8, $0x1  }
0xd: {  	s4 =	sadd.s32 $0xC00, s4;
	_ =	strace $0x80000047;
	s8 =	ssub.s32 s8, s10  }
0xe: {  	vm0 =	vcmask $0x3F0C;
	s10 =	simm.s32 $0x2780;
	s5 =	sadd.s32 s5, s9;
	s6 =	sadd.s32 s6, s9  }
0xf: {  	vm1 =	vcmask $0x3F08;
	vm2 =	vcmask $0x3F04;
	v0 =	vlaneseq.u32;
	s7 =	sadd.s32 s7, s9;
	s8 =	smax.u32 s8, $0x1;
	s9 =	simm.s32 $0x5  }
.LBB2_1:
0x10: {  	[tilespmem:s3], [sflag:$0x5] =	stream.linear.gather [hbm4b:s5+s3], $0x2710, $0x38;
	[tilespmem:$0x11680] =	vst v63  }
0x11: {  	_ =	swait.ge [sflag:s9], $0x2710  }
0x12: {  	[sflag:s9] =	ssyncset.done $0x0  }
0x13: {  	[sflag:s9] =	ssyncadd.s32 $0xFFFFD8F0  }
0x14: {  	[tilespmem:s10], [sflag:$0x5] =	stream.linear.gather [hbm4b:s6+s3], $0x2710, $0x38;
	[tilespmem:$0x11680] =	vst v63  }
0x15: {  	_ =	swait.ge [sflag:s9], $0x2710  }
0x16: {  	[sflag:s9] =	ssyncset.done $0x0  }
0x17: {  	[sflag:s9] =	ssyncadd.s32 $0xFFFFD8F0  }
0x18: {  	[tilespmem:s11], [sflag:$0x1] =	stream.indirect.gather [hbm4b:s4+s13], $0x80, s3, s13, $0xb8;
	[tilespmem:$0x11680] =	vst v63  }
0x19: {  	s22 =	simm.s32 $0x50;
	s23 =	simm.s32 $0x0;
	s24 =	simm.s32 $0x0  }
0x1a: {  	[tilespmem:s12], [sflag:$0x3] =	stream.indirect.gather [hbm4b:s1+s13], $0x80, s10, s13, $0xb8;
	[tilespmem:$0x11680] =	vst v63  }
.LBB2_2:
0x1b: {  	s25 =	smul.u32 $0xA0, s24;
	_ =	sdelay $0x1  }
0x1c: {  	s26 =	sadd.s32 $0x50, s25  }
0x1d: {  	[tilespmem:s14], [sflag:$0x2] =	stream.indirect.gather [hbm4b:s4+s13], $0x80, s26, s13, $0xb8;
	[tilespmem:$0x11680] =	vst v63  }
0x1e: {  	s31 =	sadd.s32 $0x27D0, s25  }
0x1f: {  	[tilespmem:s15], [sflag:$0x4] =	stream.indirect.gather [hbm4b:s1+s13], $0x80, s31, s13, $0xb8;
	[tilespmem:$0x11680] =	vst v63  }
0x20: {  	_ =	swait.ge [sflag:s16], $0x2800  }
0x21: {  	[sflag:s16] =	ssyncset.done $0x0  }
0x22: {  	[sflag:s16] =	ssyncadd.s32 $0xFFFFD800  }
0x23: {  	_ =	swait.ge [sflag:s17], $0x2800  }
0x24: {  	[sflag:s17] =	ssyncset.done $0x0  }
0x25: {  	s28 =	simm.s32 $0x5100;
	[sflag:s17] =	ssyncadd.s32 $0xFFFFD800  }
0x26: {  	s26 =	simm.s32 $0xA100;
	v1 =	vld [tilespmem:s28+$0x60]  }
0x27: {  	v2 =	vld [tilespmem:s26+$0x60]  }
0x28: {  	v3 =	vld [tilespmem:s28+$0x70]  }
0x29: {  	v4 =	vld [tilespmem:s26+$0x70]  }
0x2a: {  	v5 =	vld [tilespmem:s28+$0xE0]  }
0x2b: {  	v6 =	vld [tilespmem:s26+$0xE0]  }
0x2c: {  	v7 =	vld [tilespmem:s28+$0xF0]  }
0x2d: {  	v8 =	vld [tilespmem:s26+$0xF0]  }
0x2e: {  	v9 =	vld [tilespmem:s28+$0x40]  }
0x2f: {  	v10 =	vld [tilespmem:s26+$0x40]  }
0x30: {  	v11 =	vld [tilespmem:s28+$0x50]  }
0x31: {  	v17 =	vld [tilespmem:s28+$0x1E0]  }
0x32: {  	v12 =	vld [tilespmem:s26+$0x50]  }
0x33: {  	v13 =	vld [tilespmem:s28+$0x160]  }
0x34: {  	v14 =	vld [tilespmem:s26+$0x160]  }
0x35: {  	v15 =	vld [tilespmem:s28+$0x170]  }
0x36: {  	v16 =	vld [tilespmem:s26+$0x170];
	[tilespmem:$0x1FF30] =	vst v17  }
0x37: {  	v17 =	vld [tilespmem:s26+$0x1E0];
	_ =	sdelay $0x4  }
0x38: {  	[tilespmem:$0x1FF40] =	vst v17  }
0x39: {  	v19 =	vld [tilespmem:s28+$0xC0]  }
0x3a: {  	v20 =	vld [tilespmem:s26+$0xC0]  }
0x3b: {  	v21 =	vld [tilespmem:s28+$0xD0]  }
0x3c: {  	v22 =	vld [tilespmem:s26+$0xD0]  }
0x3d: {  	v23 =	vld [tilespmem:s28+$0x0]  }
0x3e: {  	v24 =	vld [tilespmem:s26+$0x0]  }
0x3f: {  	v25 =	vld [tilespmem:s28+$0x10]  }
0x40: {  	v26 =	vld [tilespmem:s26+$0x10]  }
0x41: {  	v27 =	vld [tilespmem:s28+$0x20]  }
0x42: {  	v28 =	vld [tilespmem:s26+$0x20]  }
0x43: {  	v29 =	vld [tilespmem:s28+$0x30]  }
0x44: {  	v30 =	vld [tilespmem:s26+$0x30]  }
0x45: {  	v31 =	vld [tilespmem:s28+$0x140]  }
0x46: {  	v32 =	vld [tilespmem:s26+$0x140]  }
0x47: {  	v33 =	vld [tilespmem:s28+$0x150]  }
0x48: {  	v34 =	vld [tilespmem:s26+$0x150]  }
0x49: {  	v35 =	vld [tilespmem:s28+$0x1C0]  }
0x4a: {  	v36 =	vld [tilespmem:s26+$0x1C0]  }
0x4b: {  	v37 =	vld [tilespmem:s28+$0x80]  }
0x4c: {  	v38 =	vld [tilespmem:s26+$0x80]  }
0x4d: {  	v39 =	vld [tilespmem:s28+$0x90]  }
0x4e: {  	v40 =	vld [tilespmem:s26+$0x90]  }
0x4f: {  	v41 =	vld [tilespmem:s28+$0xA0]  }
0x50: {  	v42 =	vld [tilespmem:s26+$0xA0]  }
0x51: {  	v43 =	vld [tilespmem:s28+$0xB0]  }
0x52: {  	v44 =	vld [tilespmem:s26+$0xB0]  }
0x53: {  	v45 =	vld [tilespmem:s28+$0x100]  }
0x54: {  	v46 =	vld [tilespmem:s26+$0x100]  }
0x55: {  	v47 =	vld [tilespmem:s28+$0x110]  }
0x56: {  	v48 =	vld [tilespmem:s26+$0x110]  }
0x57: {  	v49 =	vld [tilespmem:s28+$0x120]  }
0x58: {  	v50 =	vld [tilespmem:s26+$0x120]  }
0x59: {  	v51 =	vld [tilespmem:s28+$0x130]  }
0x5a: {  	v52 =	vld [tilespmem:s26+$0x130]  }
0x5b: {  	v53 =	vld [tilespmem:s28+$0x180]  }
0x5c: {  	v54 =	vld [tilespmem:s26+$0x180]  }
0x5d: {  	v55 =	vld [tilespmem:s28+$0x190]  }
0x5e: {  	v56 =	vld [tilespmem:s28+$0x1A0]  }
0x5f: {  	v57 =	vld [tilespmem:s26+$0x1A0]  }
0x60: {  	v58 =	vld [tilespmem:s26+$0x190]  }
0x61: {  	v59 =	vld [tilespmem:s28+$0x1B0]  }
0x62: {  	v18 =	vld [tilespmem:s28+$0xFFFFFF00]  }
0x63: {  	v60 =	vld [tilespmem:s26+$0x1B0]  }
0x64: {  	v61 =	vld [tilespmem:s28+$0x1D0]  }
0x65: {  	v62 =	vld [tilespmem:s26+$0x1D0]  }
0x66: {  	v63 =	vld [tilespmem:s28+$0x1F0]  }
0x67: {  	v17 =	vld [tilespmem:s26+$0x1F0];
	[tilespmem:$0x1FF50] =	vst v18  }
0x68: {  	v18 =	vld [tilespmem:s26+$0xFFFFFF00];
	_ =	sdelay $0x4  }
0x69: {  	[tilespmem:$0x1FF60] =	vst v18  }
0x6a: {  	v18 =	vld [tilespmem:s28+$0xFFFFFF10];
	_ =	sdelay $0x4  }
0x6b: {  	[tilespmem:$0x1FF70] =	vst v18  }
0x6c: {  	v18 =	vld [tilespmem:s26+$0xFFFFFF10];
	_ =	sdelay $0x4  }
0x6d: {  	[tilespmem:$0x1FF80] =	vst v18  }
0x6e: {  	v18 =	vld [tilespmem:s28+$0xFFFFFF20];
	_ =	sdelay $0x4  }
0x6f: {  	[tilespmem:$0x1FF90] =	vst v18  }
0x70: {  	v18 =	vld [tilespmem:s26+$0xFFFFFF20];
	_ =	sdelay $0x4  }
0x71: {  	[tilespmem:$0x1FFA0] =	vst v18  }
0x72: {  	v18 =	vld [tilespmem:s28+$0xFFFFFF30];
	_ =	sdelay $0x4  }
0x73: {  	[tilespmem:$0x1FFB0] =	vst v18  }
0x74: {  	v18 =	vld [tilespmem:s26+$0xFFFFFF30];
	_ =	sdelay $0x4  }
0x75: {  	[tilespmem:$0x1FFC0] =	vst v18  }
0x76: {  	v18 =	vld [tilespmem:s28+$0xFFFFFF80];
	_ =	sdelay $0x4  }
0x77: {  	v1 =	vmul.f32 v2, v1;
	[tilespmem:$0x1FFD0] =	vst v18  }
0x78: {  	v2 =	vmul.f32 v4, v3;
	v4 =	vmul.f32 v6, v5;
	v18 =	vld [tilespmem:s26+$0xFFFFFF80]  }
0x79: {  	v5 =	vmul.f32 v8, v7;
	v7 =	vmul.f32 v10, v9  }
0x7a: {  	v10 =	vmul.f32 v14, v13;
	v14 =	vmul.f32 v26, v25  }
0x7b: {  	v25 =	vmul.f32 v38, v37;
	v42 =	vmul.f32 v42, v41  }
0x7c: {  	v41 =	vmul.f32 v50, v49;
	v50 =	vld [tilespmem:$0x1FF40]  }
0x7d: {  	v8 =	vmul.f32 v12, v11;
	v25 =	vadd.f32 v42, v25;
	v42 =	vmul.f32 v52, v51;
	v51 =	vld [tilespmem:$0x1FF50];
	[tilespmem:$0x1FFE0] =	vst v18  }
0x7e: {  	v11 =	vmul.f32 v16, v15;
	v13 =	vmul.f32 v24, v23;
	v18 =	vld [tilespmem:s28+$0xFFFFFF90]  }
0x7f: {  	v16 =	vmul.f32 v28, v27;
	v46 =	vmul.f32 v46, v45;
	v52 =	vld [tilespmem:$0x1FF60]  }
0x80: {  	v45 =	vmul.f32 v57, v56;
	v56 =	vld [tilespmem:$0x1FFA0]  }
0x81: {  	v13 =	vadd.f32 v16, v13;
	v16 =	vadd.f32 v41, v46;
	v46 =	vmul.f32 v60, v59;
	v59 =	vld [tilespmem:$0x1FFC0]  }
0x82: {  	v60 =	vld [tilespmem:$0x1FFD0]  }
0x83: {  	v49 =	vmul.f32 v62, v61;
	v61 =	vld [tilespmem:$0x1FFE0];
	[tilespmem:$0x1FFF0] =	vst v18  }
0x84: {  	v3 =	vld [tilespmem:s26+$0xFFFFFF90]  }
0x85: {  	v6 =	vld [tilespmem:s28+$0xFFFFFFA0]  }
0x86: {  	v9 =	vld [tilespmem:s26+$0xFFFFFFA0]  }
0x87: {  	v12 =	vld [tilespmem:s28+$0xFFFFFFB0]  }
0x88: {  	v15 =	vld [tilespmem:s26+$0xFFFFFFB0]  }
0x89: {  	v24 =	vld [tilespmem:s28+$0xFFFFFE80]  }
0x8a: {  	v27 =	vld [tilespmem:s26+$0xFFFFFE80]  }
0x8b: {  	v18 =	vmul.f32 v30, v29;
	v30 =	vld [tilespmem:s28+$0xFFFFFE90]  }
0x8c: {  	v26 =	vmul.f32 v40, v39;
	v39 =	vld [tilespmem:s26+$0xFFFFFE90]  }
0x8d: {  	v23 =	vld [tilespmem:s28+$0xFFFFFEA0]  }
0x8e: {  	v7 =	vadd.f32 v7, v13;
	v29 =	vld [tilespmem:s26+$0xFFFFFEA0]  }
0x8f: {  	v19 =	vmul.f32 v20, v19;
	v13 =	vld [tilespmem:s28+$0xFFFFFEB0]  }
0x90: {  	v44 =	vmul.f32 v44, v43;
	v48 =	vmul.f32 v48, v47;
	v1 =	vadd.f32 v1, v7;
	v7 =	vld [tilespmem:s26+$0xFFFFFE00]  }
0x91: {  	v19 =	vadd.f32 v19, v25;
	v25 =	vld [tilespmem:s28+$0xFFFFFE10];
	v14 =	vadd.f32 v18, v14  }
0x92: {  	v47 =	vmul.f32 v34, v33;
	v26 =	vadd.f32 v44, v26;
	v43 =	vadd.f32 v42, v48;
	v28 =	vld [tilespmem:s28+$0xFFFFFE20]  }
0x93: {  	v44 =	vmul.f32 v32, v31;
	v32 =	vld [tilespmem:s28+$0xFFFFFE30];
	v8 =	vadd.f32 v8, v14;
	v14 =	vmul.f32 v22, v21  }
0x94: {  	v20 =	vadd.f32 v47, v43;
	v31 =	vld [tilespmem:s26+$0xFFFFFE30]  }
0x95: {  	v4 =	vadd.f32 v4, v19;
	v19 =	vld [tilespmem:s28+$0xFFFFFF40];
	v14 =	vadd.f32 v14, v26  }
0x96: {  	v11 =	vadd.f32 v11, v20;
	v20 =	vld [tilespmem:s26+$0xFFFFFEC0]  }
0x97: {  	v34 =	vld [tilespmem:s26+$0xFFFFFED0];
	v5 =	vadd.f32 v5, v14  }
0x98: {  	v38 =	vld [tilespmem:s28+$0xFFFFFE40];
	v2 =	vadd.f32 v2, v8  }
0x99: {  	v4 =	vadd.f32 v5, v4;
	v5 =	vld [tilespmem:$0x1FF30]  }
0x9a: {  	v47 =	vld [tilespmem:s26+$0xFFFFFE50];
	v8 =	vmul.f32 v54, v53;
	v1 =	vadd.f32 v2, v1;
	v2 =	vmul.f32 v58, v55  }
0x9b: {  	v33 =	vmul.f32 v52, v51;
	v52 =	vld [tilespmem:s28+$0xFFFFFF70]  }
0x9c: {  	v48 =	vmul.f32 v36, v35;
	v21 =	vld [tilespmem:s26+$0xFFFFFEB0];
	v8 =	vadd.f32 v45, v8;
	v2 =	vadd.f32 v46, v2  }
0x9d: {  	v17 =	vmul.f32 v17, v63;
	v22 =	vld [tilespmem:s28+$0xFFFFFED0];
	v14 =	vadd.f32 v44, v16  }
0x9e: {  	v26 =	vld [tilespmem:s26+$0xFFFFFE10];
	v8 =	vadd.f32 v48, v8;
	v2 =	vadd.f32 v49, v2;
	v5 =	vmul.f32 v50, v5  }
0x9f: {  	v53 =	vld [tilespmem:$0x1FF70];
	v10 =	vadd.f32 v10, v14  }
0xa0: {  	v54 =	vld [tilespmem:$0x1FF80];
	v2 =	vadd.f32 v17, v2;
	v5 =	vadd.f32 v5, v8  }
0xa1: {  	v6 =	vmul.f32 v9, v6;
	v9 =	vld [tilespmem:s26+$0xFFFFFE40];
	(xrf2) =	vadd.scan.msk.f32 $0xffff, v1;
	v1 =	vadd.f32 v11, v10  }
0xa2: {  	v16 =	vld [tilespmem:s26+$0xFFFFFE20];
	(xrf2) =	vadd.scan.msk.f32 $0xffff, v4;
	v2 =	vadd.f32 v2, v5  }
0xa3: {  	v55 =	vld [tilespmem:$0x1FF90];
	(xrf2) =	vadd.scan.msk.f32 $0xffff, v1  }
0xa4: {  	v58 =	vld [tilespmem:$0x1FFB0];
	(xrf2) =	vadd.scan.msk.f32 $0xffff, v2  }
0xa5: {  	v45 =	vld [tilespmem:s28+$0xFFFFFE50]  }
0xa6: {  	v14 =	vld [tilespmem:s26+$0xFFFFFF40]  }
0xa7: {  	v46 =	vld [tilespmem:$0x1FFF0]  }
0xa8: {  	v10 =	vld [tilespmem:s26+$0xFFFFFF50]  }
0xa9: {  	v4 =	vld [tilespmem:s28+$0xFFFFFFC0]  }
0xaa: {  	v40 =	vmul.f32 v61, v60;
	v11 =	vld [tilespmem:s28+$0xFFFFFE00]  }
0xab: {  	v12 =	vmul.f32 v15, v12;
	v24 =	vmul.f32 v27, v24;
	v49 =	vld [tilespmem:s28+$0xFFFFFF60];
	v57, _, _ =	vpop (xrf2)  }
0xac: {  	s29 =	sadd.s32 $0x4, s23;
	v23 =	vmul.f32 v29, v23;
	v30 =	vmul.f32 v39, v30;
	v6 =	vadd.f32 v6, v40;
	v1 =	vld [tilespmem:s26+$0xFFFFFFC0];
	v62, _, _ =	vpop (xrf2)  }
0xad: {  	v13 =	vmul.f32 v21, v13;
	v48 =	vadd.s32 s29, v0;
	v35 =	vmul.f32 v56, v55;
	v17 =	vld [tilespmem:s28+$0xFFFFFEC0];
	v63, _, _ =	vpop (xrf2)  }
0xae: {  	v18 =	vmul.f32 v54, v53;
	v53 =	vadd.f32 v23, v24;
	v3 =	vmul.f32 v3, v46;
	v8 =	vld [tilespmem:s28+$0xFFFFFF50];
	v15, _, _ =	vpop (xrf2)  }
0xaf: {  	v33 =	vadd.f32 v35, v33;
	v5 =	vld [tilespmem:s26+$0xFFFFFFD0];
	v35 =	vbroadcast v63, $0xF;
	v15 =	vbroadcast v15, $0xF  }
0xb0: {  	v54 =	vmul.f32 v26, v25;
	v3 =	vadd.f32 v12, v3;
	v2 =	vld [tilespmem:s28+$0xFFFFFFD0];
	v12 =	vbroadcast v62, $0xF  }
0xb1: {  	v13 =	vadd.f32 v13, v30;
	v37 =	vmul.f32 v59, v58;
	v50 =	vld [tilespmem:s26+$0xFFFFFF60];
	v15 =	vsel vm0, v15, v35  }
0xb2: {  	v55 =	vmul.f32 v31, v32;
	v14 =	vmul.f32 v14, v19;
	v12 =	vsel vm1, v15, v12;
	v15 =	vld [tilespmem:s26+$0xFFFFFF70]  }
0xb3: {  	v56 =	vld [tilespmem:s28+$0xFFFFFFE0];
	v16 =	vmul.f32 v16, v28;
	v18 =	vadd.f32 v37, v18;
	v1 =	vmul.f32 v1, v4  }
0xb4: {  	v14 =	vadd.f32 v14, v33;
	v4 =	vld [tilespmem:s28+$0xFFFFFFF0];
	v51 =	vbroadcast v57, $0xF;
	v8 =	vmul.f32 v10, v8  }
0xb5: {  	v57 =	vadd.f32 v55, v54;
	v58 =	vadd.f32 v1, v6;
	v10 =	vld [tilespmem:s26+$0xFFFFFFE0];
	v2 =	vmul.f32 v5, v2  }
0xb6: {  	v1 =	vmul.f32 v7, v11;
	v6 =	vmul.f32 v20, v17;
	v8 =	vadd.f32 v8, v18;
	v5 =	vld [tilespmem:s26+$0xFFFFFFF0]  }
0xb7: {  	v59 =	vld [tilespmem:s28+$0xFFFFFEE0];
	v60 =	vadd.f32 v2, v3;
	v3 =	vmul.f32 v50, v49;
	v7 =	vmul.f32 v15, v52  }
0xb8: {  	v11 =	vadd.f32 v16, v1;
	v1 =	vmul.f32 v34, v22;
	v2 =	vadd.f32 v6, v53;
	v15 =	vld [tilespmem:s26+$0xFFFFFEE0]  }
0xb9: {  	v9 =	vmul.f32 v9, v38;
	v6 =	vld [tilespmem:s28+$0xFFFFFEF0];
	v14 =	vadd.f32 v3, v14;
	v61 =	vadd.f32 v7, v8  }
0xba: {  	v62 =	vmul.f32 v10, v56;
	v3 =	vadd.f32 v1, v13;
	v13 =	vmul.f32 v47, v45;
	v8 =	vld [tilespmem:s26+$0xFFFFFEF0]  }
0xbb: {  	v10 =	vld [tilespmem:s26+$0xFFFFFE60];
	v63 =	vmul.f32 v5, v4;
	v5 =	vadd.f32 v9, v11;
	v16 =	vadd.f32 v61, v14  }
0xbc: {  	v11 =	vadd.f32 v62, v58;
	v4 =	vadd.f32 v13, v57;
	v7 =	vld [tilespmem:s28+$0xFFFFFE60]  }
0xbd: {  	v9 =	vld [tilespmem:s28+$0xFFFFFE70];
	v13 =	vadd.f32 v63, v60;
	v12 =	vsel vm2, v12, v51;
	v14 =	vmul.f32 v15, v59;
	(xrf2) =	vadd.scan.msk.f32 $0xffff, v16  }
0xbe: {  	s30 =	smov.u32 s23;
	s29 =	simm.s32 $0x5500;
	v1 =	vadd.s32 s23, v0;
	[tilespmem:v48+s18+$0x0] =	vst.idx.msk $0xf, v12;
	v12 =	vld [tilespmem:s26+$0xFFFFFE70];
	s28 =	simm.s32 $0x0  }
.LBB2_3:
0xbf: {  	v15 =	vld [tilespmem:s29+$0x60];
	v2 =	vadd.f32 v14, v2;
	v6 =	vmul.f32 v8, v6;
	v8 =	vadd.f32 v13, v11;
	s26 =	sadd.s32 $0x400, s26  }
0xc0: {  	v11 =	vld [tilespmem:s26+$0x60]  }
0xc1: {  	v13 =	vld [tilespmem:s29+$0x70];
	v7 =	vmul.f32 v10, v7;
	v3 =	vadd.f32 v6, v3;
	(xrf2) =	vadd.scan.msk.f32 $0xffff, v8  }
0xc2: {  	v6 =	vld [tilespmem:s26+$0x70]  }
0xc3: {  	v8 =	vld [tilespmem:s29+$0xE0];
	v5 =	vadd.f32 v7, v5;
	v7 =	vmul.f32 v12, v9;
	v2 =	vadd.f32 v3, v2  }
0xc4: {  	v9 =	vld [tilespmem:s26+$0xE0]  }
0xc5: {  	v10 =	vld [tilespmem:s29+$0xF0];
	v12 =	vadd.f32 v7, v4;
	(xrf2) =	vadd.scan.msk.f32 $0xffff, v2  }
0xc6: {  	v4 =	vld [tilespmem:s26+$0xF0]  }
0xc7: {  	v7 =	vld [tilespmem:s29+$0x40];
	v2 =	vadd.f32 v12, v5;
	v3, _, _ =	vpop (xrf2)  }
0xc8: {  	v5 =	vld [tilespmem:s26+$0x40];
	v3 =	vbroadcast v3, $0xF  }
0xc9: {  	v12 =	vld [tilespmem:s29+$0x50];
	(xrf2) =	vadd.scan.msk.f32 $0xffff, v2  }
0xca: {  	v14 =	vld [tilespmem:s26+$0x50]  }
0xcb: {  	v16 =	vld [tilespmem:s29+$0x160];
	v2, _, _ =	vpop (xrf2)  }
0xcc: {  	v17 =	vld [tilespmem:s26+$0x160];
	v2 =	vbroadcast v2, $0xF  }
0xcd: {  	v18 =	vld [tilespmem:s29+$0x170]  }
0xce: {  	v19 =	vld [tilespmem:s26+$0x170];
	v20 =	vsel vm0, v2, v3  }
0xcf: {  	v2 =	vld [tilespmem:s29+$0x1E0];
	v21, _, _ =	vpop (xrf2)  }
0xd0: {  	v3 =	vld [tilespmem:s26+$0x1E0];
	v21 =	vbroadcast v21, $0xF  }
0xd1: {  	v22 =	vld [tilespmem:s29+$0xC0]  }
0xd2: {  	v23 =	vld [tilespmem:s26+$0xC0];
	v20 =	vsel vm1, v20, v21  }
0xd3: {  	v21 =	vld [tilespmem:s29+$0xD0];
	v24, _, _ =	vpop (xrf2)  }
0xd4: {  	v25 =	vld [tilespmem:s26+$0xD0];
	v24 =	vbroadcast v24, $0xF  }
0xd5: {  	v26 =	vld [tilespmem:s29+$0x0]  }
0xd6: {  	v27 =	vld [tilespmem:s26+$0x0];
	v20 =	vsel vm2, v20, v24  }
0xd7: {  	v24 =	vld [tilespmem:s29+$0x10];
	[tilespmem:v1+s18+$0x0] =	vst.idx.msk $0xf, v20  }
0xd8: {  	v1 =	vld [tilespmem:s26+$0x10]  }
0xd9: {  	v20 =	vld [tilespmem:s29+$0x20]  }
0xda: {  	v28 =	vld [tilespmem:s26+$0x20]  }
0xdb: {  	v29 =	vld [tilespmem:s29+$0x30]  }
0xdc: {  	v30 =	vld [tilespmem:s26+$0x30]  }
0xdd: {  	v31 =	vld [tilespmem:s29+$0x140]  }
0xde: {  	v32 =	vld [tilespmem:s26+$0x140]  }
0xdf: {  	v33 =	vld [tilespmem:s29+$0x150]  }
0xe0: {  	v34 =	vld [tilespmem:s26+$0x150]  }
0xe1: {  	v35 =	vld [tilespmem:s29+$0x1C0]  }
0xe2: {  	v36 =	vld [tilespmem:s26+$0x1C0]  }
0xe3: {  	v37 =	vld [tilespmem:s29+$0x80]  }
0xe4: {  	v38 =	vld [tilespmem:s26+$0x80]  }
0xe5: {  	v39 =	vld [tilespmem:s29+$0x90]  }
0xe6: {  	v40 =	vld [tilespmem:s26+$0x90]  }
0xe7: {  	v41 =	vld [tilespmem:s29+$0xA0]  }
0xe8: {  	v42 =	vld [tilespmem:s26+$0xA0]  }
0xe9: {  	v43 =	vld [tilespmem:s29+$0xB0]  }
0xea: {  	v44 =	vld [tilespmem:s26+$0xB0]  }
0xeb: {  	v45 =	vld [tilespmem:s29+$0x100]  }
0xec: {  	v46 =	vld [tilespmem:s26+$0x100]  }
0xed: {  	v47 =	vld [tilespmem:s29+$0x110]  }
0xee: {  	v11 =	vmul.f32 v11, v15;
	v6 =	vmul.f32 v6, v13;
	v13 =	vld [tilespmem:s26+$0x110]  }
0xef: {  	v8 =	vmul.f32 v9, v8;
	v4 =	vmul.f32 v4, v10;
	v9 =	vld [tilespmem:s29+$0x120]  }
0xf0: {  	v5 =	vmul.f32 v5, v7;
	v7 =	vmul.f32 v14, v12;
	v10 =	vld [tilespmem:s26+$0x120]  }
0xf1: {  	v14 =	vmul.f32 v17, v16;
	v15 =	vmul.f32 v19, v18;
	v12 =	vld [tilespmem:s29+$0x130]  }
0xf2: {  	v16 =	vmul.f32 v23, v22;
	v17 =	vmul.f32 v25, v21;
	v18 =	vld [tilespmem:s26+$0x130]  }
0xf3: {  	v19 =	vmul.f32 v27, v26;
	v1 =	vmul.f32 v1, v24;
	v21 =	vld [tilespmem:s29+$0x180]  }
0xf4: {  	v20 =	vmul.f32 v28, v20;
	v22 =	vmul.f32 v30, v29;
	v23 =	vld [tilespmem:s26+$0x180]  }
0xf5: {  	v24 =	vmul.f32 v38, v37;
	v25 =	vmul.f32 v40, v39;
	v26 =	vld [tilespmem:s29+$0x190]  }
0xf6: {  	v27 =	vmul.f32 v42, v41;
	v28 =	vmul.f32 v44, v43;
	v29 =	vld [tilespmem:s29+$0x1A0]  }
0xf7: {  	v30 =	vmul.f32 v46, v45;
	v13 =	vmul.f32 v13, v47;
	v37 =	vld [tilespmem:s26+$0x1A0]  }
0xf8: {  	v19 =	vadd.f32 v20, v19;
	v1 =	vadd.f32 v22, v1;
	v9 =	vmul.f32 v10, v9;
	v10 =	vld [tilespmem:s26+$0x190]  }
0xf9: {  	v20 =	vadd.f32 v27, v24;
	v22 =	vadd.f32 v28, v25;
	v12 =	vmul.f32 v18, v12;
	v18 =	vld [tilespmem:s29+$0x1B0]  }
0xfa: {  	s28 =	sadd.s32 $0x2, s28;
	v5 =	vadd.f32 v5, v19;
	v1 =	vadd.f32 v7, v1;
	v7 =	vmul.f32 v32, v31;
	v19 =	vld [tilespmem:s26+$0x1B0]  }
0xfb: {  	p0 =	slt.u32 s28, $0x12;
	v9 =	vadd.f32 v9, v30;
	v12 =	vadd.f32 v12, v13;
	v13 =	vmul.f32 v23, v21;
	v21 =	vld [tilespmem:s29+$0x1D0]  }
0xfc: {  	v5 =	vadd.f32 v11, v5;
	v1 =	vadd.f32 v6, v1;
	v6 =	vmul.f32 v37, v29;
	v11 =	vld [tilespmem:s26+$0x1D0]  }
0xfd: {  	v16 =	vadd.f32 v16, v20;
	v20 =	vmul.f32 v34, v33;
	v17 =	vadd.f32 v17, v22;
	v22 =	vld [tilespmem:s29+$0x1F0]  }
0xfe: {  	v1 =	vadd.f32 v1, v5;
	v5 =	vmul.f32 v10, v26;
	v6 =	vadd.f32 v6, v13;
	v10 =	vld [tilespmem:s26+$0x1F0]  }
0xff: {  	v8 =	vadd.f32 v8, v16;
	v4 =	vadd.f32 v4, v17;
	v13 =	vld [tilespmem:s29+$0xFFFFFF00];
	v16 =	vmul.f32 v19, v18  }
0x100: {  	v7 =	vadd.f32 v7, v9;
	v9 =	vadd.f32 v20, v12;
	v12 =	vmul.f32 v36, v35;
	v17 =	vld [tilespmem:s26+$0xFFFFFF00];
	(xrf2) =	vadd.scan.msk.f32 $0xffff, v1  }
0x101: {  	v4 =	vadd.f32 v4, v8;
	v1 =	vld [tilespmem:s29+$0xFFFFFF10];
	v5 =	vadd.f32 v16, v5;
	v8 =	vmul.f32 v11, v21  }
0x102: {  	v2 =	vmul.f32 v3, v2;
	v7 =	vadd.f32 v14, v7;
	v9 =	vadd.f32 v15, v9;
	v11 =	vld [tilespmem:s26+$0xFFFFFF10]  }
0x103: {  	v6 =	vadd.f32 v12, v6;
	v3 =	vld [tilespmem:s29+$0xFFFFFF20];
	v5 =	vadd.f32 v8, v5;
	v8 =	vmul.f32 v10, v22;
	(xrf2) =	vadd.scan.msk.f32 $0xffff, v4  }
0x104: {  	v7 =	vadd.f32 v9, v7;
	v4 =	vld [tilespmem:s26+$0xFFFFFF20]  }
0x105: {  	v2 =	vadd.f32 v2, v6;
	v9 =	vmul.f32 v17, v13;
	v10 =	vld [tilespmem:s29+$0xFFFFFF30];
	v5 =	vadd.f32 v8, v5  }
0x106: {  	v6 =	vld [tilespmem:s26+$0xFFFFFF30];
	(xrf2) =	vadd.scan.msk.f32 $0xffff, v7  }
0x107: {  	v1 =	vmul.f32 v11, v1;
	v7 =	vld [tilespmem:s29+$0xFFFFFF80];
	v2 =	vadd.f32 v5, v2  }
0x108: {  	v5 =	vld [tilespmem:s26+$0xFFFFFF80]  }
0x109: {  	v3 =	vmul.f32 v4, v3;
	v4 =	vld [tilespmem:s29+$0xFFFFFF90];
	(xrf2) =	vadd.scan.msk.f32 $0xffff, v2  }
0x10a: {  	v2 =	vld [tilespmem:s26+$0xFFFFFF90];
	v8, _, _ =	vpop (xrf2)  }
0x10b: {  	v3 =	vadd.f32 v3, v9;
	v6 =	vmul.f32 v6, v10;
	v9 =	vld [tilespmem:s29+$0xFFFFFFA0]  }
0x10c: {  	v10 =	vld [tilespmem:s26+$0xFFFFFFA0]  }
0x10d: {  	v6 =	vadd.f32 v6, v1;
	v1 =	vmul.f32 v5, v7;
	v5 =	vld [tilespmem:s29+$0xFFFFFFB0];
	v7, _, _ =	vpop (xrf2)  }
0x10e: {  	v11 =	vld [tilespmem:s26+$0xFFFFFFB0]  }
0x10f: {  	v12 =	vld [tilespmem:s29+$0xFFFFFE80];
	v2 =	vmul.f32 v2, v4  }
0x110: {  	v4 =	vld [tilespmem:s26+$0xFFFFFE80];
	v13, _, _ =	vpop (xrf2)  }
0x111: {  	v14 =	vld [tilespmem:s29+$0xFFFFFE90];
	v9 =	vmul.f32 v10, v9  }
0x112: {  	s30 =	sadd.s32 $0x8, s30;
	v10 =	vld [tilespmem:s26+$0xFFFFFE90]  }
0x113: {  	s31 =	sadd.s32 $0x4, s30;
	v15 =	vld [tilespmem:s29+$0xFFFFFEA0];
	v9 =	vadd.f32 v9, v1;
	v5 =	vmul.f32 v11, v5;
	v1 =	vadd.s32 s30, v0;
	v11, _, _ =	vpop (xrf2)  }
0x114: {  	v17 =	vadd.s32 s31, v0;
	v13 =	vbroadcast v13, $0xF;
	v16 =	vld [tilespmem:s26+$0xFFFFFEA0];
	v11 =	vbroadcast v11, $0xF  }
0x115: {  	v4 =	vmul.f32 v4, v12;
	v12 =	vld [tilespmem:s29+$0xFFFFFEB0];
	v2 =	vadd.f32 v5, v2;
	v5 =	vbroadcast v7, $0xF  }
0x116: {  	v8 =	vbroadcast v8, $0xF;
	v7 =	vld [tilespmem:s26+$0xFFFFFEB0];
	v11 =	vsel vm0, v11, v13  }
0x117: {  	v13 =	vld [tilespmem:s26+$0xFFFFFE00];
	v10 =	vmul.f32 v10, v14;
	v5 =	vsel vm1, v11, v5  }
0x118: {  	v11 =	vld [tilespmem:s29+$0xFFFFFE10];
	v5 =	vsel vm2, v5, v8  }
0x119: {  	v8 =	vld [tilespmem:s26+$0xFFFFFE10];
	v14 =	vmul.f32 v16, v15;
	[tilespmem:v17+s18+$0x0] =	vst.idx.msk $0xf, v5  }
0x11a: {  	v5 =	vld [tilespmem:s29+$0xFFFFFE20]  }
0x11b: {  	v15 =	vld [tilespmem:s26+$0xFFFFFE20];
	v4 =	vadd.f32 v14, v4;
	v7 =	vmul.f32 v7, v12  }
0x11c: {  	v12 =	vld [tilespmem:s29+$0xFFFFFE30]  }
0x11d: {  	v14 =	vld [tilespmem:s26+$0xFFFFFE30];
	v7 =	vadd.f32 v7, v10  }
0x11e: {  	v8 =	vmul.f32 v8, v11;
	v10 =	vld [tilespmem:s29+$0xFFFFFF40]  }
0x11f: {  	v11 =	vld [tilespmem:s26+$0xFFFFFF40]  }
0x120: {  	v5 =	vmul.f32 v15, v5;
	v15 =	vld [tilespmem:s29+$0xFFFFFF50]  }
0x121: {  	v16 =	vld [tilespmem:s26+$0xFFFFFF50]  }
0x122: {  	v12 =	vmul.f32 v14, v12;
	v14 =	vld [tilespmem:s29+$0xFFFFFFC0]  }
0x123: {  	v17 =	vld [tilespmem:s26+$0xFFFFFFC0]  }
0x124: {  	v8 =	vadd.f32 v12, v8;
	v10 =	vmul.f32 v11, v10;
	v11 =	vld [tilespmem:s29+$0xFFFFFFD0]  }
0x125: {  	v12 =	vld [tilespmem:s26+$0xFFFFFFD0]  }
0x126: {  	v18 =	vld [tilespmem:s29+$0xFFFFFE00];
	v10 =	vadd.f32 v10, v3;
	v3 =	vmul.f32 v16, v15  }
0x127: {  	v15 =	vld [tilespmem:s29+$0xFFFFFEC0]  }
0x128: {  	v16 =	vld [tilespmem:s26+$0xFFFFFEC0];
	v19 =	vadd.f32 v3, v6;
	v3 =	vmul.f32 v17, v14  }
0x129: {  	v6 =	vld [tilespmem:s29+$0xFFFFFED0]  }
0x12a: {  	v14 =	vld [tilespmem:s26+$0xFFFFFED0];
	v9 =	vadd.f32 v3, v9;
	v3 =	vmul.f32 v12, v11  }
0x12b: {  	v11 =	vmul.f32 v13, v18;
	v12 =	vld [tilespmem:s29+$0xFFFFFE40]  }
0x12c: {  	v13 =	vld [tilespmem:s26+$0xFFFFFE40];
	v17 =	vadd.f32 v3, v2  }
0x12d: {  	v5 =	vadd.f32 v5, v11;
	v11 =	vld [tilespmem:s29+$0xFFFFFE50];
	v2 =	vmul.f32 v16, v15  }
0x12e: {  	v15 =	vld [tilespmem:s26+$0xFFFFFE50]  }
0x12f: {  	v2 =	vadd.f32 v2, v4;
	v3 =	vmul.f32 v14, v6;
	v6 =	vld [tilespmem:s29+$0xFFFFFF60]  }
0x130: {  	v14 =	vld [tilespmem:s26+$0xFFFFFF60]  }
0x131: {  	v4 =	vmul.f32 v13, v12;
	v3 =	vadd.f32 v3, v7;
	v7 =	vld [tilespmem:s29+$0xFFFFFF70]  }
0x132: {  	v12 =	vld [tilespmem:s26+$0xFFFFFF70]  }
0x133: {  	v5 =	vadd.f32 v4, v5;
	v4 =	vmul.f32 v15, v11;
	v11 =	vld [tilespmem:s29+$0xFFFFFFE0]  }
0x134: {  	v13 =	vld [tilespmem:s26+$0xFFFFFFE0]  }
0x135: {  	v4 =	vadd.f32 v4, v8;
	v6 =	vmul.f32 v14, v6;
	v14 =	vld [tilespmem:s29+$0xFFFFFFF0]  }
0x136: {  	v15 =	vld [tilespmem:s26+$0xFFFFFFF0]  }
0x137: {  	v16 =	vld [tilespmem:s29+$0xFFFFFEE0];
	v10 =	vadd.f32 v6, v10;
	v7 =	vmul.f32 v12, v7  }
0x138: {  	v12 =	vld [tilespmem:s26+$0xFFFFFEE0]  }
0x139: {  	v6 =	vld [tilespmem:s29+$0xFFFFFEF0];
	v18 =	vadd.f32 v7, v19;
	v11 =	vmul.f32 v13, v11  }
.Ltmp0:
0x13a: {  	v8 =	vld [tilespmem:s26+$0xFFFFFEF0];
	(pc) =	sbr.rel @p0 .LBB2_3-.Ltmp0, $4  }
0x13b: {  	v7 =	vld [tilespmem:s29+$0xFFFFFE60];
	v18 =	vadd.f32 v18, v10;
	v11 =	vadd.f32 v11, v9;
	v13 =	vmul.f32 v15, v14  }
0x13c: {  	v10 =	vld [tilespmem:s26+$0xFFFFFE60]  }
0x13d: {  	v9 =	vld [tilespmem:s29+$0xFFFFFE70];
	v14 =	vmul.f32 v12, v16;
	v13 =	vadd.f32 v13, v17;
	(xrf2) =	vadd.scan.msk.f32 $0xffff, v18  }
0x13e: {  	s29 =	sadd.s32 $0x400, s29;
	v12 =	vld [tilespmem:s26+$0xFFFFFE70]  }
0x13f: {  	_ =	sdelay $0x2  }
0x140: {  	v6 =	vmul.f32 v8, v6  }
0x141: {  	v2 =	vadd.f32 v14, v2;
	v7 =	vmul.f32 v10, v7;
	v8 =	vmul.f32 v12, v9  }
0x142: {  	v3 =	vadd.f32 v6, v3;
	v9 =	vadd.f32 v13, v11  }
0x143: {  	v5 =	vadd.f32 v7, v5;
	v4 =	vadd.f32 v8, v4  }
0x144: {  	v2 =	vadd.f32 v3, v2  }
0x145: {  	(xrf2) =	vadd.scan.msk.f32 $0xffff, v9;
	v3 =	vadd.f32 v4, v5  }
0x146: {  	(xrf2) =	vadd.scan.msk.f32 $0xffff, v2  }
0x147: {  	(xrf2) =	vadd.scan.msk.f32 $0xffff, v3;
	_ =	sdelay $0x6  }
0x148: {  	v2, _, _ =	vpop (xrf2)  }
0x149: {  	v3, _, _ =	vpop (xrf2)  }
0x14a: {  	v2 =	vbroadcast v2, $0xF;
	v3 =	vbroadcast v3, $0xF;
	v4, _, _ =	vpop (xrf2)  }
0x14b: {  	v4 =	vbroadcast v4, $0xF;
	v5, _, _ =	vpop (xrf2)  }
0x14c: {  	v2 =	vsel vm0, v3, v2;
	v3 =	vbroadcast v5, $0xF  }
0x14d: {  	v2 =	vsel vm1, v2, v4  }
0x14e: {  	v2 =	vsel vm2, v2, v3  }
0x14f: {  	s26 =	sadd.s32 $0xA0, s25;
	[tilespmem:v1+s18+$0x0] =	vst.idx.msk $0xf, v2  }
0x150: {  	[tilespmem:s11], [sflag:$0x1] =	stream.indirect.gather [hbm4b:s4+s13], $0x80, s26, s13, $0xb8;
	[tilespmem:$0x11680] =	vst v63  }
0x151: {  	s30 =	sadd.s32 $0x2820, s25  }
0x152: {  	[tilespmem:s12], [sflag:$0x3] =	stream.indirect.gather [hbm4b:s1+s13], $0x80, s30, s13, $0xb8;
	[tilespmem:$0x11680] =	vst v63  }
0x153: {  	_ =	swait.ge [sflag:s19], $0x2800  }
0x154: {  	[sflag:s19] =	ssyncset.done $0x0  }
0x155: {  	[sflag:s19] =	ssyncadd.s32 $0xFFFFD800  }
0x156: {  	_ =	swait.ge [sflag:s20], $0x2800  }
0x157: {  	[sflag:s20] =	ssyncset.done $0x0  }
0x158: {  	s31 =	simm.s32 $0x7900;
	[sflag:s20] =	ssyncadd.s32 $0xFFFFD800  }
0x159: {  	s25 =	simm.s32 $0xC900;
	v1 =	vld [tilespmem:s31+$0x60]  }
0x15a: {  	v2 =	vld [tilespmem:s25+$0x60]  }
0x15b: {  	v3 =	vld [tilespmem:s31+$0x70]  }
0x15c: {  	v4 =	vld [tilespmem:s25+$0x70]  }
0x15d: {  	v5 =	vld [tilespmem:s31+$0xE0]  }
0x15e: {  	v6 =	vld [tilespmem:s25+$0xE0]  }
0x15f: {  	v7 =	vld [tilespmem:s31+$0xF0]  }
0x160: {  	v8 =	vld [tilespmem:s25+$0xF0]  }
0x161: {  	v9 =	vld [tilespmem:s31+$0x40]  }
0x162: {  	v10 =	vld [tilespmem:s25+$0x40]  }
0x163: {  	v11 =	vld [tilespmem:s31+$0x50]  }
0x164: {  	v17 =	vld [tilespmem:s31+$0x1E0]  }
0x165: {  	v12 =	vld [tilespmem:s25+$0x50]  }
0x166: {  	v13 =	vld [tilespmem:s31+$0x160]  }
0x167: {  	v14 =	vld [tilespmem:s25+$0x160]  }
0x168: {  	v15 =	vld [tilespmem:s31+$0x170]  }
0x169: {  	v16 =	vld [tilespmem:s25+$0x170];
	[tilespmem:$0x1FE60] =	vst v17  }
0x16a: {  	v17 =	vld [tilespmem:s25+$0x1E0];
	_ =	sdelay $0x4  }
0x16b: {  	[tilespmem:$0x1FE70] =	vst v17  }
0x16c: {  	v19 =	vld [tilespmem:s31+$0xC0]  }
0x16d: {  	v20 =	vld [tilespmem:s25+$0xC0]  }
0x16e: {  	v21 =	vld [tilespmem:s31+$0xD0]  }
0x16f: {  	v22 =	vld [tilespmem:s25+$0xD0]  }
0x170: {  	v23 =	vld [tilespmem:s31+$0x0]  }
0x171: {  	v24 =	vld [tilespmem:s25+$0x0]  }
0x172: {  	v25 =	vld [tilespmem:s31+$0x10]  }
0x173: {  	v26 =	vld [tilespmem:s25+$0x10]  }
0x174: {  	v27 =	vld [tilespmem:s31+$0x20]  }
0x175: {  	v28 =	vld [tilespmem:s25+$0x20]  }
0x176: {  	v29 =	vld [tilespmem:s31+$0x30]  }
0x177: {  	v30 =	vld [tilespmem:s25+$0x30]  }
0x178: {  	v31 =	vld [tilespmem:s31+$0x140]  }
0x179: {  	v32 =	vld [tilespmem:s25+$0x140]  }
0x17a: {  	v33 =	vld [tilespmem:s31+$0x150]  }
0x17b: {  	v34 =	vld [tilespmem:s25+$0x150]  }
0x17c: {  	v35 =	vld [tilespmem:s31+$0x1C0]  }
0x17d: {  	v36 =	vld [tilespmem:s25+$0x1C0]  }
0x17e: {  	v37 =	vld [tilespmem:s31+$0x80]  }
0x17f: {  	v38 =	vld [tilespmem:s25+$0x80]  }
0x180: {  	v39 =	vld [tilespmem:s31+$0x90]  }
0x181: {  	v40 =	vld [tilespmem:s25+$0x90]  }
0x182: {  	v41 =	vld [tilespmem:s31+$0xA0]  }
0x183: {  	v42 =	vld [tilespmem:s25+$0xA0]  }
0x184: {  	v43 =	vld [tilespmem:s31+$0xB0]  }
0x185: {  	v44 =	vld [tilespmem:s25+$0xB0]  }
0x186: {  	v45 =	vld [tilespmem:s31+$0x100]  }
0x187: {  	v46 =	vld [tilespmem:s25+$0x100]  }
0x188: {  	v47 =	vld [tilespmem:s31+$0x110]  }
0x189: {  	v48 =	vld [tilespmem:s25+$0x110]  }
0x18a: {  	v49 =	vld [tilespmem:s31+$0x120]  }
0x18b: {  	v50 =	vld [tilespmem:s25+$0x120]  }
0x18c: {  	v51 =	vld [tilespmem:s31+$0x130]  }
0x18d: {  	v52 =	vld [tilespmem:s25+$0x130]  }
0x18e: {  	v53 =	vld [tilespmem:s31+$0x180]  }
0x18f: {  	v54 =	vld [tilespmem:s25+$0x180]  }
0x190: {  	v55 =	vld [tilespmem:s31+$0x190]  }
0x191: {  	v56 =	vld [tilespmem:s31+$0x1A0]  }
0x192: {  	v57 =	vld [tilespmem:s25+$0x1A0]  }
0x193: {  	v58 =	vld [tilespmem:s25+$0x190]  }
0x194: {  	v59 =	vld [tilespmem:s31+$0x1B0]  }
0x195: {  	v18 =	vld [tilespmem:s31+$0xFFFFFF00]  }
0x196: {  	v60 =	vld [tilespmem:s25+$0x1B0]  }
0x197: {  	v61 =	vld [tilespmem:s31+$0x1D0]  }
0x198: {  	v62 =	vld [tilespmem:s25+$0x1D0]  }
0x199: {  	v63 =	vld [tilespmem:s31+$0x1F0]  }
0x19a: {  	v17 =	vld [tilespmem:s25+$0x1F0];
	[tilespmem:$0x1FE80] =	vst v18  }
0x19b: {  	v18 =	vld [tilespmem:s25+$0xFFFFFF00];
	_ =	sdelay $0x4  }
0x19c: {  	[tilespmem:$0x1FE90] =	vst v18  }
0x19d: {  	v18 =	vld [tilespmem:s31+$0xFFFFFF10];
	_ =	sdelay $0x4  }
0x19e: {  	[tilespmem:$0x1FEA0] =	vst v18  }
0x19f: {  	v18 =	vld [tilespmem:s25+$0xFFFFFF10];
	_ =	sdelay $0x4  }
0x1a0: {  	[tilespmem:$0x1FEB0] =	vst v18  }
0x1a1: {  	v18 =	vld [tilespmem:s31+$0xFFFFFF20];
	_ =	sdelay $0x4  }
0x1a2: {  	[tilespmem:$0x1FEC0] =	vst v18  }
0x1a3: {  	v18 =	vld [tilespmem:s25+$0xFFFFFF20];
	_ =	sdelay $0x4  }
0x1a4: {  	[tilespmem:$0x1FED0] =	vst v18  }
0x1a5: {  	v18 =	vld [tilespmem:s31+$0xFFFFFF30];
	_ =	sdelay $0x4  }
0x1a6: {  	[tilespmem:$0x1FEE0] =	vst v18  }
0x1a7: {  	v18 =	vld [tilespmem:s25+$0xFFFFFF30];
	_ =	sdelay $0x4  }
0x1a8: {  	[tilespmem:$0x1FEF0] =	vst v18  }
0x1a9: {  	v18 =	vld [tilespmem:s31+$0xFFFFFF80];
	_ =	sdelay $0x4  }
0x1aa: {  	v1 =	vmul.f32 v2, v1;
	[tilespmem:$0x1FF00] =	vst v18  }
0x1ab: {  	v2 =	vmul.f32 v4, v3;
	v4 =	vmul.f32 v6, v5;
	v18 =	vld [tilespmem:s25+$0xFFFFFF80]  }
0x1ac: {  	v5 =	vmul.f32 v8, v7;
	v7 =	vmul.f32 v10, v9  }
0x1ad: {  	v10 =	vmul.f32 v14, v13;
	v14 =	vmul.f32 v26, v25  }
0x1ae: {  	v25 =	vmul.f32 v38, v37;
	v42 =	vmul.f32 v42, v41  }
0x1af: {  	v41 =	vmul.f32 v50, v49;
	v50 =	vld [tilespmem:$0x1FE70]  }
0x1b0: {  	v8 =	vmul.f32 v12, v11;
	v25 =	vadd.f32 v42, v25;
	v42 =	vmul.f32 v52, v51;
	v51 =	vld [tilespmem:$0x1FE80];
	[tilespmem:$0x1FF10] =	vst v18  }
0x1b1: {  	v11 =	vmul.f32 v16, v15;
	v13 =	vmul.f32 v24, v23;
	v18 =	vld [tilespmem:s31+$0xFFFFFF90]  }
0x1b2: {  	v16 =	vmul.f32 v28, v27;
	v46 =	vmul.f32 v46, v45;
	v52 =	vld [tilespmem:$0x1FE90]  }
0x1b3: {  	v45 =	vmul.f32 v57, v56;
	v56 =	vld [tilespmem:$0x1FED0]  }
0x1b4: {  	v13 =	vadd.f32 v16, v13;
	v16 =	vadd.f32 v41, v46;
	v46 =	vmul.f32 v60, v59;
	v59 =	vld [tilespmem:$0x1FEF0]  }
0x1b5: {  	v60 =	vld [tilespmem:$0x1FF00]  }
0x1b6: {  	v49 =	vmul.f32 v62, v61;
	v61 =	vld [tilespmem:$0x1FF10];
	[tilespmem:$0x1FF20] =	vst v18  }
0x1b7: {  	v3 =	vld [tilespmem:s25+$0xFFFFFF90]  }
0x1b8: {  	v6 =	vld [tilespmem:s31+$0xFFFFFFA0]  }
0x1b9: {  	v9 =	vld [tilespmem:s25+$0xFFFFFFA0]  }
0x1ba: {  	v12 =	vld [tilespmem:s31+$0xFFFFFFB0]  }
0x1bb: {  	v15 =	vld [tilespmem:s25+$0xFFFFFFB0]  }
0x1bc: {  	v24 =	vld [tilespmem:s31+$0xFFFFFE80]  }
0x1bd: {  	v27 =	vld [tilespmem:s25+$0xFFFFFE80]  }
0x1be: {  	v18 =	vmul.f32 v30, v29;
	v30 =	vld [tilespmem:s31+$0xFFFFFE90]  }
0x1bf: {  	v26 =	vmul.f32 v40, v39;
	v39 =	vld [tilespmem:s25+$0xFFFFFE90]  }
0x1c0: {  	v23 =	vld [tilespmem:s31+$0xFFFFFEA0]  }
0x1c1: {  	v7 =	vadd.f32 v7, v13;
	v29 =	vld [tilespmem:s25+$0xFFFFFEA0]  }
0x1c2: {  	v19 =	vmul.f32 v20, v19;
	v13 =	vld [tilespmem:s31+$0xFFFFFEB0]  }
0x1c3: {  	v44 =	vmul.f32 v44, v43;
	v48 =	vmul.f32 v48, v47;
	v1 =	vadd.f32 v1, v7;
	v7 =	vld [tilespmem:s25+$0xFFFFFE00]  }
0x1c4: {  	v19 =	vadd.f32 v19, v25;
	v25 =	vld [tilespmem:s31+$0xFFFFFE10];
	v14 =	vadd.f32 v18, v14  }
0x1c5: {  	v47 =	vmul.f32 v34, v33;
	v26 =	vadd.f32 v44, v26;
	v43 =	vadd.f32 v42, v48;
	v28 =	vld [tilespmem:s31+$0xFFFFFE20]  }
0x1c6: {  	v44 =	vmul.f32 v32, v31;
	v32 =	vld [tilespmem:s31+$0xFFFFFE30];
	v8 =	vadd.f32 v8, v14;
	v14 =	vmul.f32 v22, v21  }
0x1c7: {  	v20 =	vadd.f32 v47, v43;
	v31 =	vld [tilespmem:s25+$0xFFFFFE30]  }
0x1c8: {  	v4 =	vadd.f32 v4, v19;
	v19 =	vld [tilespmem:s31+$0xFFFFFF40];
	v14 =	vadd.f32 v14, v26  }
0x1c9: {  	v11 =	vadd.f32 v11, v20;
	v20 =	vld [tilespmem:s25+$0xFFFFFEC0]  }
0x1ca: {  	v34 =	vld [tilespmem:s25+$0xFFFFFED0];
	v5 =	vadd.f32 v5, v14  }
0x1cb: {  	v38 =	vld [tilespmem:s31+$0xFFFFFE40];
	v2 =	vadd.f32 v2, v8  }
0x1cc: {  	v4 =	vadd.f32 v5, v4;
	v5 =	vld [tilespmem:$0x1FE60]  }
0x1cd: {  	v47 =	vld [tilespmem:s25+$0xFFFFFE50];
	v8 =	vmul.f32 v54, v53;
	v1 =	vadd.f32 v2, v1;
	v2 =	vmul.f32 v58, v55  }
0x1ce: {  	v33 =	vmul.f32 v52, v51;
	v52 =	vld [tilespmem:s31+$0xFFFFFF70]  }
0x1cf: {  	v48 =	vmul.f32 v36, v35;
	v21 =	vld [tilespmem:s25+$0xFFFFFEB0];
	v8 =	vadd.f32 v45, v8;
	v2 =	vadd.f32 v46, v2  }
0x1d0: {  	v17 =	vmul.f32 v17, v63;
	v22 =	vld [tilespmem:s31+$0xFFFFFED0];
	v14 =	vadd.f32 v44, v16  }
0x1d1: {  	v26 =	vld [tilespmem:s25+$0xFFFFFE10];
	v8 =	vadd.f32 v48, v8;
	v2 =	vadd.f32 v49, v2;
	v5 =	vmul.f32 v50, v5  }
0x1d2: {  	v53 =	vld [tilespmem:$0x1FEA0];
	v10 =	vadd.f32 v10, v14  }
0x1d3: {  	v54 =	vld [tilespmem:$0x1FEB0];
	v2 =	vadd.f32 v17, v2;
	v5 =	vadd.f32 v5, v8  }
0x1d4: {  	v6 =	vmul.f32 v9, v6;
	v9 =	vld [tilespmem:s25+$0xFFFFFE40];
	(xrf2) =	vadd.scan.msk.f32 $0xffff, v1;
	v1 =	vadd.f32 v11, v10  }
0x1d5: {  	v16 =	vld [tilespmem:s25+$0xFFFFFE20];
	(xrf2) =	vadd.scan.msk.f32 $0xffff, v4;
	v2 =	vadd.f32 v2, v5  }
0x1d6: {  	v55 =	vld [tilespmem:$0x1FEC0];
	(xrf2) =	vadd.scan.msk.f32 $0xffff, v1  }
0x1d7: {  	v58 =	vld [tilespmem:$0x1FEE0];
	(xrf2) =	vadd.scan.msk.f32 $0xffff, v2  }
0x1d8: {  	v45 =	vld [tilespmem:s31+$0xFFFFFE50]  }
0x1d9: {  	v14 =	vld [tilespmem:s25+$0xFFFFFF40]  }
0x1da: {  	v46 =	vld [tilespmem:$0x1FF20]  }
0x1db: {  	v10 =	vld [tilespmem:s25+$0xFFFFFF50]  }
0x1dc: {  	v4 =	vld [tilespmem:s31+$0xFFFFFFC0]  }
0x1dd: {  	v40 =	vmul.f32 v61, v60;
	v11 =	vld [tilespmem:s31+$0xFFFFFE00]  }
0x1de: {  	v12 =	vmul.f32 v15, v12;
	v24 =	vmul.f32 v27, v24;
	v49 =	vld [tilespmem:s31+$0xFFFFFF60];
	v57, _, _ =	vpop (xrf2)  }
0x1df: {  	s28 =	sadd.s32 $0x4, s22;
	v23 =	vmul.f32 v29, v23;
	v30 =	vmul.f32 v39, v30;
	v6 =	vadd.f32 v6, v40;
	v1 =	vld [tilespmem:s25+$0xFFFFFFC0];
	v62, _, _ =	vpop (xrf2)  }
0x1e0: {  	v13 =	vmul.f32 v21, v13;
	v48 =	vadd.s32 s28, v0;
	v35 =	vmul.f32 v56, v55;
	v17 =	vld [tilespmem:s31+$0xFFFFFEC0];
	v63, _, _ =	vpop (xrf2)  }
0x1e1: {  	v18 =	vmul.f32 v54, v53;
	v53 =	vadd.f32 v23, v24;
	v3 =	vmul.f32 v3, v46;
	v8 =	vld [tilespmem:s31+$0xFFFFFF50];
	v15, _, _ =	vpop (xrf2)  }
0x1e2: {  	v33 =	vadd.f32 v35, v33;
	v5 =	vld [tilespmem:s25+$0xFFFFFFD0];
	v35 =	vbroadcast v63, $0xF;
	v15 =	vbroadcast v15, $0xF  }
0x1e3: {  	v54 =	vmul.f32 v26, v25;
	v3 =	vadd.f32 v12, v3;
	v2 =	vld [tilespmem:s31+$0xFFFFFFD0];
	v12 =	vbroadcast v62, $0xF  }
0x1e4: {  	v13 =	vadd.f32 v13, v30;
	v37 =	vmul.f32 v59, v58;
	v50 =	vld [tilespmem:s25+$0xFFFFFF60];
	v15 =	vsel vm0, v15, v35  }
0x1e5: {  	v55 =	vmul.f32 v31, v32;
	v14 =	vmul.f32 v14, v19;
	v12 =	vsel vm1, v15, v12;
	v15 =	vld [tilespmem:s25+$0xFFFFFF70]  }
0x1e6: {  	v56 =	vld [tilespmem:s31+$0xFFFFFFE0];
	v16 =	vmul.f32 v16, v28;
	v18 =	vadd.f32 v37, v18;
	v1 =	vmul.f32 v1, v4  }
0x1e7: {  	v14 =	vadd.f32 v14, v33;
	v4 =	vld [tilespmem:s31+$0xFFFFFFF0];
	v51 =	vbroadcast v57, $0xF;
	v8 =	vmul.f32 v10, v8  }
0x1e8: {  	v57 =	vadd.f32 v55, v54;
	v58 =	vadd.f32 v1, v6;
	v10 =	vld [tilespmem:s25+$0xFFFFFFE0];
	v2 =	vmul.f32 v5, v2  }
0x1e9: {  	v1 =	vmul.f32 v7, v11;
	v6 =	vmul.f32 v20, v17;
	v8 =	vadd.f32 v8, v18;
	v5 =	vld [tilespmem:s25+$0xFFFFFFF0]  }
0x1ea: {  	v59 =	vld [tilespmem:s31+$0xFFFFFEE0];
	v60 =	vadd.f32 v2, v3;
	v3 =	vmul.f32 v50, v49;
	v7 =	vmul.f32 v15, v52  }
0x1eb: {  	v11 =	vadd.f32 v16, v1;
	v1 =	vmul.f32 v34, v22;
	v2 =	vadd.f32 v6, v53;
	v15 =	vld [tilespmem:s25+$0xFFFFFEE0]  }
0x1ec: {  	v9 =	vmul.f32 v9, v38;
	v6 =	vld [tilespmem:s31+$0xFFFFFEF0];
	v14 =	vadd.f32 v3, v14;
	v61 =	vadd.f32 v7, v8  }
0x1ed: {  	v62 =	vmul.f32 v10, v56;
	v3 =	vadd.f32 v1, v13;
	v13 =	vmul.f32 v47, v45;
	v8 =	vld [tilespmem:s25+$0xFFFFFEF0]  }
0x1ee: {  	v10 =	vld [tilespmem:s25+$0xFFFFFE60];
	v63 =	vmul.f32 v5, v4;
	v5 =	vadd.f32 v9, v11;
	v16 =	vadd.f32 v61, v14  }
0x1ef: {  	v11 =	vadd.f32 v62, v58;
	v4 =	vadd.f32 v13, v57;
	v7 =	vld [tilespmem:s31+$0xFFFFFE60]  }
0x1f0: {  	v9 =	vld [tilespmem:s31+$0xFFFFFE70];
	v13 =	vadd.f32 v63, v60;
	v12 =	vsel vm2, v12, v51;
	v14 =	vmul.f32 v15, v59;
	(xrf2) =	vadd.scan.msk.f32 $0xffff, v16  }
0x1f1: {  	s29 =	smov.u32 s22;
	s26 =	simm.s32 $0x0;
	s28 =	simm.s32 $0x7D00;
	v1 =	vadd.s32 s22, v0;
	[tilespmem:v48+s18+$0x0] =	vst.idx.msk $0xf, v12;
	v12 =	vld [tilespmem:s25+$0xFFFFFE70]  }
.LBB2_5:
0x1f2: {  	v15 =	vld [tilespmem:s28+$0x60];
	v2 =	vadd.f32 v14, v2;
	v6 =	vmul.f32 v8, v6;
	v8 =	vadd.f32 v13, v11;
	s25 =	sadd.s32 $0x400, s25  }
0x1f3: {  	v11 =	vld [tilespmem:s25+$0x60]  }
0x1f4: {  	v13 =	vld [tilespmem:s28+$0x70];
	v7 =	vmul.f32 v10, v7;
	v3 =	vadd.f32 v6, v3;
	(xrf2) =	vadd.scan.msk.f32 $0xffff, v8  }
0x1f5: {  	v6 =	vld [tilespmem:s25+$0x70]  }
0x1f6: {  	v8 =	vld [tilespmem:s28+$0xE0];
	v5 =	vadd.f32 v7, v5;
	v7 =	vmul.f32 v12, v9;
	v2 =	vadd.f32 v3, v2  }
0x1f7: {  	v9 =	vld [tilespmem:s25+$0xE0]  }
0x1f8: {  	v10 =	vld [tilespmem:s28+$0xF0];
	v12 =	vadd.f32 v7, v4;
	(xrf2) =	vadd.scan.msk.f32 $0xffff, v2  }
0x1f9: {  	v4 =	vld [tilespmem:s25+$0xF0]  }
0x1fa: {  	v7 =	vld [tilespmem:s28+$0x40];
	v2 =	vadd.f32 v12, v5;
	v3, _, _ =	vpop (xrf2)  }
0x1fb: {  	v5 =	vld [tilespmem:s25+$0x40];
	v3 =	vbroadcast v3, $0xF  }
0x1fc: {  	v12 =	vld [tilespmem:s28+$0x50];
	(xrf2) =	vadd.scan.msk.f32 $0xffff, v2  }
0x1fd: {  	v14 =	vld [tilespmem:s25+$0x50]  }
0x1fe: {  	v16 =	vld [tilespmem:s28+$0x160];
	v2, _, _ =	vpop (xrf2)  }
0x1ff: {  	v17 =	vld [tilespmem:s25+$0x160];
	v2 =	vbroadcast v2, $0xF  }
0x200: {  	v18 =	vld [tilespmem:s28+$0x170]  }
0x201: {  	v19 =	vld [tilespmem:s25+$0x170];
	v20 =	vsel vm0, v2, v3  }
0x202: {  	v2 =	vld [tilespmem:s28+$0x1E0];
	v21, _, _ =	vpop (xrf2)  }
0x203: {  	v3 =	vld [tilespmem:s25+$0x1E0];
	v21 =	vbroadcast v21, $0xF  }
0x204: {  	v22 =	vld [tilespmem:s28+$0xC0]  }
0x205: {  	v23 =	vld [tilespmem:s25+$0xC0];
	v20 =	vsel vm1, v20, v21  }
0x206: {  	v21 =	vld [tilespmem:s28+$0xD0];
	v24, _, _ =	vpop (xrf2)  }
0x207: {  	v25 =	vld [tilespmem:s25+$0xD0];
	v24 =	vbroadcast v24, $0xF  }
0x208: {  	v26 =	vld [tilespmem:s28+$0x0]  }
0x209: {  	v27 =	vld [tilespmem:s25+$0x0];
	v20 =	vsel vm2, v20, v24  }
0x20a: {  	v24 =	vld [tilespmem:s28+$0x10];
	[tilespmem:v1+s18+$0x0] =	vst.idx.msk $0xf, v20  }
0x20b: {  	v1 =	vld [tilespmem:s25+$0x10]  }
0x20c: {  	v20 =	vld [tilespmem:s28+$0x20]  }
0x20d: {  	v28 =	vld [tilespmem:s25+$0x20]  }
0x20e: {  	v29 =	vld [tilespmem:s28+$0x30]  }
0x20f: {  	v30 =	vld [tilespmem:s25+$0x30]  }
0x210: {  	v31 =	vld [tilespmem:s28+$0x140]  }
0x211: {  	v32 =	vld [tilespmem:s25+$0x140]  }
0x212: {  	v33 =	vld [tilespmem:s28+$0x150]  }
0x213: {  	v34 =	vld [tilespmem:s25+$0x150]  }
0x214: {  	v35 =	vld [tilespmem:s28+$0x1C0]  }
0x215: {  	v36 =	vld [tilespmem:s25+$0x1C0]  }
0x216: {  	v37 =	vld [tilespmem:s28+$0x80]  }
0x217: {  	v38 =	vld [tilespmem:s25+$0x80]  }
0x218: {  	v39 =	vld [tilespmem:s28+$0x90]  }
0x219: {  	v40 =	vld [tilespmem:s25+$0x90]  }
0x21a: {  	v41 =	vld [tilespmem:s28+$0xA0]  }
0x21b: {  	v42 =	vld [tilespmem:s25+$0xA0]  }
0x21c: {  	v43 =	vld [tilespmem:s28+$0xB0]  }
0x21d: {  	v44 =	vld [tilespmem:s25+$0xB0]  }
0x21e: {  	v45 =	vld [tilespmem:s28+$0x100]  }
0x21f: {  	v46 =	vld [tilespmem:s25+$0x100]  }
0x220: {  	v47 =	vld [tilespmem:s28+$0x110]  }
0x221: {  	v11 =	vmul.f32 v11, v15;
	v6 =	vmul.f32 v6, v13;
	v13 =	vld [tilespmem:s25+$0x110]  }
0x222: {  	v8 =	vmul.f32 v9, v8;
	v4 =	vmul.f32 v4, v10;
	v9 =	vld [tilespmem:s28+$0x120]  }
0x223: {  	v5 =	vmul.f32 v5, v7;
	v7 =	vmul.f32 v14, v12;
	v10 =	vld [tilespmem:s25+$0x120]  }
0x224: {  	v14 =	vmul.f32 v17, v16;
	v15 =	vmul.f32 v19, v18;
	v12 =	vld [tilespmem:s28+$0x130]  }
0x225: {  	v16 =	vmul.f32 v23, v22;
	v17 =	vmul.f32 v25, v21;
	v18 =	vld [tilespmem:s25+$0x130]  }
0x226: {  	v19 =	vmul.f32 v27, v26;
	v1 =	vmul.f32 v1, v24;
	v21 =	vld [tilespmem:s28+$0x180]  }
0x227: {  	v20 =	vmul.f32 v28, v20;
	v22 =	vmul.f32 v30, v29;
	v23 =	vld [tilespmem:s25+$0x180]  }
0x228: {  	v24 =	vmul.f32 v38, v37;
	v25 =	vmul.f32 v40, v39;
	v26 =	vld [tilespmem:s28+$0x190]  }
0x229: {  	v27 =	vmul.f32 v42, v41;
	v28 =	vmul.f32 v44, v43;
	v29 =	vld [tilespmem:s28+$0x1A0]  }
0x22a: {  	v30 =	vmul.f32 v46, v45;
	v13 =	vmul.f32 v13, v47;
	v37 =	vld [tilespmem:s25+$0x1A0]  }
0x22b: {  	v19 =	vadd.f32 v20, v19;
	v1 =	vadd.f32 v22, v1;
	v9 =	vmul.f32 v10, v9;
	v10 =	vld [tilespmem:s25+$0x190]  }
0x22c: {  	v20 =	vadd.f32 v27, v24;
	v22 =	vadd.f32 v28, v25;
	v12 =	vmul.f32 v18, v12;
	v18 =	vld [tilespmem:s28+$0x1B0]  }
0x22d: {  	s26 =	sadd.s32 $0x2, s26;
	v5 =	vadd.f32 v5, v19;
	v1 =	vadd.f32 v7, v1;
	v7 =	vmul.f32 v32, v31;
	v19 =	vld [tilespmem:s25+$0x1B0]  }
0x22e: {  	p0 =	slt.u32 s26, $0x12;
	v9 =	vadd.f32 v9, v30;
	v12 =	vadd.f32 v12, v13;
	v13 =	vmul.f32 v23, v21;
	v21 =	vld [tilespmem:s28+$0x1D0]  }
0x22f: {  	v5 =	vadd.f32 v11, v5;
	v1 =	vadd.f32 v6, v1;
	v6 =	vmul.f32 v37, v29;
	v11 =	vld [tilespmem:s25+$0x1D0]  }
0x230: {  	v16 =	vadd.f32 v16, v20;
	v20 =	vmul.f32 v34, v33;
	v17 =	vadd.f32 v17, v22;
	v22 =	vld [tilespmem:s28+$0x1F0]  }
0x231: {  	v1 =	vadd.f32 v1, v5;
	v5 =	vmul.f32 v10, v26;
	v6 =	vadd.f32 v6, v13;
	v10 =	vld [tilespmem:s25+$0x1F0]  }
0x232: {  	v8 =	vadd.f32 v8, v16;
	v4 =	vadd.f32 v4, v17;
	v13 =	vld [tilespmem:s28+$0xFFFFFF00];
	v16 =	vmul.f32 v19, v18  }
0x233: {  	v7 =	vadd.f32 v7, v9;
	v9 =	vadd.f32 v20, v12;
	v12 =	vmul.f32 v36, v35;
	v17 =	vld [tilespmem:s25+$0xFFFFFF00];
	(xrf2) =	vadd.scan.msk.f32 $0xffff, v1  }
0x234: {  	v4 =	vadd.f32 v4, v8;
	v1 =	vld [tilespmem:s28+$0xFFFFFF10];
	v5 =	vadd.f32 v16, v5;
	v8 =	vmul.f32 v11, v21  }
0x235: {  	v2 =	vmul.f32 v3, v2;
	v7 =	vadd.f32 v14, v7;
	v9 =	vadd.f32 v15, v9;
	v11 =	vld [tilespmem:s25+$0xFFFFFF10]  }
0x236: {  	v6 =	vadd.f32 v12, v6;
	v3 =	vld [tilespmem:s28+$0xFFFFFF20];
	v5 =	vadd.f32 v8, v5;
	v8 =	vmul.f32 v10, v22;
	(xrf2) =	vadd.scan.msk.f32 $0xffff, v4  }
0x237: {  	v7 =	vadd.f32 v9, v7;
	v4 =	vld [tilespmem:s25+$0xFFFFFF20]  }
0x238: {  	v2 =	vadd.f32 v2, v6;
	v9 =	vmul.f32 v17, v13;
	v10 =	vld [tilespmem:s28+$0xFFFFFF30];
	v5 =	vadd.f32 v8, v5  }
0x239: {  	v6 =	vld [tilespmem:s25+$0xFFFFFF30];
	(xrf2) =	vadd.scan.msk.f32 $0xffff, v7  }
0x23a: {  	v1 =	vmul.f32 v11, v1;
	v7 =	vld [tilespmem:s28+$0xFFFFFF80];
	v2 =	vadd.f32 v5, v2  }
0x23b: {  	v5 =	vld [tilespmem:s25+$0xFFFFFF80]  }
0x23c: {  	v3 =	vmul.f32 v4, v3;
	v4 =	vld [tilespmem:s28+$0xFFFFFF90];
	(xrf2) =	vadd.scan.msk.f32 $0xffff, v2  }
0x23d: {  	v2 =	vld [tilespmem:s25+$0xFFFFFF90];
	v8, _, _ =	vpop (xrf2)  }
0x23e: {  	v3 =	vadd.f32 v3, v9;
	v6 =	vmul.f32 v6, v10;
	v9 =	vld [tilespmem:s28+$0xFFFFFFA0]  }
0x23f: {  	v10 =	vld [tilespmem:s25+$0xFFFFFFA0]  }
0x240: {  	v6 =	vadd.f32 v6, v1;
	v1 =	vmul.f32 v5, v7;
	v5 =	vld [tilespmem:s28+$0xFFFFFFB0];
	v7, _, _ =	vpop (xrf2)  }
0x241: {  	v11 =	vld [tilespmem:s25+$0xFFFFFFB0]  }
0x242: {  	v12 =	vld [tilespmem:s28+$0xFFFFFE80];
	v2 =	vmul.f32 v2, v4  }
0x243: {  	v4 =	vld [tilespmem:s25+$0xFFFFFE80];
	v13, _, _ =	vpop (xrf2)  }
0x244: {  	v14 =	vld [tilespmem:s28+$0xFFFFFE90];
	v9 =	vmul.f32 v10, v9  }
0x245: {  	s29 =	sadd.s32 $0x8, s29;
	v10 =	vld [tilespmem:s25+$0xFFFFFE90]  }
0x246: {  	s30 =	sadd.s32 $0x4, s29;
	v15 =	vld [tilespmem:s28+$0xFFFFFEA0];
	v9 =	vadd.f32 v9, v1;
	v5 =	vmul.f32 v11, v5;
	v1 =	vadd.s32 s29, v0;
	v11, _, _ =	vpop (xrf2)  }
0x247: {  	v17 =	vadd.s32 s30, v0;
	v13 =	vbroadcast v13, $0xF;
	v16 =	vld [tilespmem:s25+$0xFFFFFEA0];
	v11 =	vbroadcast v11, $0xF  }
0x248: {  	v4 =	vmul.f32 v4, v12;
	v12 =	vld [tilespmem:s28+$0xFFFFFEB0];
	v2 =	vadd.f32 v5, v2;
	v5 =	vbroadcast v7, $0xF  }
0x249: {  	v8 =	vbroadcast v8, $0xF;
	v7 =	vld [tilespmem:s25+$0xFFFFFEB0];
	v11 =	vsel vm0, v11, v13  }
0x24a: {  	v13 =	vld [tilespmem:s25+$0xFFFFFE00];
	v10 =	vmul.f32 v10, v14;
	v5 =	vsel vm1, v11, v5  }
0x24b: {  	v11 =	vld [tilespmem:s28+$0xFFFFFE10];
	v5 =	vsel vm2, v5, v8  }
0x24c: {  	v8 =	vld [tilespmem:s25+$0xFFFFFE10];
	v14 =	vmul.f32 v16, v15;
	[tilespmem:v17+s18+$0x0] =	vst.idx.msk $0xf, v5  }
0x24d: {  	v5 =	vld [tilespmem:s28+$0xFFFFFE20]  }
0x24e: {  	v15 =	vld [tilespmem:s25+$0xFFFFFE20];
	v4 =	vadd.f32 v14, v4;
	v7 =	vmul.f32 v7, v12  }
0x24f: {  	v12 =	vld [tilespmem:s28+$0xFFFFFE30]  }
0x250: {  	v14 =	vld [tilespmem:s25+$0xFFFFFE30];
	v7 =	vadd.f32 v7, v10  }
0x251: {  	v8 =	vmul.f32 v8, v11;
	v10 =	vld [tilespmem:s28+$0xFFFFFF40]  }
0x252: {  	v11 =	vld [tilespmem:s25+$0xFFFFFF40]  }
0x253: {  	v5 =	vmul.f32 v15, v5;
	v15 =	vld [tilespmem:s28+$0xFFFFFF50]  }
0x254: {  	v16 =	vld [tilespmem:s25+$0xFFFFFF50]  }
0x255: {  	v12 =	vmul.f32 v14, v12;
	v14 =	vld [tilespmem:s28+$0xFFFFFFC0]  }
0x256: {  	v17 =	vld [tilespmem:s25+$0xFFFFFFC0]  }
0x257: {  	v8 =	vadd.f32 v12, v8;
	v10 =	vmul.f32 v11, v10;
	v11 =	vld [tilespmem:s28+$0xFFFFFFD0]  }
0x258: {  	v12 =	vld [tilespmem:s25+$0xFFFFFFD0]  }
0x259: {  	v18 =	vld [tilespmem:s28+$0xFFFFFE00];
	v10 =	vadd.f32 v10, v3;
	v3 =	vmul.f32 v16, v15  }
0x25a: {  	v15 =	vld [tilespmem:s28+$0xFFFFFEC0]  }
0x25b: {  	v16 =	vld [tilespmem:s25+$0xFFFFFEC0];
	v19 =	vadd.f32 v3, v6;
	v3 =	vmul.f32 v17, v14  }
0x25c: {  	v6 =	vld [tilespmem:s28+$0xFFFFFED0]  }
0x25d: {  	v14 =	vld [tilespmem:s25+$0xFFFFFED0];
	v9 =	vadd.f32 v3, v9;
	v3 =	vmul.f32 v12, v11  }
0x25e: {  	v11 =	vmul.f32 v13, v18;
	v12 =	vld [tilespmem:s28+$0xFFFFFE40]  }
0x25f: {  	v13 =	vld [tilespmem:s25+$0xFFFFFE40];
	v17 =	vadd.f32 v3, v2  }
0x260: {  	v5 =	vadd.f32 v5, v11;
	v11 =	vld [tilespmem:s28+$0xFFFFFE50];
	v2 =	vmul.f32 v16, v15  }
0x261: {  	v15 =	vld [tilespmem:s25+$0xFFFFFE50]  }
0x262: {  	v2 =	vadd.f32 v2, v4;
	v3 =	vmul.f32 v14, v6;
	v6 =	vld [tilespmem:s28+$0xFFFFFF60]  }
0x263: {  	v14 =	vld [tilespmem:s25+$0xFFFFFF60]  }
0x264: {  	v4 =	vmul.f32 v13, v12;
	v3 =	vadd.f32 v3, v7;
	v7 =	vld [tilespmem:s28+$0xFFFFFF70]  }
0x265: {  	v12 =	vld [tilespmem:s25+$0xFFFFFF70]  }
0x266: {  	v5 =	vadd.f32 v4, v5;
	v4 =	vmul.f32 v15, v11;
	v11 =	vld [tilespmem:s28+$0xFFFFFFE0]  }
0x267: {  	v13 =	vld [tilespmem:s25+$0xFFFFFFE0]  }
0x268: {  	v4 =	vadd.f32 v4, v8;
	v6 =	vmul.f32 v14, v6;
	v14 =	vld [tilespmem:s28+$0xFFFFFFF0]  }
0x269: {  	v15 =	vld [tilespmem:s25+$0xFFFFFFF0]  }
0x26a: {  	v16 =	vld [tilespmem:s28+$0xFFFFFEE0];
	v10 =	vadd.f32 v6, v10;
	v7 =	vmul.f32 v12, v7  }
0x26b: {  	v12 =	vld [tilespmem:s25+$0xFFFFFEE0]  }
0x26c: {  	v6 =	vld [tilespmem:s28+$0xFFFFFEF0];
	v18 =	vadd.f32 v7, v19;
	v11 =	vmul.f32 v13, v11  }
.Ltmp1:
0x26d: {  	v8 =	vld [tilespmem:s25+$0xFFFFFEF0];
	(pc) =	sbr.rel @p0 .LBB2_5-.Ltmp1, $4  }
0x26e: {  	v7 =	vld [tilespmem:s28+$0xFFFFFE60];
	v18 =	vadd.f32 v18, v10;
	v11 =	vadd.f32 v11, v9;
	v13 =	vmul.f32 v15, v14  }
0x26f: {  	v10 =	vld [tilespmem:s25+$0xFFFFFE60]  }
0x270: {  	v9 =	vld [tilespmem:s28+$0xFFFFFE70];
	v14 =	vmul.f32 v12, v16;
	v13 =	vadd.f32 v13, v17;
	(xrf2) =	vadd.scan.msk.f32 $0xffff, v18  }
0x271: {  	s28 =	sadd.s32 $0x400, s28;
	v12 =	vld [tilespmem:s25+$0xFFFFFE70]  }
0x272: {  	_ =	sdelay $0x2  }
0x273: {  	v6 =	vmul.f32 v8, v6  }
0x274: {  	v2 =	vadd.f32 v14, v2;
	v7 =	vmul.f32 v10, v7;
	v60 =	vmul.f32 v12, v9  }
0x275: {  	v61 =	vadd.f32 v13, v11;
	v3 =	vadd.f32 v6, v3  }
0x276: {  	v5 =	vadd.f32 v7, v5;
	v4 =	vadd.f32 v60, v4  }
0x277: {  	v2 =	vadd.f32 v3, v2  }
0x278: {  	(xrf2) =	vadd.scan.msk.f32 $0xffff, v61;
	v3 =	vadd.f32 v4, v5  }
0x279: {  	(xrf2) =	vadd.scan.msk.f32 $0xffff, v2  }
0x27a: {  	(xrf2) =	vadd.scan.msk.f32 $0xffff, v3;
	_ =	sdelay $0x6  }
0x27b: {  	v2, _, _ =	vpop (xrf2)  }
0x27c: {  	s24 =	sadd.s32 $0x1, s24;
	v3, _, _ =	vpop (xrf2)  }
0x27d: {  	p0 =	sne.s32 s24, $0x3E;
	v2 =	vbroadcast v2, $0xF;
	v3 =	vbroadcast v3, $0xF;
	v62, _, _ =	vpop (xrf2)  }
.Ltmp2:
0x27e: {  	v4 =	vbroadcast v62, $0xF;
	v63, _, _ =	vpop (xrf2);
	(pc) =	sbr.rel @p0 .LBB2_2-.Ltmp2, $4  }
0x27f: {  	v2 =	vsel vm0, v3, v2;
	v3 =	vbroadcast v63, $0xF  }
0x280: {  	v2 =	vsel vm1, v2, v4  }
0x281: {  	v2 =	vsel vm2, v2, v3  }
0x282: {  	s23 =	sadd.s32 $0xA0, s23;
	s22 =	sadd.s32 $0xA0, s22;
	[tilespmem:v1+s18+$0x0] =	vst.idx.msk $0xf, v2  }
0x283: {  	_ =	swait.ge [sflag:s16], $0x2800  }
0x284: {  	[sflag:s16] =	ssyncset.done $0x0  }
0x285: {  	[sflag:s16] =	ssyncadd.s32 $0xFFFFD800  }
0x286: {  	_ =	swait.ge [sflag:s17], $0x2800  }
0x287: {  	[sflag:s17] =	ssyncset.done $0x0  }
0x288: {  	s24 =	simm.s32 $0x5100;
	[sflag:s17] =	ssyncadd.s32 $0xFFFFD800  }
0x289: {  	s22 =	simm.s32 $0xA100;
	v1 =	vld [tilespmem:s24+$0x60]  }
0x28a: {  	v2 =	vld [tilespmem:s22+$0x60]  }
0x28b: {  	v3 =	vld [tilespmem:s24+$0x70]  }
0x28c: {  	v4 =	vld [tilespmem:s22+$0x70]  }
0x28d: {  	v5 =	vld [tilespmem:s24+$0xE0]  }
0x28e: {  	v6 =	vld [tilespmem:s22+$0xE0]  }
0x28f: {  	v7 =	vld [tilespmem:s24+$0xF0]  }
0x290: {  	v8 =	vld [tilespmem:s22+$0xF0]  }
0x291: {  	v9 =	vld [tilespmem:s24+$0x40]  }
0x292: {  	v10 =	vld [tilespmem:s22+$0x40]  }
0x293: {  	v11 =	vld [tilespmem:s24+$0x50]  }
0x294: {  	v17 =	vld [tilespmem:s24+$0x1E0]  }
0x295: {  	v12 =	vld [tilespmem:s22+$0x50]  }
0x296: {  	v13 =	vld [tilespmem:s24+$0x160]  }
0x297: {  	v14 =	vld [tilespmem:s22+$0x160]  }
0x298: {  	v15 =	vld [tilespmem:s24+$0x170]  }
0x299: {  	v16 =	vld [tilespmem:s22+$0x170];
	[tilespmem:$0x1FD90] =	vst v17  }
0x29a: {  	v17 =	vld [tilespmem:s22+$0x1E0];
	_ =	sdelay $0x4  }
0x29b: {  	[tilespmem:$0x1FDA0] =	vst v17  }
0x29c: {  	v19 =	vld [tilespmem:s24+$0xC0]  }
0x29d: {  	v20 =	vld [tilespmem:s22+$0xC0]  }
0x29e: {  	v21 =	vld [tilespmem:s24+$0xD0]  }
0x29f: {  	v22 =	vld [tilespmem:s22+$0xD0]  }
0x2a0: {  	v23 =	vld [tilespmem:s24+$0x0]  }
0x2a1: {  	v24 =	vld [tilespmem:s22+$0x0]  }
0x2a2: {  	v25 =	vld [tilespmem:s24+$0x10]  }
0x2a3: {  	v26 =	vld [tilespmem:s22+$0x10]  }
0x2a4: {  	v27 =	vld [tilespmem:s24+$0x20]  }
0x2a5: {  	v28 =	vld [tilespmem:s22+$0x20]  }
0x2a6: {  	v29 =	vld [tilespmem:s24+$0x30]  }
0x2a7: {  	v30 =	vld [tilespmem:s22+$0x30]  }
0x2a8: {  	v31 =	vld [tilespmem:s24+$0x140]  }
0x2a9: {  	v32 =	vld [tilespmem:s22+$0x140]  }
0x2aa: {  	v33 =	vld [tilespmem:s24+$0x150]  }
0x2ab: {  	v34 =	vld [tilespmem:s22+$0x150]  }
0x2ac: {  	v35 =	vld [tilespmem:s24+$0x1C0]  }
0x2ad: {  	v36 =	vld [tilespmem:s22+$0x1C0]  }
0x2ae: {  	v37 =	vld [tilespmem:s24+$0x80]  }
0x2af: {  	v38 =	vld [tilespmem:s22+$0x80]  }
0x2b0: {  	v39 =	vld [tilespmem:s24+$0x90]  }
0x2b1: {  	v40 =	vld [tilespmem:s22+$0x90]  }
0x2b2: {  	v41 =	vld [tilespmem:s24+$0xA0]  }
0x2b3: {  	v42 =	vld [tilespmem:s22+$0xA0]  }
0x2b4: {  	v43 =	vld [tilespmem:s24+$0xB0]  }
0x2b5: {  	v44 =	vld [tilespmem:s22+$0xB0]  }
0x2b6: {  	v45 =	vld [tilespmem:s24+$0x100]  }
0x2b7: {  	v46 =	vld [tilespmem:s22+$0x100]  }
0x2b8: {  	v47 =	vld [tilespmem:s24+$0x110]  }
0x2b9: {  	v48 =	vld [tilespmem:s22+$0x110]  }
0x2ba: {  	v49 =	vld [tilespmem:s24+$0x120]  }
0x2bb: {  	v50 =	vld [tilespmem:s22+$0x120]  }
0x2bc: {  	v51 =	vld [tilespmem:s24+$0x130]  }
0x2bd: {  	v52 =	vld [tilespmem:s22+$0x130]  }
0x2be: {  	v53 =	vld [tilespmem:s24+$0x180]  }
0x2bf: {  	v54 =	vld [tilespmem:s22+$0x180]  }
0x2c0: {  	v55 =	vld [tilespmem:s24+$0x190]  }
0x2c1: {  	v56 =	vld [tilespmem:s24+$0x1A0]  }
0x2c2: {  	v57 =	vld [tilespmem:s22+$0x1A0]  }
0x2c3: {  	v58 =	vld [tilespmem:s22+$0x190]  }
0x2c4: {  	v59 =	vld [tilespmem:s24+$0x1B0]  }
0x2c5: {  	v18 =	vld [tilespmem:s24+$0xFFFFFF00]  }
0x2c6: {  	v60 =	vld [tilespmem:s22+$0x1B0]  }
0x2c7: {  	v61 =	vld [tilespmem:s24+$0x1D0]  }
0x2c8: {  	v62 =	vld [tilespmem:s22+$0x1D0]  }
0x2c9: {  	v63 =	vld [tilespmem:s24+$0x1F0]  }
0x2ca: {  	v17 =	vld [tilespmem:s22+$0x1F0];
	[tilespmem:$0x1FDB0] =	vst v18  }
0x2cb: {  	v18 =	vld [tilespmem:s22+$0xFFFFFF00];
	_ =	sdelay $0x4  }
0x2cc: {  	[tilespmem:$0x1FDC0] =	vst v18  }
0x2cd: {  	v18 =	vld [tilespmem:s24+$0xFFFFFF10];
	_ =	sdelay $0x4  }
0x2ce: {  	[tilespmem:$0x1FDD0] =	vst v18  }
0x2cf: {  	v18 =	vld [tilespmem:s22+$0xFFFFFF10];
	_ =	sdelay $0x4  }
0x2d0: {  	[tilespmem:$0x1FDE0] =	vst v18  }
0x2d1: {  	v18 =	vld [tilespmem:s24+$0xFFFFFF20];
	_ =	sdelay $0x4  }
0x2d2: {  	[tilespmem:$0x1FDF0] =	vst v18  }
0x2d3: {  	v18 =	vld [tilespmem:s22+$0xFFFFFF20];
	_ =	sdelay $0x4  }
0x2d4: {  	[tilespmem:$0x1FE00] =	vst v18  }
0x2d5: {  	v18 =	vld [tilespmem:s24+$0xFFFFFF30];
	_ =	sdelay $0x4  }
0x2d6: {  	[tilespmem:$0x1FE10] =	vst v18  }
0x2d7: {  	v18 =	vld [tilespmem:s22+$0xFFFFFF30];
	_ =	sdelay $0x4  }
0x2d8: {  	[tilespmem:$0x1FE20] =	vst v18  }
0x2d9: {  	v18 =	vld [tilespmem:s24+$0xFFFFFF80];
	_ =	sdelay $0x4  }
0x2da: {  	v1 =	vmul.f32 v2, v1;
	[tilespmem:$0x1FE30] =	vst v18  }
0x2db: {  	v2 =	vmul.f32 v4, v3;
	v4 =	vmul.f32 v6, v5;
	v18 =	vld [tilespmem:s22+$0xFFFFFF80]  }
0x2dc: {  	v5 =	vmul.f32 v8, v7;
	v7 =	vmul.f32 v10, v9  }
0x2dd: {  	v10 =	vmul.f32 v14, v13;
	v14 =	vmul.f32 v26, v25  }
0x2de: {  	v25 =	vmul.f32 v38, v37;
	v42 =	vmul.f32 v42, v41  }
0x2df: {  	v41 =	vmul.f32 v50, v49;
	v50 =	vld [tilespmem:$0x1FDA0]  }
0x2e0: {  	v8 =	vmul.f32 v12, v11;
	v25 =	vadd.f32 v42, v25;
	v42 =	vmul.f32 v52, v51;
	v51 =	vld [tilespmem:$0x1FDB0];
	[tilespmem:$0x1FE40] =	vst v18  }
0x2e1: {  	v11 =	vmul.f32 v16, v15;
	v13 =	vmul.f32 v24, v23;
	v18 =	vld [tilespmem:s24+$0xFFFFFF90]  }
0x2e2: {  	v16 =	vmul.f32 v28, v27;
	v46 =	vmul.f32 v46, v45;
	v52 =	vld [tilespmem:$0x1FDC0]  }
0x2e3: {  	v45 =	vmul.f32 v57, v56;
	v56 =	vld [tilespmem:$0x1FE00]  }
0x2e4: {  	v13 =	vadd.f32 v16, v13;
	v16 =	vadd.f32 v41, v46;
	v46 =	vmul.f32 v60, v59;
	v59 =	vld [tilespmem:$0x1FE20]  }
0x2e5: {  	v60 =	vld [tilespmem:$0x1FE30]  }
0x2e6: {  	v49 =	vmul.f32 v62, v61;
	v61 =	vld [tilespmem:$0x1FE40];
	[tilespmem:$0x1FE50] =	vst v18  }
0x2e7: {  	v3 =	vld [tilespmem:s22+$0xFFFFFF90]  }
0x2e8: {  	v6 =	vld [tilespmem:s24+$0xFFFFFFA0]  }
0x2e9: {  	v9 =	vld [tilespmem:s22+$0xFFFFFFA0]  }
0x2ea: {  	v12 =	vld [tilespmem:s24+$0xFFFFFFB0]  }
0x2eb: {  	v15 =	vld [tilespmem:s22+$0xFFFFFFB0]  }
0x2ec: {  	v24 =	vld [tilespmem:s24+$0xFFFFFE80]  }
0x2ed: {  	v27 =	vld [tilespmem:s22+$0xFFFFFE80]  }
0x2ee: {  	v18 =	vmul.f32 v30, v29;
	v30 =	vld [tilespmem:s24+$0xFFFFFE90]  }
0x2ef: {  	v26 =	vmul.f32 v40, v39;
	v39 =	vld [tilespmem:s22+$0xFFFFFE90]  }
0x2f0: {  	v23 =	vld [tilespmem:s24+$0xFFFFFEA0]  }
0x2f1: {  	v7 =	vadd.f32 v7, v13;
	v29 =	vld [tilespmem:s22+$0xFFFFFEA0]  }
0x2f2: {  	v19 =	vmul.f32 v20, v19;
	v13 =	vld [tilespmem:s24+$0xFFFFFEB0]  }
0x2f3: {  	v44 =	vmul.f32 v44, v43;
	v48 =	vmul.f32 v48, v47;
	v1 =	vadd.f32 v1, v7;
	v7 =	vld [tilespmem:s22+$0xFFFFFE00]  }
0x2f4: {  	v19 =	vadd.f32 v19, v25;
	v25 =	vld [tilespmem:s24+$0xFFFFFE10];
	v14 =	vadd.f32 v18, v14  }
0x2f5: {  	v47 =	vmul.f32 v34, v33;
	v26 =	vadd.f32 v44, v26;
	v43 =	vadd.f32 v42, v48;
	v28 =	vld [tilespmem:s24+$0xFFFFFE20]  }
0x2f6: {  	v44 =	vmul.f32 v32, v31;
	v32 =	vld [tilespmem:s24+$0xFFFFFE30];
	v8 =	vadd.f32 v8, v14;
	v14 =	vmul.f32 v22, v21  }
0x2f7: {  	v20 =	vadd.f32 v47, v43;
	v31 =	vld [tilespmem:s22+$0xFFFFFE30]  }
0x2f8: {  	v4 =	vadd.f32 v4, v19;
	v19 =	vld [tilespmem:s24+$0xFFFFFF40];
	v14 =	vadd.f32 v14, v26  }
0x2f9: {  	v11 =	vadd.f32 v11, v20;
	v20 =	vld [tilespmem:s22+$0xFFFFFEC0]  }
0x2fa: {  	v34 =	vld [tilespmem:s22+$0xFFFFFED0];
	v5 =	vadd.f32 v5, v14  }
0x2fb: {  	v38 =	vld [tilespmem:s24+$0xFFFFFE40];
	v2 =	vadd.f32 v2, v8  }
0x2fc: {  	v4 =	vadd.f32 v5, v4;
	v5 =	vld [tilespmem:$0x1FD90]  }
0x2fd: {  	v47 =	vld [tilespmem:s22+$0xFFFFFE50];
	v8 =	vmul.f32 v54, v53;
	v1 =	vadd.f32 v2, v1;
	v2 =	vmul.f32 v58, v55  }
0x2fe: {  	v33 =	vmul.f32 v52, v51;
	v52 =	vld [tilespmem:s24+$0xFFFFFF70]  }
0x2ff: {  	v48 =	vmul.f32 v36, v35;
	v21 =	vld [tilespmem:s22+$0xFFFFFEB0];
	v8 =	vadd.f32 v45, v8;
	v2 =	vadd.f32 v46, v2  }
0x300: {  	v17 =	vmul.f32 v17, v63;
	v22 =	vld [tilespmem:s24+$0xFFFFFED0];
	v14 =	vadd.f32 v44, v16  }
0x301: {  	v26 =	vld [tilespmem:s22+$0xFFFFFE10];
	v8 =	vadd.f32 v48, v8;
	v2 =	vadd.f32 v49, v2;
	v5 =	vmul.f32 v50, v5  }
0x302: {  	v53 =	vld [tilespmem:$0x1FDD0];
	v10 =	vadd.f32 v10, v14  }
0x303: {  	v54 =	vld [tilespmem:$0x1FDE0];
	v2 =	vadd.f32 v17, v2;
	v5 =	vadd.f32 v5, v8  }
0x304: {  	v6 =	vmul.f32 v9, v6;
	v9 =	vld [tilespmem:s22+$0xFFFFFE40];
	(xrf2) =	vadd.scan.msk.f32 $0xffff, v1;
	v1 =	vadd.f32 v11, v10  }
0x305: {  	v16 =	vld [tilespmem:s22+$0xFFFFFE20];
	(xrf2) =	vadd.scan.msk.f32 $0xffff, v4;
	v2 =	vadd.f32 v2, v5  }
0x306: {  	v55 =	vld [tilespmem:$0x1FDF0];
	(xrf2) =	vadd.scan.msk.f32 $0xffff, v1  }
0x307: {  	v58 =	vld [tilespmem:$0x1FE10];
	(xrf2) =	vadd.scan.msk.f32 $0xffff, v2  }
0x308: {  	v45 =	vld [tilespmem:s24+$0xFFFFFE50]  }
0x309: {  	v14 =	vld [tilespmem:s22+$0xFFFFFF40]  }
0x30a: {  	v46 =	vld [tilespmem:$0x1FE50]  }
0x30b: {  	v10 =	vld [tilespmem:s22+$0xFFFFFF50]  }
0x30c: {  	v4 =	vld [tilespmem:s24+$0xFFFFFFC0]  }
0x30d: {  	v40 =	vmul.f32 v61, v60;
	v11 =	vld [tilespmem:s24+$0xFFFFFE00]  }
0x30e: {  	v12 =	vmul.f32 v15, v12;
	v24 =	vmul.f32 v27, v24;
	v49 =	vld [tilespmem:s24+$0xFFFFFF60];
	v57, _, _ =	vpop (xrf2)  }
0x30f: {  	s23 =	simm.s32 $0x26C4;
	v23 =	vmul.f32 v29, v23;
	v30 =	vmul.f32 v39, v30;
	v6 =	vadd.f32 v6, v40;
	v1 =	vld [tilespmem:s22+$0xFFFFFFC0];
	v62, _, _ =	vpop (xrf2)  }
0x310: {  	v13 =	vmul.f32 v21, v13;
	v48 =	vadd.s32 s23, v0;
	v35 =	vmul.f32 v56, v55;
	v17 =	vld [tilespmem:s24+$0xFFFFFEC0];
	v63, _, _ =	vpop (xrf2)  }
0x311: {  	v18 =	vmul.f32 v54, v53;
	v53 =	vadd.f32 v23, v24;
	v3 =	vmul.f32 v3, v46;
	v8 =	vld [tilespmem:s24+$0xFFFFFF50];
	v15, _, _ =	vpop (xrf2)  }
0x312: {  	v33 =	vadd.f32 v35, v33;
	v5 =	vld [tilespmem:s22+$0xFFFFFFD0];
	v35 =	vbroadcast v63, $0xF;
	v15 =	vbroadcast v15, $0xF  }
0x313: {  	v54 =	vmul.f32 v26, v25;
	v3 =	vadd.f32 v12, v3;
	v2 =	vld [tilespmem:s24+$0xFFFFFFD0];
	v12 =	vbroadcast v62, $0xF  }
0x314: {  	v13 =	vadd.f32 v13, v30;
	v37 =	vmul.f32 v59, v58;
	v50 =	vld [tilespmem:s22+$0xFFFFFF60];
	v15 =	vsel vm0, v15, v35  }
0x315: {  	v55 =	vmul.f32 v31, v32;
	v14 =	vmul.f32 v14, v19;
	v12 =	vsel vm1, v15, v12;
	v15 =	vld [tilespmem:s22+$0xFFFFFF70]  }
0x316: {  	v56 =	vld [tilespmem:s24+$0xFFFFFFE0];
	v16 =	vmul.f32 v16, v28;
	v18 =	vadd.f32 v37, v18;
	v1 =	vmul.f32 v1, v4  }
0x317: {  	v14 =	vadd.f32 v14, v33;
	v4 =	vld [tilespmem:s24+$0xFFFFFFF0];
	v51 =	vbroadcast v57, $0xF;
	v8 =	vmul.f32 v10, v8  }
0x318: {  	v57 =	vadd.f32 v55, v54;
	v58 =	vadd.f32 v1, v6;
	v10 =	vld [tilespmem:s22+$0xFFFFFFE0];
	v2 =	vmul.f32 v5, v2  }
0x319: {  	v1 =	vmul.f32 v7, v11;
	v6 =	vmul.f32 v20, v17;
	v8 =	vadd.f32 v8, v18;
	v5 =	vld [tilespmem:s22+$0xFFFFFFF0]  }
0x31a: {  	v59 =	vld [tilespmem:s24+$0xFFFFFEE0];
	v60 =	vadd.f32 v2, v3;
	v3 =	vmul.f32 v50, v49;
	v7 =	vmul.f32 v15, v52  }
0x31b: {  	v11 =	vadd.f32 v16, v1;
	v1 =	vmul.f32 v34, v22;
	v2 =	vadd.f32 v6, v53;
	v15 =	vld [tilespmem:s22+$0xFFFFFEE0]  }
0x31c: {  	v9 =	vmul.f32 v9, v38;
	v6 =	vld [tilespmem:s24+$0xFFFFFEF0];
	v14 =	vadd.f32 v3, v14;
	v61 =	vadd.f32 v7, v8  }
0x31d: {  	v62 =	vmul.f32 v10, v56;
	v3 =	vadd.f32 v1, v13;
	v13 =	vmul.f32 v47, v45;
	v8 =	vld [tilespmem:s22+$0xFFFFFEF0]  }
0x31e: {  	v10 =	vld [tilespmem:s22+$0xFFFFFE60];
	v63 =	vmul.f32 v5, v4;
	v5 =	vadd.f32 v9, v11;
	v16 =	vadd.f32 v61, v14  }
0x31f: {  	v11 =	vadd.f32 v62, v58;
	v4 =	vadd.f32 v13, v57;
	v7 =	vld [tilespmem:s24+$0xFFFFFE60]  }
0x320: {  	s23 =	simm.s32 $0x26C0;
	v9 =	vld [tilespmem:s24+$0xFFFFFE70];
	v13 =	vadd.f32 v63, v60;
	v12 =	vsel vm2, v12, v51;
	v14 =	vmul.f32 v15, v59;
	(xrf2) =	vadd.scan.msk.f32 $0xffff, v16  }
0x321: {  	s25 =	simm.s32 $0x5500;
	v1 =	vadd.s32 s23, v0;
	[tilespmem:v48+s18+$0x0] =	vst.idx.msk $0xf, v12;
	v12 =	vld [tilespmem:s22+$0xFFFFFE70];
	s24 =	simm.s32 $0x0  }
.LBB2_8:
0x322: {  	v15 =	vld [tilespmem:s25+$0x60];
	v2 =	vadd.f32 v14, v2;
	v6 =	vmul.f32 v8, v6;
	v8 =	vadd.f32 v13, v11;
	s22 =	sadd.s32 $0x400, s22  }
0x323: {  	v11 =	vld [tilespmem:s22+$0x60]  }
0x324: {  	v13 =	vld [tilespmem:s25+$0x70];
	v7 =	vmul.f32 v10, v7;
	v3 =	vadd.f32 v6, v3;
	(xrf2) =	vadd.scan.msk.f32 $0xffff, v8  }
0x325: {  	v6 =	vld [tilespmem:s22+$0x70]  }
0x326: {  	v8 =	vld [tilespmem:s25+$0xE0];
	v5 =	vadd.f32 v7, v5;
	v7 =	vmul.f32 v12, v9;
	v2 =	vadd.f32 v3, v2  }
0x327: {  	v9 =	vld [tilespmem:s22+$0xE0]  }
0x328: {  	v10 =	vld [tilespmem:s25+$0xF0];
	v12 =	vadd.f32 v7, v4;
	(xrf2) =	vadd.scan.msk.f32 $0xffff, v2  }
0x329: {  	v4 =	vld [tilespmem:s22+$0xF0]  }
0x32a: {  	v7 =	vld [tilespmem:s25+$0x40];
	v2 =	vadd.f32 v12, v5;
	v3, _, _ =	vpop (xrf2)  }
0x32b: {  	v5 =	vld [tilespmem:s22+$0x40];
	v3 =	vbroadcast v3, $0xF  }
0x32c: {  	v12 =	vld [tilespmem:s25+$0x50];
	(xrf2) =	vadd.scan.msk.f32 $0xffff, v2  }
0x32d: {  	v14 =	vld [tilespmem:s22+$0x50]  }
0x32e: {  	v16 =	vld [tilespmem:s25+$0x160];
	v2, _, _ =	vpop (xrf2)  }
0x32f: {  	v17 =	vld [tilespmem:s22+$0x160];
	v2 =	vbroadcast v2, $0xF  }
0x330: {  	v18 =	vld [tilespmem:s25+$0x170]  }
0x331: {  	v19 =	vld [tilespmem:s22+$0x170];
	v20 =	vsel vm0, v2, v3  }
0x332: {  	v2 =	vld [tilespmem:s25+$0x1E0];
	v21, _, _ =	vpop (xrf2)  }
0x333: {  	v3 =	vld [tilespmem:s22+$0x1E0];
	v21 =	vbroadcast v21, $0xF  }
0x334: {  	v22 =	vld [tilespmem:s25+$0xC0]  }
0x335: {  	v23 =	vld [tilespmem:s22+$0xC0];
	v20 =	vsel vm1, v20, v21  }
0x336: {  	v21 =	vld [tilespmem:s25+$0xD0];
	v24, _, _ =	vpop (xrf2)  }
0x337: {  	v25 =	vld [tilespmem:s22+$0xD0];
	v24 =	vbroadcast v24, $0xF  }
0x338: {  	v26 =	vld [tilespmem:s25+$0x0]  }
0x339: {  	v27 =	vld [tilespmem:s22+$0x0];
	v20 =	vsel vm2, v20, v24  }
0x33a: {  	v24 =	vld [tilespmem:s25+$0x10];
	[tilespmem:v1+s18+$0x0] =	vst.idx.msk $0xf, v20  }
0x33b: {  	v1 =	vld [tilespmem:s22+$0x10]  }
0x33c: {  	v20 =	vld [tilespmem:s25+$0x20]  }
0x33d: {  	v28 =	vld [tilespmem:s22+$0x20]  }
0x33e: {  	v29 =	vld [tilespmem:s25+$0x30]  }
0x33f: {  	v30 =	vld [tilespmem:s22+$0x30]  }
0x340: {  	v31 =	vld [tilespmem:s25+$0x140]  }
0x341: {  	v32 =	vld [tilespmem:s22+$0x140]  }
0x342: {  	v33 =	vld [tilespmem:s25+$0x150]  }
0x343: {  	v34 =	vld [tilespmem:s22+$0x150]  }
0x344: {  	v35 =	vld [tilespmem:s25+$0x1C0]  }
0x345: {  	v36 =	vld [tilespmem:s22+$0x1C0]  }
0x346: {  	v37 =	vld [tilespmem:s25+$0x80]  }
0x347: {  	v38 =	vld [tilespmem:s22+$0x80]  }
0x348: {  	v39 =	vld [tilespmem:s25+$0x90]  }
0x349: {  	v40 =	vld [tilespmem:s22+$0x90]  }
0x34a: {  	v41 =	vld [tilespmem:s25+$0xA0]  }
0x34b: {  	v42 =	vld [tilespmem:s22+$0xA0]  }
0x34c: {  	v43 =	vld [tilespmem:s25+$0xB0]  }
0x34d: {  	v44 =	vld [tilespmem:s22+$0xB0]  }
0x34e: {  	v45 =	vld [tilespmem:s25+$0x100]  }
0x34f: {  	v46 =	vld [tilespmem:s22+$0x100]  }
0x350: {  	v47 =	vld [tilespmem:s25+$0x110]  }
0x351: {  	v11 =	vmul.f32 v11, v15;
	v6 =	vmul.f32 v6, v13;
	v13 =	vld [tilespmem:s22+$0x110]  }
0x352: {  	v8 =	vmul.f32 v9, v8;
	v4 =	vmul.f32 v4, v10;
	v9 =	vld [tilespmem:s25+$0x120]  }
0x353: {  	v5 =	vmul.f32 v5, v7;
	v7 =	vmul.f32 v14, v12;
	v10 =	vld [tilespmem:s22+$0x120]  }
0x354: {  	v14 =	vmul.f32 v17, v16;
	v15 =	vmul.f32 v19, v18;
	v12 =	vld [tilespmem:s25+$0x130]  }
0x355: {  	v16 =	vmul.f32 v23, v22;
	v17 =	vmul.f32 v25, v21;
	v18 =	vld [tilespmem:s22+$0x130]  }
0x356: {  	v19 =	vmul.f32 v27, v26;
	v1 =	vmul.f32 v1, v24;
	v21 =	vld [tilespmem:s25+$0x180]  }
0x357: {  	v20 =	vmul.f32 v28, v20;
	v22 =	vmul.f32 v30, v29;
	v23 =	vld [tilespmem:s22+$0x180]  }
0x358: {  	v24 =	vmul.f32 v38, v37;
	v25 =	vmul.f32 v40, v39;
	v26 =	vld [tilespmem:s25+$0x190]  }
0x359: {  	v27 =	vmul.f32 v42, v41;
	v28 =	vmul.f32 v44, v43;
	v29 =	vld [tilespmem:s25+$0x1A0]  }
0x35a: {  	v30 =	vmul.f32 v46, v45;
	v13 =	vmul.f32 v13, v47;
	v37 =	vld [tilespmem:s22+$0x1A0]  }
0x35b: {  	v19 =	vadd.f32 v20, v19;
	v1 =	vadd.f32 v22, v1;
	v9 =	vmul.f32 v10, v9;
	v10 =	vld [tilespmem:s22+$0x190]  }
0x35c: {  	v20 =	vadd.f32 v27, v24;
	v22 =	vadd.f32 v28, v25;
	v12 =	vmul.f32 v18, v12;
	v18 =	vld [tilespmem:s25+$0x1B0]  }
0x35d: {  	s24 =	sadd.s32 $0x2, s24;
	v5 =	vadd.f32 v5, v19;
	v1 =	vadd.f32 v7, v1;
	v7 =	vmul.f32 v32, v31;
	v19 =	vld [tilespmem:s22+$0x1B0]  }
0x35e: {  	p0 =	slt.u32 s24, $0x12;
	v9 =	vadd.f32 v9, v30;
	v12 =	vadd.f32 v12, v13;
	v13 =	vmul.f32 v23, v21;
	v21 =	vld [tilespmem:s25+$0x1D0]  }
0x35f: {  	v5 =	vadd.f32 v11, v5;
	v1 =	vadd.f32 v6, v1;
	v6 =	vmul.f32 v37, v29;
	v11 =	vld [tilespmem:s22+$0x1D0]  }
0x360: {  	v16 =	vadd.f32 v16, v20;
	v20 =	vmul.f32 v34, v33;
	v17 =	vadd.f32 v17, v22;
	v22 =	vld [tilespmem:s25+$0x1F0]  }
0x361: {  	v1 =	vadd.f32 v1, v5;
	v5 =	vmul.f32 v10, v26;
	v6 =	vadd.f32 v6, v13;
	v10 =	vld [tilespmem:s22+$0x1F0]  }
0x362: {  	v8 =	vadd.f32 v8, v16;
	v4 =	vadd.f32 v4, v17;
	v13 =	vld [tilespmem:s25+$0xFFFFFF00];
	v16 =	vmul.f32 v19, v18  }
0x363: {  	v7 =	vadd.f32 v7, v9;
	v9 =	vadd.f32 v20, v12;
	v12 =	vmul.f32 v36, v35;
	v17 =	vld [tilespmem:s22+$0xFFFFFF00];
	(xrf2) =	vadd.scan.msk.f32 $0xffff, v1  }
0x364: {  	v4 =	vadd.f32 v4, v8;
	v1 =	vld [tilespmem:s25+$0xFFFFFF10];
	v5 =	vadd.f32 v16, v5;
	v8 =	vmul.f32 v11, v21  }
0x365: {  	v2 =	vmul.f32 v3, v2;
	v7 =	vadd.f32 v14, v7;
	v9 =	vadd.f32 v15, v9;
	v11 =	vld [tilespmem:s22+$0xFFFFFF10]  }
0x366: {  	v6 =	vadd.f32 v12, v6;
	v3 =	vld [tilespmem:s25+$0xFFFFFF20];
	v5 =	vadd.f32 v8, v5;
	v8 =	vmul.f32 v10, v22;
	(xrf2) =	vadd.scan.msk.f32 $0xffff, v4  }
0x367: {  	v7 =	vadd.f32 v9, v7;
	v4 =	vld [tilespmem:s22+$0xFFFFFF20]  }
0x368: {  	v2 =	vadd.f32 v2, v6;
	v9 =	vmul.f32 v17, v13;
	v10 =	vld [tilespmem:s25+$0xFFFFFF30];
	v5 =	vadd.f32 v8, v5  }
0x369: {  	v6 =	vld [tilespmem:s22+$0xFFFFFF30];
	(xrf2) =	vadd.scan.msk.f32 $0xffff, v7  }
0x36a: {  	v1 =	vmul.f32 v11, v1;
	v7 =	vld [tilespmem:s25+$0xFFFFFF80];
	v2 =	vadd.f32 v5, v2  }
0x36b: {  	v5 =	vld [tilespmem:s22+$0xFFFFFF80]  }
0x36c: {  	v3 =	vmul.f32 v4, v3;
	v4 =	vld [tilespmem:s25+$0xFFFFFF90];
	(xrf2) =	vadd.scan.msk.f32 $0xffff, v2  }
0x36d: {  	v2 =	vld [tilespmem:s22+$0xFFFFFF90];
	v8, _, _ =	vpop (xrf2)  }
0x36e: {  	v3 =	vadd.f32 v3, v9;
	v6 =	vmul.f32 v6, v10;
	v9 =	vld [tilespmem:s25+$0xFFFFFFA0]  }
0x36f: {  	v10 =	vld [tilespmem:s22+$0xFFFFFFA0]  }
0x370: {  	v6 =	vadd.f32 v6, v1;
	v1 =	vmul.f32 v5, v7;
	v5 =	vld [tilespmem:s25+$0xFFFFFFB0];
	v7, _, _ =	vpop (xrf2)  }
0x371: {  	v11 =	vld [tilespmem:s22+$0xFFFFFFB0]  }
0x372: {  	v12 =	vld [tilespmem:s25+$0xFFFFFE80];
	v2 =	vmul.f32 v2, v4  }
0x373: {  	v4 =	vld [tilespmem:s22+$0xFFFFFE80];
	v13, _, _ =	vpop (xrf2)  }
0x374: {  	v14 =	vld [tilespmem:s25+$0xFFFFFE90];
	v9 =	vmul.f32 v10, v9  }
0x375: {  	s23 =	sadd.s32 $0x8, s23;
	v10 =	vld [tilespmem:s22+$0xFFFFFE90]  }
0x376: {  	s26 =	sadd.s32 $0x4, s23;
	v15 =	vld [tilespmem:s25+$0xFFFFFEA0];
	v9 =	vadd.f32 v9, v1;
	v5 =	vmul.f32 v11, v5;
	v1 =	vadd.s32 s23, v0;
	v11, _, _ =	vpop (xrf2)  }
0x377: {  	v17 =	vadd.s32 s26, v0;
	v13 =	vbroadcast v13, $0xF;
	v16 =	vld [tilespmem:s22+$0xFFFFFEA0];
	v11 =	vbroadcast v11, $0xF  }
0x378: {  	v4 =	vmul.f32 v4, v12;
	v12 =	vld [tilespmem:s25+$0xFFFFFEB0];
	v2 =	vadd.f32 v5, v2;
	v5 =	vbroadcast v7, $0xF  }
0x379: {  	v8 =	vbroadcast v8, $0xF;
	v7 =	vld [tilespmem:s22+$0xFFFFFEB0];
	v11 =	vsel vm0, v11, v13  }
0x37a: {  	v13 =	vld [tilespmem:s22+$0xFFFFFE00];
	v10 =	vmul.f32 v10, v14;
	v5 =	vsel vm1, v11, v5  }
0x37b: {  	v11 =	vld [tilespmem:s25+$0xFFFFFE10];
	v5 =	vsel vm2, v5, v8  }
0x37c: {  	v8 =	vld [tilespmem:s22+$0xFFFFFE10];
	v14 =	vmul.f32 v16, v15;
	[tilespmem:v17+s18+$0x0] =	vst.idx.msk $0xf, v5  }
0x37d: {  	v5 =	vld [tilespmem:s25+$0xFFFFFE20]  }
0x37e: {  	v15 =	vld [tilespmem:s22+$0xFFFFFE20];
	v4 =	vadd.f32 v14, v4;
	v7 =	vmul.f32 v7, v12  }
0x37f: {  	v12 =	vld [tilespmem:s25+$0xFFFFFE30]  }
0x380: {  	v14 =	vld [tilespmem:s22+$0xFFFFFE30];
	v7 =	vadd.f32 v7, v10  }
0x381: {  	v8 =	vmul.f32 v8, v11;
	v10 =	vld [tilespmem:s25+$0xFFFFFF40]  }
0x382: {  	v11 =	vld [tilespmem:s22+$0xFFFFFF40]  }
0x383: {  	v5 =	vmul.f32 v15, v5;
	v15 =	vld [tilespmem:s25+$0xFFFFFF50]  }
0x384: {  	v16 =	vld [tilespmem:s22+$0xFFFFFF50]  }
0x385: {  	v12 =	vmul.f32 v14, v12;
	v14 =	vld [tilespmem:s25+$0xFFFFFFC0]  }
0x386: {  	v17 =	vld [tilespmem:s22+$0xFFFFFFC0]  }
0x387: {  	v8 =	vadd.f32 v12, v8;
	v10 =	vmul.f32 v11, v10;
	v11 =	vld [tilespmem:s25+$0xFFFFFFD0]  }
0x388: {  	v12 =	vld [tilespmem:s22+$0xFFFFFFD0]  }
0x389: {  	v18 =	vld [tilespmem:s25+$0xFFFFFE00];
	v10 =	vadd.f32 v10, v3;
	v3 =	vmul.f32 v16, v15  }
0x38a: {  	v15 =	vld [tilespmem:s25+$0xFFFFFEC0]  }
0x38b: {  	v16 =	vld [tilespmem:s22+$0xFFFFFEC0];
	v19 =	vadd.f32 v3, v6;
	v3 =	vmul.f32 v17, v14  }
0x38c: {  	v6 =	vld [tilespmem:s25+$0xFFFFFED0]  }
0x38d: {  	v14 =	vld [tilespmem:s22+$0xFFFFFED0];
	v9 =	vadd.f32 v3, v9;
	v3 =	vmul.f32 v12, v11  }
0x38e: {  	v11 =	vmul.f32 v13, v18;
	v12 =	vld [tilespmem:s25+$0xFFFFFE40]  }
0x38f: {  	v13 =	vld [tilespmem:s22+$0xFFFFFE40];
	v17 =	vadd.f32 v3, v2  }
0x390: {  	v5 =	vadd.f32 v5, v11;
	v11 =	vld [tilespmem:s25+$0xFFFFFE50];
	v2 =	vmul.f32 v16, v15  }
0x391: {  	v15 =	vld [tilespmem:s22+$0xFFFFFE50]  }
0x392: {  	v2 =	vadd.f32 v2, v4;
	v3 =	vmul.f32 v14, v6;
	v6 =	vld [tilespmem:s25+$0xFFFFFF60]  }
0x393: {  	v14 =	vld [tilespmem:s22+$0xFFFFFF60]  }
0x394: {  	v4 =	vmul.f32 v13, v12;
	v3 =	vadd.f32 v3, v7;
	v7 =	vld [tilespmem:s25+$0xFFFFFF70]  }
0x395: {  	v12 =	vld [tilespmem:s22+$0xFFFFFF70]  }
0x396: {  	v5 =	vadd.f32 v4, v5;
	v4 =	vmul.f32 v15, v11;
	v11 =	vld [tilespmem:s25+$0xFFFFFFE0]  }
0x397: {  	v13 =	vld [tilespmem:s22+$0xFFFFFFE0]  }
0x398: {  	v4 =	vadd.f32 v4, v8;
	v6 =	vmul.f32 v14, v6;
	v14 =	vld [tilespmem:s25+$0xFFFFFFF0]  }
0x399: {  	v15 =	vld [tilespmem:s22+$0xFFFFFFF0]  }
0x39a: {  	v16 =	vld [tilespmem:s25+$0xFFFFFEE0];
	v10 =	vadd.f32 v6, v10;
	v7 =	vmul.f32 v12, v7  }
0x39b: {  	v12 =	vld [tilespmem:s22+$0xFFFFFEE0]  }
0x39c: {  	v6 =	vld [tilespmem:s25+$0xFFFFFEF0];
	v18 =	vadd.f32 v7, v19;
	v11 =	vmul.f32 v13, v11  }
.Ltmp3:
0x39d: {  	v8 =	vld [tilespmem:s22+$0xFFFFFEF0];
	(pc) =	sbr.rel @p0 .LBB2_8-.Ltmp3, $4  }
0x39e: {  	v7 =	vld [tilespmem:s25+$0xFFFFFE60];
	v18 =	vadd.f32 v18, v10;
	v11 =	vadd.f32 v11, v9;
	v13 =	vmul.f32 v15, v14  }
0x39f: {  	v10 =	vld [tilespmem:s22+$0xFFFFFE60]  }
0x3a0: {  	v9 =	vld [tilespmem:s25+$0xFFFFFE70];
	v14 =	vmul.f32 v12, v16;
	v13 =	vadd.f32 v13, v17;
	(xrf2) =	vadd.scan.msk.f32 $0xffff, v18  }
0x3a1: {  	s25 =	sadd.s32 $0x400, s25;
	v12 =	vld [tilespmem:s22+$0xFFFFFE70]  }
0x3a2: {  	_ =	sdelay $0x2  }
0x3a3: {  	v6 =	vmul.f32 v8, v6  }
0x3a4: {  	v2 =	vadd.f32 v14, v2;
	v7 =	vmul.f32 v10, v7;
	v60 =	vmul.f32 v12, v9  }
0x3a5: {  	v61 =	vadd.f32 v13, v11;
	v3 =	vadd.f32 v6, v3  }
0x3a6: {  	v5 =	vadd.f32 v7, v5;
	v4 =	vadd.f32 v60, v4  }
0x3a7: {  	v2 =	vadd.f32 v3, v2  }
0x3a8: {  	(xrf2) =	vadd.scan.msk.f32 $0xffff, v61;
	v3 =	vadd.f32 v4, v5  }
0x3a9: {  	(xrf2) =	vadd.scan.msk.f32 $0xffff, v2  }
0x3aa: {  	(xrf2) =	vadd.scan.msk.f32 $0xffff, v3;
	_ =	sdelay $0x6  }
0x3ab: {  	v2, _, _ =	vpop (xrf2)  }
0x3ac: {  	v3, _, _ =	vpop (xrf2)  }
0x3ad: {  	v2 =	vbroadcast v2, $0xF;
	v3 =	vbroadcast v3, $0xF;
	v62, _, _ =	vpop (xrf2)  }
0x3ae: {  	v4 =	vbroadcast v62, $0xF;
	v63, _, _ =	vpop (xrf2)  }
0x3af: {  	v2 =	vsel vm0, v3, v2;
	v3 =	vbroadcast v63, $0xF  }
0x3b0: {  	s21 =	sadd.s32 $0x1, s21;
	v2 =	vsel vm1, v2, v4  }
0x3b1: {  	p0 =	sne.s32 s21, s8;
	v2 =	vsel vm2, v2, v3  }
.Ltmp4:
0x3b2: {  	[tilespmem:v1+s18+$0x0] =	vst.idx.msk $0xf, v2;
	(pc) =	sbr.rel @p0 .LBB2_1-.Ltmp4, $4  }
0x3b3: {  	[hbm4b:s7+s3] =	stream.linear.scatter [tilespmem:s18], [sflag:$0x5], $0x2710, $0x38;
	[tilespmem:$0x11680] =	vst v63  }
0x3b4: {  	_ =	swait.ge [sflag:s9], $0x2710  }
0x3b5: {  	[sflag:s9] =	ssyncset.done $0x0  }
0x3b6: {  	[sflag:s9] =	ssyncadd.s32 $0xFFFFD8F0  }
0x3b7: {  	_ =	sfence.sel $0x180000  }
0x3b8: {  	[bflag:$0x0] =	sbarrier.arrive $0xFFFF  }
0x3b9: {  	p0 =	sne.s32 s0, $0x0;
	_ =	strace $0x90000047  }
0x3ba: {  	s0 =	sadd.s32 @!p0 $0x100000, s2;
	[bflag:$0x2] =	sbarrier.arrive $0xFFFF  }
0x3bb: {  	[sflag:s0] =	ssyncadd.tile.s32 @!p0 $0x1;
	_ =	shalt  }
.Lfunc_end2:
_tile_overlayer_lowered:
.L_overlay_start_2:
0x3bc: {  	(tag) =	ssettag $0x2  }
0x3bd: {  	s0 =	rddreg [dreg:$0x0];
	s2 =	stileid.u32  }
0x3be: {  	s1 =	rddreg [dreg:$0x1];
	p0 =	sne.s32 s2, $0x0  }
0x3bf: {  	s3 =	rddreg [dreg:$0x2];
	[bflag:$0x3] =	sbarrier.arrive $0xFFFF;
	s2 =	simm.s32 @!p0 $0x1C05  }
0x3c0: {  	[timem:s3], [sflag:s2] =	dma.local @!p0 [hbm:s0], s1  }
0x3c1: {  	s0 =	simm.s32 @!p0 $0x5  }
0x3c2: {  	_ =	swait.ge @!p0 [sflag:s0], s1  }
0x3c3: {  	s1 =	ssub.s32 @!p0 $0x0, s1;
	[sflag:s0] =	ssyncset.done @!p0 $0x0  }
0x3c4: {  	[sflag:s0] =	ssyncadd.s32 @!p0 s1  }
0x3c5: {  	[bflag:$0x3] =	sbarrier.arrive $0xFFFF  }
0x3c6: {  	_ =	shalt  }

</sc_bundles>
